<compile_context>
chip_gen: v7x
topology: tpu7x:2x2x1
jax: 0.10.2.dev20260603
libtpu: 0.0.44.dev20260713+nightly
codegen_flags: <defaults>
</compile_context>

<pallas_src>
import functools

import jax
import jax.numpy as jnp
from jax import lax
from jax.experimental import pallas as pl
from jax.experimental.pallas import tpu as pltpu
from jax.experimental.pallas import tpu_sc as plsc

LANES = 16
CHUNK = 128
NBUF = 4
DEPTH = 3
IBUF = 8


def _sc_geometry():
    try:
        info = plsc.get_sparse_core_info()
        return info.num_cores, info.num_subcores
    except Exception:
        return 2, 16


@functools.lru_cache(maxsize=None)
def _build(V, D, S, N, NC, NS):
    NW = NC * NS
    DP = 2 * D
    rows_per_w = N // NW
    n_chunks = rows_per_w // CHUNK
    assert n_chunks % IBUF == 0 and IBUF % NBUF == 0
    mesh = plsc.VectorSubcoreMesh(core_axis_name="c", subcore_axis_name="s")

    @functools.partial(
        pl.kernel,
        mesh=mesh,
        out_type=jax.ShapeDtypeStruct((N, D), jnp.float32),
        scratch_types=(
            [pltpu.VMEM((S, DP), jnp.float32)]
            + [pltpu.VMEM((CHUNK, DP), jnp.float32)] * NBUF
            + [pltpu.VMEM((CHUNK, D), jnp.float32)] * 2
            + [pltpu.VMEM((CHUNK,), jnp.int32)] * IBUF
            + [pltpu.SemaphoreType.DMA] * (2 * NBUF + IBUF)
        ),
    )
    def k(idx_hbm, table_hbm, pos_hbm, out_hbm, pos_v, *ring):
        rows = ring[:NBUF]
        narrow = ring[NBUF:NBUF + 2]
        idxb = ring[NBUF + 2:NBUF + 2 + IBUF]
        sems = ring[NBUF + 2 + IBUF:]
        gsem = sems[:NBUF]
        osem = sems[NBUF:2 * NBUF]
        isem = sems[2 * NBUF:]
        wid = lax.axis_index("s") * NC + lax.axis_index("c")
        base = wid * rows_per_w
        pltpu.sync_copy(pos_hbm, pos_v)

        def idx_copy(c, i):
            return pltpu.make_async_copy(
                idx_hbm.at[pl.ds(base + c * CHUNK, CHUNK)],
                idxb[i], isem[i])

        def gather(c, i, b):
            del c
            return pltpu.make_async_copy(
                table_hbm.at[idxb[i]], rows[b], gsem[b])

        def out_copy(c, b):
            return pltpu.make_async_copy(
                narrow[b % 2],
                out_hbm.at[pl.ds(base + c * CHUNK, CHUNK)], osem[b])

        for c in range(DEPTH):
            pltpu.sync_copy(idx_hbm.at[pl.ds(base + c * CHUNK, CHUNK)],
                            idxb[c % IBUF])
            gather(c, c % IBUF, c).start()
        for c in range(DEPTH, IBUF):
            if c < n_chunks:
                idx_copy(c, c % IBUF).start()

        def ring_body(q, carry):
            for u in range(IBUF):
                c = q * IBUF + u
                b = u % NBUF
                bg = (b + DEPTH) % NBUF
                ig = (u + DEPTH) % IBUF
                cg = c + DEPTH

                @pl.when(cg < n_chunks)
                def _():
                    @pl.when(cg >= NBUF)
                    def _():
                        out_copy(cg - NBUF, bg).wait()

                    idx_copy(cg, ig).wait()
                    gather(cg, ig, bg).start()

                gather(c, u, b).wait()

                @pl.when(c + IBUF < n_chunks)
                def _():
                    idx_copy(c + IBUF, u).start()

                @pl.when(c >= n_chunks - 2)
                def _(bp=(u + 2) % NBUF):
                    out_copy(c - 2, bp).wait()

                s_off = lax.rem(base + c * CHUNK, S)

                @plsc.parallel_loop(0, CHUNK, unroll=4)
                def add_body(j, b=b, s_off=s_off):
                    srow = s_off + j
                    srow = lax.select(srow >= S, srow - S, srow)
                    for kk in range(D // LANES):
                        pv = pos_v[srow, pl.ds(kk * LANES, LANES)]
                        tv = rows[b][j, pl.ds(kk * LANES, LANES)]
                        narrow[b % 2][j, pl.ds(kk * LANES, LANES)] = tv + pv
                out_copy(c, b).start()
            return carry

        lax.fori_loop(0, n_chunks // IBUF, ring_body, 0)
        for i in range(2):
            c_last = n_chunks - 2 + i
            out_copy(c_last, c_last % NBUF).wait()

    return k


_RBLK = 4096


@functools.lru_cache(maxsize=None)
def _transpose_pad(V, D):

    def body(in_ref, o_ref):
        xt = in_ref[...].T
        o_ref[:, pl.ds(0, D)] = xt
        o_ref[:, pl.ds(D, D)] = xt

    return pl.pallas_call(
        body,
        grid=((V + _RBLK - 1) // _RBLK,),
        in_specs=[pl.BlockSpec((D, _RBLK), lambda i: (0, i))],
        out_specs=pl.BlockSpec((_RBLK, 2 * D), lambda i: (i, 0)),
        out_shape=jax.ShapeDtypeStruct((V, 2 * D), jnp.float32),
    )


def kernel(inputs, token_table, pos_table):
    B, S = inputs.shape
    V, D = token_table.shape
    N = B * S
    NC, NS = _sc_geometry()
    idx = inputs.reshape(N).astype(jnp.int32)
    table128 = _transpose_pad(V, D)(token_table.T)
    pos128 = jnp.pad(pos_table, ((0, 0), (0, D)))
    out = _build(V, D, S, N, NC, NS)(idx, table128, pos128)
    return out.reshape(B, S, D)

# --- scband reference (transcript-rebuilt; emitter-appended) ---
"""Pipeline reference for scband-token-and-position-embedding-32581621908228 (READ-ONLY COPY).

The authoritative reference and input builder live on the scoring server;
editing this copy changes nothing except your own understanding.
"""

import jax, jax.numpy as jnp
import numpy as np

VOCAB = 1000000
SEQ_LEN = 200
EMBED_DIM = 64
BATCH = 4096

def setup_inputs(seed: int = 0) -> dict:
    key = jax.random.key(seed)
    k1, k2, k3 = jax.random.split(key, 3)
    inputs = jax.random.randint(k1, (BATCH, SEQ_LEN), 0, VOCAB, dtype=jnp.int64 if jax.config.jax_enable_x64 else jnp.int32)
    token_table = jax.random.normal(k2, (VOCAB, EMBED_DIM), dtype=jnp.float32) * 0.02
    pos_table = jax.random.normal(k3, (SEQ_LEN, EMBED_DIM), dtype=jnp.float32) * 0.02
    return {"inputs": inputs, "token_table": token_table, "pos_table": pos_table}

def reference(inputs, token_table, pos_table):
    # Token embedding: gather rows from the vocab table
    embedded_tokens = jnp.take(token_table, inputs, axis=0)  # [B, S, D]
    # Position embedding: slice positions [start_index : start_index + seq_len], start_index=0
    seq_len = inputs.shape[1]
    embedded_positions = jax.lax.dynamic_slice_in_dim(pos_table, 0, seq_len, axis=0)  # [S, D]
    embedded_positions = jnp.broadcast_to(embedded_positions[None, :, :], embedded_tokens.shape)
    outputs = embedded_tokens + embedded_positions
    return outputs

if __name__ == "__main__":
    import jax
    _d = setup_inputs()
    print(jax.jit(kernel)(*tuple(_d.values())))

</pallas_src>

<mosaic_0001>
#map = affine_map<(d0, d1) -> (0)>
#map1 = affine_map<(d0, d1) -> (0, 0)>
module attributes {stable_mosaic.version = 14 : i64} {
  func.func @k(%arg0: i32, %arg1: i32, %arg2: memref<819200xi32, #tpu.memory_space<hbm>>, %arg3: memref<1000000x128xf32, #tpu.memory_space<hbm>>, %arg4: memref<200x128xf32, #tpu.memory_space<hbm>>, %arg5: memref<819200x64xf32, #tpu.memory_space<hbm>>, %arg6: memref<200x128xf32, #tpu.memory_space<vmem>>, %arg7: memref<128x128xf32, #tpu.memory_space<vmem>>, %arg8: memref<128x128xf32, #tpu.memory_space<vmem>>, %arg9: memref<128x128xf32, #tpu.memory_space<vmem>>, %arg10: memref<128x128xf32, #tpu.memory_space<vmem>>, %arg11: memref<128x64xf32, #tpu.memory_space<vmem>>, %arg12: memref<128x64xf32, #tpu.memory_space<vmem>>, %arg13: memref<128xi32, #tpu.memory_space<vmem>>, %arg14: memref<128xi32, #tpu.memory_space<vmem>>, %arg15: memref<128xi32, #tpu.memory_space<vmem>>, %arg16: memref<128xi32, #tpu.memory_space<vmem>>, %arg17: memref<128xi32, #tpu.memory_space<vmem>>, %arg18: memref<128xi32, #tpu.memory_space<vmem>>, %arg19: memref<128xi32, #tpu.memory_space<vmem>>, %arg20: memref<128xi32, #tpu.memory_space<vmem>>, %arg21: memref<!tpu.dma_semaphore, #tpu.memory_space<semaphore_mem>>, %arg22: memref<!tpu.dma_semaphore, #tpu.memory_space<semaphore_mem>>, %arg23: memref<!tpu.dma_semaphore, #tpu.memory_space<semaphore_mem>>, %arg24: memref<!tpu.dma_semaphore, #tpu.memory_space<semaphore_mem>>, %arg25: memref<!tpu.dma_semaphore, #tpu.memory_space<semaphore_mem>>, %arg26: memref<!tpu.dma_semaphore, #tpu.memory_space<semaphore_mem>>, %arg27: memref<!tpu.dma_semaphore, #tpu.memory_space<semaphore_mem>>, %arg28: memref<!tpu.dma_semaphore, #tpu.memory_space<semaphore_mem>>, %arg29: memref<!tpu.dma_semaphore, #tpu.memory_space<semaphore_mem>>, %arg30: memref<!tpu.dma_semaphore, #tpu.memory_space<semaphore_mem>>, %arg31: memref<!tpu.dma_semaphore, #tpu.memory_space<semaphore_mem>>, %arg32: memref<!tpu.dma_semaphore, #tpu.memory_space<semaphore_mem>>, %arg33: memref<!tpu.dma_semaphore, #tpu.memory_space<semaphore_mem>>, %arg34: memref<!tpu.dma_semaphore, #tpu.memory_space<semaphore_mem>>, %arg35: memref<!tpu.dma_semaphore, #tpu.memory_space<semaphore_mem>>, %arg36: memref<!tpu.dma_semaphore, #tpu.memory_space<semaphore_mem>>) attributes {dimension_semantics = [#tpu.dimension_semantics<core_parallel>, #tpu.dimension_semantics<subcore_parallel>], iteration_bounds = array<i64: 2, 16>, scalar_prefetch = 0 : i64, scratch_operands = 31 : i64, tpu.core_type = #tpu.core_type<sc_vector_subcore>, window_params = [{transform_indices = #map}, {transform_indices = #map1}, {transform_indices = #map1}, {transform_indices = #map1}]} {
    %mul3A = arith.constant 2 : i32
    %mul3A_0 = arith.muli %arg1, %mul3A : i32
    %add3A = arith.addi %mul3A_0, %arg0 : i32
    %mul3A_1 = arith.constant 25600 : i32
    %mul3A_2 = arith.muli %add3A, %mul3A_1 : i32
    "tpu.region"() ({
      %run_scoped3A = tpu.sem_alloc : memref<!tpu.dma_semaphore, #tpu.memory_space<semaphore_mem>>
      tpu.enqueue_dma source(%arg4 : memref<200x128xf32, #tpu.memory_space<hbm>>) target(%arg6 : memref<200x128xf32, #tpu.memory_space<vmem>>) target_semaphore(%run_scoped3A : memref<!tpu.dma_semaphore, #tpu.memory_space<semaphore_mem>>)
      tpu.wait_dma2 semaphore(%run_scoped3A : memref<!tpu.dma_semaphore, #tpu.memory_space<semaphore_mem>>) src(%arg4 : memref<200x128xf32, #tpu.memory_space<hbm>>) dst(%arg6 : memref<200x128xf32, #tpu.memory_space<vmem>>)
      tpu.yield
    }) : () -> ()
    %add3A_3 = arith.constant 0 : i32
    %add3A_4 = arith.addi %mul3A_2, %add3A_3 : i32
    "tpu.region"() ({
      %run_scoped3A = tpu.sem_alloc : memref<!tpu.dma_semaphore, #tpu.memory_space<semaphore_mem>>
      %dma_start3A_53 = tpu.memref_slice %arg2[%add3A_4] : memref<819200xi32, #tpu.memory_space<hbm>> -> memref<128xi32, #tpu.memory_space<hbm>>
      %dma_start3A_54 = tpu.memref_slice %arg2[%add3A_4] : memref<819200xi32, #tpu.memory_space<hbm>> -> memref<128xi32, #tpu.memory_space<hbm>>
      tpu.enqueue_dma source(%dma_start3A_54 : memref<128xi32, #tpu.memory_space<hbm>>) target(%arg13 : memref<128xi32, #tpu.memory_space<vmem>>) target_semaphore(%run_scoped3A : memref<!tpu.dma_semaphore, #tpu.memory_space<semaphore_mem>>)
      %dma_wait3A_55 = tpu.memref_slice %arg2[%add3A_4] : memref<819200xi32, #tpu.memory_space<hbm>> -> memref<128xi32, #tpu.memory_space<hbm>>
      %dma_wait3A_56 = tpu.memref_slice %arg2[%add3A_4] : memref<819200xi32, #tpu.memory_space<hbm>> -> memref<128xi32, #tpu.memory_space<hbm>>
      tpu.wait_dma2 semaphore(%run_scoped3A : memref<!tpu.dma_semaphore, #tpu.memory_space<semaphore_mem>>) src(%dma_wait3A_56 : memref<128xi32, #tpu.memory_space<hbm>>) dst(%arg13 : memref<128xi32, #tpu.memory_space<vmem>>)
      tpu.yield
    }) : () -> ()
    %dma_start3A = arith.constant 0 : i32
    %dma_start3A_5 = arith.constant 0 : i32
    %dma_start3A_6 = tpu.memref_slice %arg3[%dma_start3A, %dma_start3A_5] : memref<1000000x128xf32, #tpu.memory_space<hbm>> -> memref<1000000x128xf32, #tpu.memory_space<hbm>>
    tpu.enqueue_indirect_dma source(%dma_start3A_6 : memref<1000000x128xf32, #tpu.memory_space<hbm>>) target(%arg7 : memref<128x128xf32, #tpu.memory_space<vmem>>) offsets(%arg13 : memref<128xi32, #tpu.memory_space<vmem>>) semaphore(%arg21 : memref<!tpu.dma_semaphore, #tpu.memory_space<semaphore_mem>>)
    %add3A_7 = arith.constant 128 : i32
    %add3A_8 = arith.addi %mul3A_2, %add3A_7 : i32
    "tpu.region"() ({
      %run_scoped3A = tpu.sem_alloc : memref<!tpu.dma_semaphore, #tpu.memory_space<semaphore_mem>>
      %dma_start3A_53 = tpu.memref_slice %arg2[%add3A_8] : memref<819200xi32, #tpu.memory_space<hbm>> -> memref<128xi32, #tpu.memory_space<hbm>>
      %dma_start3A_54 = tpu.memref_slice %arg2[%add3A_8] : memref<819200xi32, #tpu.memory_space<hbm>> -> memref<128xi32, #tpu.memory_space<hbm>>
      tpu.enqueue_dma source(%dma_start3A_54 : memref<128xi32, #tpu.memory_space<hbm>>) target(%arg14 : memref<128xi32, #tpu.memory_space<vmem>>) target_semaphore(%run_scoped3A : memref<!tpu.dma_semaphore, #tpu.memory_space<semaphore_mem>>)
      %dma_wait3A_55 = tpu.memref_slice %arg2[%add3A_8] : memref<819200xi32, #tpu.memory_space<hbm>> -> memref<128xi32, #tpu.memory_space<hbm>>
      %dma_wait3A_56 = tpu.memref_slice %arg2[%add3A_8] : memref<819200xi32, #tpu.memory_space<hbm>> -> memref<128xi32, #tpu.memory_space<hbm>>
      tpu.wait_dma2 semaphore(%run_scoped3A : memref<!tpu.dma_semaphore, #tpu.memory_space<semaphore_mem>>) src(%dma_wait3A_56 : memref<128xi32, #tpu.memory_space<hbm>>) dst(%arg14 : memref<128xi32, #tpu.memory_space<vmem>>)
      tpu.yield
    }) : () -> ()
    %dma_start3A_9 = arith.constant 0 : i32
    %dma_start3A_10 = arith.constant 0 : i32
    %dma_start3A_11 = tpu.memref_slice %arg3[%dma_start3A_9, %dma_start3A_10] : memref<1000000x128xf32, #tpu.memory_space<hbm>> -> memref<1000000x128xf32, #tpu.memory_space<hbm>>
    tpu.enqueue_indirect_dma source(%dma_start3A_11 : memref<1000000x128xf32, #tpu.memory_space<hbm>>) target(%arg8 : memref<128x128xf32, #tpu.memory_space<vmem>>) offsets(%arg14 : memref<128xi32, #tpu.memory_space<vmem>>) semaphore(%arg22 : memref<!tpu.dma_semaphore, #tpu.memory_space<semaphore_mem>>)
    %add3A_12 = arith.constant 256 : i32
    %add3A_13 = arith.addi %mul3A_2, %add3A_12 : i32
    "tpu.region"() ({
      %run_scoped3A = tpu.sem_alloc : memref<!tpu.dma_semaphore, #tpu.memory_space<semaphore_mem>>
      %dma_start3A_53 = tpu.memref_slice %arg2[%add3A_13] : memref<819200xi32, #tpu.memory_space<hbm>> -> memref<128xi32, #tpu.memory_space<hbm>>
      %dma_start3A_54 = tpu.memref_slice %arg2[%add3A_13] : memref<819200xi32, #tpu.memory_space<hbm>> -> memref<128xi32, #tpu.memory_space<hbm>>
      tpu.enqueue_dma source(%dma_start3A_54 : memref<128xi32, #tpu.memory_space<hbm>>) target(%arg15 : memref<128xi32, #tpu.memory_space<vmem>>) target_semaphore(%run_scoped3A : memref<!tpu.dma_semaphore, #tpu.memory_space<semaphore_mem>>)
      %dma_wait3A_55 = tpu.memref_slice %arg2[%add3A_13] : memref<819200xi32, #tpu.memory_space<hbm>> -> memref<128xi32, #tpu.memory_space<hbm>>
      %dma_wait3A_56 = tpu.memref_slice %arg2[%add3A_13] : memref<819200xi32, #tpu.memory_space<hbm>> -> memref<128xi32, #tpu.memory_space<hbm>>
      tpu.wait_dma2 semaphore(%run_scoped3A : memref<!tpu.dma_semaphore, #tpu.memory_space<semaphore_mem>>) src(%dma_wait3A_56 : memref<128xi32, #tpu.memory_space<hbm>>) dst(%arg15 : memref<128xi32, #tpu.memory_space<vmem>>)
      tpu.yield
    }) : () -> ()
    %dma_start3A_14 = arith.constant 0 : i32
    %dma_start3A_15 = arith.constant 0 : i32
    %dma_start3A_16 = tpu.memref_slice %arg3[%dma_start3A_14, %dma_start3A_15] : memref<1000000x128xf32, #tpu.memory_space<hbm>> -> memref<1000000x128xf32, #tpu.memory_space<hbm>>
    tpu.enqueue_indirect_dma source(%dma_start3A_16 : memref<1000000x128xf32, #tpu.memory_space<hbm>>) target(%arg9 : memref<128x128xf32, #tpu.memory_space<vmem>>) offsets(%arg15 : memref<128xi32, #tpu.memory_space<vmem>>) semaphore(%arg23 : memref<!tpu.dma_semaphore, #tpu.memory_space<semaphore_mem>>)
    %add3A_17 = arith.constant 384 : i32
    %add3A_18 = arith.addi %mul3A_2, %add3A_17 : i32
    %dma_start3A_19 = tpu.memref_slice %arg2[%add3A_18] : memref<819200xi32, #tpu.memory_space<hbm>> -> memref<128xi32, #tpu.memory_space<hbm>>
    %dma_start3A_20 = tpu.memref_slice %arg2[%add3A_18] : memref<819200xi32, #tpu.memory_space<hbm>> -> memref<128xi32, #tpu.memory_space<hbm>>
    tpu.enqueue_dma source(%dma_start3A_20 : memref<128xi32, #tpu.memory_space<hbm>>) target(%arg16 : memref<128xi32, #tpu.memory_space<vmem>>) target_semaphore(%arg32 : memref<!tpu.dma_semaphore, #tpu.memory_space<semaphore_mem>>)
    %add3A_21 = arith.constant 512 : i32
    %add3A_22 = arith.addi %mul3A_2, %add3A_21 : i32
    %dma_start3A_23 = tpu.memref_slice %arg2[%add3A_22] : memref<819200xi32, #tpu.memory_space<hbm>> -> memref<128xi32, #tpu.memory_space<hbm>>
    %dma_start3A_24 = tpu.memref_slice %arg2[%add3A_22] : memref<819200xi32, #tpu.memory_space<hbm>> -> memref<128xi32, #tpu.memory_space<hbm>>
    tpu.enqueue_dma source(%dma_start3A_24 : memref<128xi32, #tpu.memory_space<hbm>>) target(%arg17 : memref<128xi32, #tpu.memory_space<vmem>>) target_semaphore(%arg33 : memref<!tpu.dma_semaphore, #tpu.memory_space<semaphore_mem>>)
    %add3A_25 = arith.constant 640 : i32
    %add3A_26 = arith.addi %mul3A_2, %add3A_25 : i32
    %dma_start3A_27 = tpu.memref_slice %arg2[%add3A_26] : memref<819200xi32, #tpu.memory_space<hbm>> -> memref<128xi32, #tpu.memory_space<hbm>>
    %dma_start3A_28 = tpu.memref_slice %arg2[%add3A_26] : memref<819200xi32, #tpu.memory_space<hbm>> -> memref<128xi32, #tpu.memory_space<hbm>>
    tpu.enqueue_dma source(%dma_start3A_28 : memref<128xi32, #tpu.memory_space<hbm>>) target(%arg18 : memref<128xi32, #tpu.memory_space<vmem>>) target_semaphore(%arg34 : memref<!tpu.dma_semaphore, #tpu.memory_space<semaphore_mem>>)
    %add3A_29 = arith.constant 768 : i32
    %add3A_30 = arith.addi %mul3A_2, %add3A_29 : i32
    %dma_start3A_31 = tpu.memref_slice %arg2[%add3A_30] : memref<819200xi32, #tpu.memory_space<hbm>> -> memref<128xi32, #tpu.memory_space<hbm>>
    %dma_start3A_32 = tpu.memref_slice %arg2[%add3A_30] : memref<819200xi32, #tpu.memory_space<hbm>> -> memref<128xi32, #tpu.memory_space<hbm>>
    tpu.enqueue_dma source(%dma_start3A_32 : memref<128xi32, #tpu.memory_space<hbm>>) target(%arg19 : memref<128xi32, #tpu.memory_space<vmem>>) target_semaphore(%arg35 : memref<!tpu.dma_semaphore, #tpu.memory_space<semaphore_mem>>)
    %add3A_33 = arith.constant 896 : i32
    %add3A_34 = arith.addi %mul3A_2, %add3A_33 : i32
    %dma_start3A_35 = tpu.memref_slice %arg2[%add3A_34] : memref<819200xi32, #tpu.memory_space<hbm>> -> memref<128xi32, #tpu.memory_space<hbm>>
    %dma_start3A_36 = tpu.memref_slice %arg2[%add3A_34] : memref<819200xi32, #tpu.memory_space<hbm>> -> memref<128xi32, #tpu.memory_space<hbm>>
    tpu.enqueue_dma source(%dma_start3A_36 : memref<128xi32, #tpu.memory_space<hbm>>) target(%arg20 : memref<128xi32, #tpu.memory_space<vmem>>) target_semaphore(%arg36 : memref<!tpu.dma_semaphore, #tpu.memory_space<semaphore_mem>>)
    %scan3A = arith.constant 0 : i32
    %scan3A_37 = arith.constant 0 : i32
    %scan3A_38 = arith.constant 25 : i32
    %scan3A_39 = arith.addi %scan3A_37, %scan3A_38 : i32
    %scan3A_40 = arith.constant 1 : i32
    scf.for %scan3A_53 = %scan3A_37 to %scan3A_39 step %scan3A_40  : i32 {
      %mul3A_54 = arith.constant 8 : i32
      %mul3A_55 = arith.muli %scan3A_53, %mul3A_54 : i32
      %add3A_56 = arith.constant 0 : i32
      %add3A_57 = arith.addi %mul3A_55, %add3A_56 : i32
      %add3A_58 = arith.constant 3 : i32
      %add3A_59 = arith.addi %add3A_57, %add3A_58 : i32
      %lt3A = arith.constant 200 : i32
      %lt3A_60 = arith.cmpi slt, %add3A_59, %lt3A : i32
      %convert_element_type3A = arith.extui %lt3A_60 : i1 to i32
      %cond3A = arith.constant 0 : i32
      %cond3A_61 = arith.cmpi ne, %convert_element_type3A, %cond3A : i32
      scf.if %cond3A_61 {
        %ge3A_376 = arith.constant 4 : i32
        %ge3A_377 = arith.cmpi sge, %add3A_59, %ge3A_376 : i32
        %convert_element_type3A_378 = arith.extui %ge3A_377 : i1 to i32
        %cond3A_379 = arith.constant 0 : i32
        %cond3A_380 = arith.cmpi ne, %convert_element_type3A_378, %cond3A_379 : i32
        scf.if %cond3A_380 {
          %sub3A = arith.constant 4 : i32
          %sub3A_389 = arith.subi %add3A_59, %sub3A : i32
          %mul3A_390 = arith.constant 128 : i32
          %mul3A_391 = arith.muli %sub3A_389, %mul3A_390 : i32
          %add3A_392 = arith.addi %mul3A_2, %mul3A_391 : i32
          %dma_wait3A_393 = arith.constant 0 : i32
          %dma_wait3A_394 = tpu.memref_slice %arg5[%add3A_392, %dma_wait3A_393] : memref<819200x64xf32, #tpu.memory_space<hbm>> -> memref<128x64xf32, #tpu.memory_space<hbm>>
          %dma_wait3A_395 = arith.constant 0 : i32
          %dma_wait3A_396 = tpu.memref_slice %arg5[%add3A_392, %dma_wait3A_395] : memref<819200x64xf32, #tpu.memory_space<hbm>> -> memref<128x64xf32, #tpu.memory_space<hbm>>
          tpu.wait_dma2 semaphore(%arg28 : memref<!tpu.dma_semaphore, #tpu.memory_space<semaphore_mem>>) src(%arg12 : memref<128x64xf32, #tpu.memory_space<vmem>>) dst(%dma_wait3A_396 : memref<128x64xf32, #tpu.memory_space<hbm>>)
        } else {
        }
        %mul3A_381 = arith.constant 128 : i32
        %mul3A_382 = arith.muli %add3A_59, %mul3A_381 : i32
        %add3A_383 = arith.addi %mul3A_2, %mul3A_382 : i32
        %dma_wait3A_384 = tpu.memref_slice %arg2[%add3A_383] : memref<819200xi32, #tpu.memory_space<hbm>> -> memref<128xi32, #tpu.memory_space<hbm>>
        %dma_wait3A_385 = tpu.memref_slice %arg2[%add3A_383] : memref<819200xi32, #tpu.memory_space<hbm>> -> memref<128xi32, #tpu.memory_space<hbm>>
        tpu.wait_dma2 semaphore(%arg32 : memref<!tpu.dma_semaphore, #tpu.memory_space<semaphore_mem>>) src(%dma_wait3A_385 : memref<128xi32, #tpu.memory_space<hbm>>) dst(%arg16 : memref<128xi32, #tpu.memory_space<vmem>>)
        %dma_start3A_386 = arith.constant 0 : i32
        %dma_start3A_387 = arith.constant 0 : i32
        %dma_start3A_388 = tpu.memref_slice %arg3[%dma_start3A_386, %dma_start3A_387] : memref<1000000x128xf32, #tpu.memory_space<hbm>> -> memref<1000000x128xf32, #tpu.memory_space<hbm>>
        tpu.enqueue_indirect_dma source(%dma_start3A_388 : memref<1000000x128xf32, #tpu.memory_space<hbm>>) target(%arg10 : memref<128x128xf32, #tpu.memory_space<vmem>>) offsets(%arg16 : memref<128xi32, #tpu.memory_space<vmem>>) semaphore(%arg24 : memref<!tpu.dma_semaphore, #tpu.memory_space<semaphore_mem>>)
      } else {
      }
      %dma_wait3A_62 = arith.constant 0 : i32
      %dma_wait3A_63 = arith.constant 0 : i32
      %dma_wait3A_64 = tpu.memref_slice %arg3[%dma_wait3A_62, %dma_wait3A_63] : memref<1000000x128xf32, #tpu.memory_space<hbm>> -> memref<1000000x128xf32, #tpu.memory_space<hbm>>
      tpu.wait_indirect_dma semaphore(%arg21 : memref<!tpu.dma_semaphore, #tpu.memory_space<semaphore_mem>>) src(%dma_wait3A_64 : memref<1000000x128xf32, #tpu.memory_space<hbm>>) dst(%arg7 : memref<128x128xf32, #tpu.memory_space<vmem>>)
      %add3A_65 = arith.constant 8 : i32
      %add3A_66 = arith.addi %add3A_57, %add3A_65 : i32
      %lt3A_67 = arith.constant 200 : i32
      %lt3A_68 = arith.cmpi slt, %add3A_66, %lt3A_67 : i32
      %convert_element_type3A_69 = arith.extui %lt3A_68 : i1 to i32
      %cond3A_70 = arith.constant 0 : i32
      %cond3A_71 = arith.cmpi ne, %convert_element_type3A_69, %cond3A_70 : i32
      scf.if %cond3A_71 {
        %add3A_376 = arith.constant 8 : i32
        %add3A_377 = arith.addi %add3A_57, %add3A_376 : i32
        %mul3A_378 = arith.constant 128 : i32
        %mul3A_379 = arith.muli %add3A_377, %mul3A_378 : i32
        %add3A_380 = arith.addi %mul3A_2, %mul3A_379 : i32
        %dma_start3A_381 = tpu.memref_slice %arg2[%add3A_380] : memref<819200xi32, #tpu.memory_space<hbm>> -> memref<128xi32, #tpu.memory_space<hbm>>
        %dma_start3A_382 = tpu.memref_slice %arg2[%add3A_380] : memref<819200xi32, #tpu.memory_space<hbm>> -> memref<128xi32, #tpu.memory_space<hbm>>
        tpu.enqueue_dma source(%dma_start3A_382 : memref<128xi32, #tpu.memory_space<hbm>>) target(%arg13 : memref<128xi32, #tpu.memory_space<vmem>>) target_semaphore(%arg29 : memref<!tpu.dma_semaphore, #tpu.memory_space<semaphore_mem>>)
      } else {
      }
      %ge3A = arith.constant 198 : i32
      %ge3A_72 = arith.cmpi sge, %add3A_57, %ge3A : i32
      %convert_element_type3A_73 = arith.extui %ge3A_72 : i1 to i32
      %cond3A_74 = arith.constant 0 : i32
      %cond3A_75 = arith.cmpi ne, %convert_element_type3A_73, %cond3A_74 : i32
      scf.if %cond3A_75 {
        %sub3A = arith.constant 2 : i32
        %sub3A_376 = arith.subi %add3A_57, %sub3A : i32
        %mul3A_377 = arith.constant 128 : i32
        %mul3A_378 = arith.muli %sub3A_376, %mul3A_377 : i32
        %add3A_379 = arith.addi %mul3A_2, %mul3A_378 : i32
        %dma_wait3A_380 = arith.constant 0 : i32
        %dma_wait3A_381 = tpu.memref_slice %arg5[%add3A_379, %dma_wait3A_380] : memref<819200x64xf32, #tpu.memory_space<hbm>> -> memref<128x64xf32, #tpu.memory_space<hbm>>
        %dma_wait3A_382 = arith.constant 0 : i32
        %dma_wait3A_383 = tpu.memref_slice %arg5[%add3A_379, %dma_wait3A_382] : memref<819200x64xf32, #tpu.memory_space<hbm>> -> memref<128x64xf32, #tpu.memory_space<hbm>>
        tpu.wait_dma2 semaphore(%arg27 : memref<!tpu.dma_semaphore, #tpu.memory_space<semaphore_mem>>) src(%arg11 : memref<128x64xf32, #tpu.memory_space<vmem>>) dst(%dma_wait3A_383 : memref<128x64xf32, #tpu.memory_space<hbm>>)
      } else {
      }
      %mul3A_76 = arith.constant 128 : i32
      %mul3A_77 = arith.muli %add3A_57, %mul3A_76 : i32
      %add3A_78 = arith.addi %mul3A_2, %mul3A_77 : i32
      %rem3A = arith.constant 200 : i32
      %rem3A_79 = arith.remsi %add3A_78, %rem3A : i32
      %parallel_loop3A = arith.constant 0 : i32
      %parallel_loop3A_80 = arith.constant 128 : i32
      %parallel_loop3A_81 = arith.constant 1 : i32
      scf.for %parallel_loop3A_376 = %parallel_loop3A to %parallel_loop3A_80 step %parallel_loop3A_81  : i32 {
        %parallel_loop3A_377 = arith.addi %rem3A_79, %parallel_loop3A_376 : i32
        %parallel_loop3A_378 = arith.constant 200 : i32
        %parallel_loop3A_379 = arith.cmpi sge, %parallel_loop3A_377, %parallel_loop3A_378 : i32
        %parallel_loop3A_380 = arith.constant 200 : i32
        %parallel_loop3A_381 = arith.subi %parallel_loop3A_377, %parallel_loop3A_380 : i32
        %parallel_loop3A_382 = arith.select %parallel_loop3A_379, %parallel_loop3A_381, %parallel_loop3A_377 : i32
        %parallel_loop3A_383 = arith.index_cast %parallel_loop3A_382 : i32 to index
        %parallel_loop3A_384 = arith.constant 0 : index
        %parallel_loop3A_385 = tpu.vector_load %arg6[%parallel_loop3A_383, %parallel_loop3A_384] {strides = array<i32>} : memref<200x128xf32, #tpu.memory_space<vmem>>, vector<1x16xf32>,
        %parallel_loop3A_386 = vector.shape_cast %parallel_loop3A_385 : vector<1x16xf32> to vector<16xf32>
        %parallel_loop3A_387 = arith.index_cast %parallel_loop3A_376 : i32 to index
        %parallel_loop3A_388 = arith.constant 0 : index
        %parallel_loop3A_389 = tpu.vector_load %arg7[%parallel_loop3A_387, %parallel_loop3A_388] {strides = array<i32>} : memref<128x128xf32, #tpu.memory_space<vmem>>, vector<1x16xf32>,
        %parallel_loop3A_390 = vector.shape_cast %parallel_loop3A_389 : vector<1x16xf32> to vector<16xf32>
        %parallel_loop3A_391 = arith.addf %parallel_loop3A_390, %parallel_loop3A_386 : vector<16xf32>
        %parallel_loop3A_392 = arith.index_cast %parallel_loop3A_376 : i32 to index
        %parallel_loop3A_393 = arith.constant 0 : index
        %parallel_loop3A_394 = tpu.vector_load %arg11[%parallel_loop3A_392, %parallel_loop3A_393] {strides = array<i32>} : memref<128x64xf32, #tpu.memory_space<vmem>>, vector<1x16xf32>,
        %parallel_loop3A_395 = vector.shape_cast %parallel_loop3A_394 : vector<1x16xf32> to vector<16xf32>
        %parallel_loop3A_396 = vector.shape_cast %parallel_loop3A_391 : vector<16xf32> to vector<1x16xf32>
        tpu.vector_store %arg11[%parallel_loop3A_392, %parallel_loop3A_393], %parallel_loop3A_396 {strides = array<i32>} : memref<128x64xf32, #tpu.memory_space<vmem>>, vector<1x16xf32>,
        %parallel_loop3A_397 = arith.index_cast %parallel_loop3A_382 : i32 to index
        %parallel_loop3A_398 = arith.constant 16 : index
        %parallel_loop3A_399 = tpu.vector_load %arg6[%parallel_loop3A_397, %parallel_loop3A_398] {strides = array<i32>} : memref<200x128xf32, #tpu.memory_space<vmem>>, vector<1x16xf32>,
        %parallel_loop3A_400 = vector.shape_cast %parallel_loop3A_399 : vector<1x16xf32> to vector<16xf32>
        %parallel_loop3A_401 = arith.index_cast %parallel_loop3A_376 : i32 to index
        %parallel_loop3A_402 = arith.constant 16 : index
        %parallel_loop3A_403 = tpu.vector_load %arg7[%parallel_loop3A_401, %parallel_loop3A_402] {strides = array<i32>} : memref<128x128xf32, #tpu.memory_space<vmem>>, vector<1x16xf32>,
        %parallel_loop3A_404 = vector.shape_cast %parallel_loop3A_403 : vector<1x16xf32> to vector<16xf32>
        %parallel_loop3A_405 = arith.addf %parallel_loop3A_404, %parallel_loop3A_400 : vector<16xf32>
        %parallel_loop3A_406 = arith.index_cast %parallel_loop3A_376 : i32 to index
        %parallel_loop3A_407 = arith.constant 16 : index
        %parallel_loop3A_408 = tpu.vector_load %arg11[%parallel_loop3A_406, %parallel_loop3A_407] {strides = array<i32>} : memref<128x64xf32, #tpu.memory_space<vmem>>, vector<1x16xf32>,
        %parallel_loop3A_409 = vector.shape_cast %parallel_loop3A_408 : vector<1x16xf32> to vector<16xf32>
        %parallel_loop3A_410 = vector.shape_cast %parallel_loop3A_405 : vector<16xf32> to vector<1x16xf32>
        tpu.vector_store %arg11[%parallel_loop3A_406, %parallel_loop3A_407], %parallel_loop3A_410 {strides = array<i32>} : memref<128x64xf32, #tpu.memory_space<vmem>>, vector<1x16xf32>,
        %parallel_loop3A_411 = arith.index_cast %parallel_loop3A_382 : i32 to index
        %parallel_loop3A_412 = arith.constant 32 : index
        %parallel_loop3A_413 = tpu.vector_load %arg6[%parallel_loop3A_411, %parallel_loop3A_412] {strides = array<i32>} : memref<200x128xf32, #tpu.memory_space<vmem>>, vector<1x16xf32>,
        %parallel_loop3A_414 = vector.shape_cast %parallel_loop3A_413 : vector<1x16xf32> to vector<16xf32>
        %parallel_loop3A_415 = arith.index_cast %parallel_loop3A_376 : i32 to index
        %parallel_loop3A_416 = arith.constant 32 : index
        %parallel_loop3A_417 = tpu.vector_load %arg7[%parallel_loop3A_415, %parallel_loop3A_416] {strides = array<i32>} : memref<128x128xf32, #tpu.memory_space<vmem>>, vector<1x16xf32>,
        %parallel_loop3A_418 = vector.shape_cast %parallel_loop3A_417 : vector<1x16xf32> to vector<16xf32>
        %parallel_loop3A_419 = arith.addf %parallel_loop3A_418, %parallel_loop3A_414 : vector<16xf32>
        %parallel_loop3A_420 = arith.index_cast %parallel_loop3A_376 : i32 to index
        %parallel_loop3A_421 = arith.constant 32 : index
        %parallel_loop3A_422 = tpu.vector_load %arg11[%parallel_loop3A_420, %parallel_loop3A_421] {strides = array<i32>} : memref<128x64xf32, #tpu.memory_space<vmem>>, vector<1x16xf32>,
        %parallel_loop3A_423 = vector.shape_cast %parallel_loop3A_422 : vector<1x16xf32> to vector<16xf32>
        %parallel_loop3A_424 = vector.shape_cast %parallel_loop3A_419 : vector<16xf32> to vector<1x16xf32>
        tpu.vector_store %arg11[%parallel_loop3A_420, %parallel_loop3A_421], %parallel_loop3A_424 {strides = array<i32>} : memref<128x64xf32, #tpu.memory_space<vmem>>, vector<1x16xf32>,
        %parallel_loop3A_425 = arith.index_cast %parallel_loop3A_382 : i32 to index
        %parallel_loop3A_426 = arith.constant 48 : index
        %parallel_loop3A_427 = tpu.vector_load %arg6[%parallel_loop3A_425, %parallel_loop3A_426] {strides = array<i32>} : memref<200x128xf32, #tpu.memory_space<vmem>>, vector<1x16xf32>,
        %parallel_loop3A_428 = vector.shape_cast %parallel_loop3A_427 : vector<1x16xf32> to vector<16xf32>
        %parallel_loop3A_429 = arith.index_cast %parallel_loop3A_376 : i32 to index
        %parallel_loop3A_430 = arith.constant 48 : index
        %parallel_loop3A_431 = tpu.vector_load %arg7[%parallel_loop3A_429, %parallel_loop3A_430] {strides = array<i32>} : memref<128x128xf32, #tpu.memory_space<vmem>>, vector<1x16xf32>,
        %parallel_loop3A_432 = vector.shape_cast %parallel_loop3A_431 : vector<1x16xf32> to vector<16xf32>
        %parallel_loop3A_433 = arith.addf %parallel_loop3A_432, %parallel_loop3A_428 : vector<16xf32>
        %parallel_loop3A_434 = arith.index_cast %parallel_loop3A_376 : i32 to index
        %parallel_loop3A_435 = arith.constant 48 : index
        %parallel_loop3A_436 = tpu.vector_load %arg11[%parallel_loop3A_434, %parallel_loop3A_435] {strides = array<i32>} : memref<128x64xf32, #tpu.memory_space<vmem>>, vector<1x16xf32>,
        %parallel_loop3A_437 = vector.shape_cast %parallel_loop3A_436 : vector<1x16xf32> to vector<16xf32>
        %parallel_loop3A_438 = vector.shape_cast %parallel_loop3A_433 : vector<16xf32> to vector<1x16xf32>
        tpu.vector_store %arg11[%parallel_loop3A_434, %parallel_loop3A_435], %parallel_loop3A_438 {strides = array<i32>} : memref<128x64xf32, #tpu.memory_space<vmem>>, vector<1x16xf32>,
      } {sc.loop_unroll_factor = 4 : i64, sc.parallel_access}
      %mul3A_82 = arith.constant 128 : i32
      %mul3A_83 = arith.muli %add3A_57, %mul3A_82 : i32
      %add3A_84 = arith.addi %mul3A_2, %mul3A_83 : i32
      %dma_start3A_85 = arith.constant 0 : i32
      %dma_start3A_86 = tpu.memref_slice %arg5[%add3A_84, %dma_start3A_85] : memref<819200x64xf32, #tpu.memory_space<hbm>> -> memref<128x64xf32, #tpu.memory_space<hbm>>
      %dma_start3A_87 = arith.constant 0 : i32
      %dma_start3A_88 = tpu.memref_slice %arg5[%add3A_84, %dma_start3A_87] : memref<819200x64xf32, #tpu.memory_space<hbm>> -> memref<128x64xf32, #tpu.memory_space<hbm>>
      tpu.enqueue_dma source(%arg11 : memref<128x64xf32, #tpu.memory_space<vmem>>) target(%dma_start3A_88 : memref<128x64xf32, #tpu.memory_space<hbm>>) target_semaphore(%arg25 : memref<!tpu.dma_semaphore, #tpu.memory_space<semaphore_mem>>)
      %mul3A_89 = arith.constant 8 : i32
      %mul3A_90 = arith.muli %scan3A_53, %mul3A_89 : i32
      %add3A_91 = arith.constant 1 : i32
      %add3A_92 = arith.addi %mul3A_90, %add3A_91 : i32
      %add3A_93 = arith.constant 3 : i32
      %add3A_94 = arith.addi %add3A_92, %add3A_93 : i32
      %lt3A_95 = arith.constant 200 : i32
      %lt3A_96 = arith.cmpi slt, %add3A_94, %lt3A_95 : i32
      %convert_element_type3A_97 = arith.extui %lt3A_96 : i1 to i32
      %cond3A_98 = arith.constant 0 : i32
      %cond3A_99 = arith.cmpi ne, %convert_element_type3A_97, %cond3A_98 : i32
      scf.if %cond3A_99 {
        %ge3A_376 = arith.constant 4 : i32
        %ge3A_377 = arith.cmpi sge, %add3A_94, %ge3A_376 : i32
        %convert_element_type3A_378 = arith.extui %ge3A_377 : i1 to i32
        %cond3A_379 = arith.constant 0 : i32
        %cond3A_380 = arith.cmpi ne, %convert_element_type3A_378, %cond3A_379 : i32
        scf.if %cond3A_380 {
          %sub3A = arith.constant 4 : i32
          %sub3A_389 = arith.subi %add3A_94, %sub3A : i32
          %mul3A_390 = arith.constant 128 : i32
          %mul3A_391 = arith.muli %sub3A_389, %mul3A_390 : i32
          %add3A_392 = arith.addi %mul3A_2, %mul3A_391 : i32
          %dma_wait3A_393 = arith.constant 0 : i32
          %dma_wait3A_394 = tpu.memref_slice %arg5[%add3A_392, %dma_wait3A_393] : memref<819200x64xf32, #tpu.memory_space<hbm>> -> memref<128x64xf32, #tpu.memory_space<hbm>>
          %dma_wait3A_395 = arith.constant 0 : i32
          %dma_wait3A_396 = tpu.memref_slice %arg5[%add3A_392, %dma_wait3A_395] : memref<819200x64xf32, #tpu.memory_space<hbm>> -> memref<128x64xf32, #tpu.memory_space<hbm>>
          tpu.wait_dma2 semaphore(%arg25 : memref<!tpu.dma_semaphore, #tpu.memory_space<semaphore_mem>>) src(%arg11 : memref<128x64xf32, #tpu.memory_space<vmem>>) dst(%dma_wait3A_396 : memref<128x64xf32, #tpu.memory_space<hbm>>)
        } else {
        }
        %mul3A_381 = arith.constant 128 : i32
        %mul3A_382 = arith.muli %add3A_94, %mul3A_381 : i32
        %add3A_383 = arith.addi %mul3A_2, %mul3A_382 : i32
        %dma_wait3A_384 = tpu.memref_slice %arg2[%add3A_383] : memref<819200xi32, #tpu.memory_space<hbm>> -> memref<128xi32, #tpu.memory_space<hbm>>
        %dma_wait3A_385 = tpu.memref_slice %arg2[%add3A_383] : memref<819200xi32, #tpu.memory_space<hbm>> -> memref<128xi32, #tpu.memory_space<hbm>>
        tpu.wait_dma2 semaphore(%arg33 : memref<!tpu.dma_semaphore, #tpu.memory_space<semaphore_mem>>) src(%dma_wait3A_385 : memref<128xi32, #tpu.memory_space<hbm>>) dst(%arg17 : memref<128xi32, #tpu.memory_space<vmem>>)
        %dma_start3A_386 = arith.constant 0 : i32
        %dma_start3A_387 = arith.constant 0 : i32
        %dma_start3A_388 = tpu.memref_slice %arg3[%dma_start3A_386, %dma_start3A_387] : memref<1000000x128xf32, #tpu.memory_space<hbm>> -> memref<1000000x128xf32, #tpu.memory_space<hbm>>
        tpu.enqueue_indirect_dma source(%dma_start3A_388 : memref<1000000x128xf32, #tpu.memory_space<hbm>>) target(%arg7 : memref<128x128xf32, #tpu.memory_space<vmem>>) offsets(%arg17 : memref<128xi32, #tpu.memory_space<vmem>>) semaphore(%arg21 : memref<!tpu.dma_semaphore, #tpu.memory_space<semaphore_mem>>)
      } else {
      }
      %dma_wait3A_100 = arith.constant 0 : i32
      %dma_wait3A_101 = arith.constant 0 : i32
      %dma_wait3A_102 = tpu.memref_slice %arg3[%dma_wait3A_100, %dma_wait3A_101] : memref<1000000x128xf32, #tpu.memory_space<hbm>> -> memref<1000000x128xf32, #tpu.memory_space<hbm>>
      tpu.wait_indirect_dma semaphore(%arg22 : memref<!tpu.dma_semaphore, #tpu.memory_space<semaphore_mem>>) src(%dma_wait3A_102 : memref<1000000x128xf32, #tpu.memory_space<hbm>>) dst(%arg8 : memref<128x128xf32, #tpu.memory_space<vmem>>)
      %add3A_103 = arith.constant 8 : i32
      %add3A_104 = arith.addi %add3A_92, %add3A_103 : i32
      %lt3A_105 = arith.constant 200 : i32
      %lt3A_106 = arith.cmpi slt, %add3A_104, %lt3A_105 : i32
      %convert_element_type3A_107 = arith.extui %lt3A_106 : i1 to i32
      %cond3A_108 = arith.constant 0 : i32
      %cond3A_109 = arith.cmpi ne, %convert_element_type3A_107, %cond3A_108 : i32
      scf.if %cond3A_109 {
        %add3A_376 = arith.constant 8 : i32
        %add3A_377 = arith.addi %add3A_92, %add3A_376 : i32
        %mul3A_378 = arith.constant 128 : i32
        %mul3A_379 = arith.muli %add3A_377, %mul3A_378 : i32
        %add3A_380 = arith.addi %mul3A_2, %mul3A_379 : i32
        %dma_start3A_381 = tpu.memref_slice %arg2[%add3A_380] : memref<819200xi32, #tpu.memory_space<hbm>> -> memref<128xi32, #tpu.memory_space<hbm>>
        %dma_start3A_382 = tpu.memref_slice %arg2[%add3A_380] : memref<819200xi32, #tpu.memory_space<hbm>> -> memref<128xi32, #tpu.memory_space<hbm>>
        tpu.enqueue_dma source(%dma_start3A_382 : memref<128xi32, #tpu.memory_space<hbm>>) target(%arg14 : memref<128xi32, #tpu.memory_space<vmem>>) target_semaphore(%arg30 : memref<!tpu.dma_semaphore, #tpu.memory_space<semaphore_mem>>)
      } else {
      }
      %ge3A_110 = arith.constant 198 : i32
      %ge3A_111 = arith.cmpi sge, %add3A_92, %ge3A_110 : i32
      %convert_element_type3A_112 = arith.extui %ge3A_111 : i1 to i32
      %cond3A_113 = arith.constant 0 : i32
      %cond3A_114 = arith.cmpi ne, %convert_element_type3A_112, %cond3A_113 : i32
      scf.if %cond3A_114 {
        %sub3A = arith.constant 2 : i32
        %sub3A_376 = arith.subi %add3A_92, %sub3A : i32
        %mul3A_377 = arith.constant 128 : i32
        %mul3A_378 = arith.muli %sub3A_376, %mul3A_377 : i32
        %add3A_379 = arith.addi %mul3A_2, %mul3A_378 : i32
        %dma_wait3A_380 = arith.constant 0 : i32
        %dma_wait3A_381 = tpu.memref_slice %arg5[%add3A_379, %dma_wait3A_380] : memref<819200x64xf32, #tpu.memory_space<hbm>> -> memref<128x64xf32, #tpu.memory_space<hbm>>
        %dma_wait3A_382 = arith.constant 0 : i32
        %dma_wait3A_383 = tpu.memref_slice %arg5[%add3A_379, %dma_wait3A_382] : memref<819200x64xf32, #tpu.memory_space<hbm>> -> memref<128x64xf32, #tpu.memory_space<hbm>>
        tpu.wait_dma2 semaphore(%arg28 : memref<!tpu.dma_semaphore, #tpu.memory_space<semaphore_mem>>) src(%arg12 : memref<128x64xf32, #tpu.memory_space<vmem>>) dst(%dma_wait3A_383 : memref<128x64xf32, #tpu.memory_space<hbm>>)
      } else {
      }
      %mul3A_115 = arith.constant 128 : i32
      %mul3A_116 = arith.muli %add3A_92, %mul3A_115 : i32
      %add3A_117 = arith.addi %mul3A_2, %mul3A_116 : i32
      %rem3A_118 = arith.constant 200 : i32
      %rem3A_119 = arith.remsi %add3A_117, %rem3A_118 : i32
      %parallel_loop3A_120 = arith.constant 0 : i32
      %parallel_loop3A_121 = arith.constant 128 : i32
      %parallel_loop3A_122 = arith.constant 1 : i32
      scf.for %parallel_loop3A_376 = %parallel_loop3A_120 to %parallel_loop3A_121 step %parallel_loop3A_122  : i32 {
        %parallel_loop3A_377 = arith.addi %rem3A_119, %parallel_loop3A_376 : i32
        %parallel_loop3A_378 = arith.constant 200 : i32
        %parallel_loop3A_379 = arith.cmpi sge, %parallel_loop3A_377, %parallel_loop3A_378 : i32
        %parallel_loop3A_380 = arith.constant 200 : i32
        %parallel_loop3A_381 = arith.subi %parallel_loop3A_377, %parallel_loop3A_380 : i32
        %parallel_loop3A_382 = arith.select %parallel_loop3A_379, %parallel_loop3A_381, %parallel_loop3A_377 : i32
        %parallel_loop3A_383 = arith.index_cast %parallel_loop3A_382 : i32 to index
        %parallel_loop3A_384 = arith.constant 0 : index
        %parallel_loop3A_385 = tpu.vector_load %arg6[%parallel_loop3A_383, %parallel_loop3A_384] {strides = array<i32>} : memref<200x128xf32, #tpu.memory_space<vmem>>, vector<1x16xf32>,
        %parallel_loop3A_386 = vector.shape_cast %parallel_loop3A_385 : vector<1x16xf32> to vector<16xf32>
        %parallel_loop3A_387 = arith.index_cast %parallel_loop3A_376 : i32 to index
        %parallel_loop3A_388 = arith.constant 0 : index
        %parallel_loop3A_389 = tpu.vector_load %arg8[%parallel_loop3A_387, %parallel_loop3A_388] {strides = array<i32>} : memref<128x128xf32, #tpu.memory_space<vmem>>, vector<1x16xf32>,
        %parallel_loop3A_390 = vector.shape_cast %parallel_loop3A_389 : vector<1x16xf32> to vector<16xf32>
        %parallel_loop3A_391 = arith.addf %parallel_loop3A_390, %parallel_loop3A_386 : vector<16xf32>
        %parallel_loop3A_392 = arith.index_cast %parallel_loop3A_376 : i32 to index
        %parallel_loop3A_393 = arith.constant 0 : index
        %parallel_loop3A_394 = tpu.vector_load %arg12[%parallel_loop3A_392, %parallel_loop3A_393] {strides = array<i32>} : memref<128x64xf32, #tpu.memory_space<vmem>>, vector<1x16xf32>,
        %parallel_loop3A_395 = vector.shape_cast %parallel_loop3A_394 : vector<1x16xf32> to vector<16xf32>
        %parallel_loop3A_396 = vector.shape_cast %parallel_loop3A_391 : vector<16xf32> to vector<1x16xf32>
        tpu.vector_store %arg12[%parallel_loop3A_392, %parallel_loop3A_393], %parallel_loop3A_396 {strides = array<i32>} : memref<128x64xf32, #tpu.memory_space<vmem>>, vector<1x16xf32>,
        %parallel_loop3A_397 = arith.index_cast %parallel_loop3A_382 : i32 to index
        %parallel_loop3A_398 = arith.constant 16 : index
        %parallel_loop3A_399 = tpu.vector_load %arg6[%parallel_loop3A_397, %parallel_loop3A_398] {strides = array<i32>} : memref<200x128xf32, #tpu.memory_space<vmem>>, vector<1x16xf32>,
        %parallel_loop3A_400 = vector.shape_cast %parallel_loop3A_399 : vector<1x16xf32> to vector<16xf32>
        %parallel_loop3A_401 = arith.index_cast %parallel_loop3A_376 : i32 to index
        %parallel_loop3A_402 = arith.constant 16 : index
        %parallel_loop3A_403 = tpu.vector_load %arg8[%parallel_loop3A_401, %parallel_loop3A_402] {strides = array<i32>} : memref<128x128xf32, #tpu.memory_space<vmem>>, vector<1x16xf32>,
        %parallel_loop3A_404 = vector.shape_cast %parallel_loop3A_403 : vector<1x16xf32> to vector<16xf32>
        %parallel_loop3A_405 = arith.addf %parallel_loop3A_404, %parallel_loop3A_400 : vector<16xf32>
        %parallel_loop3A_406 = arith.index_cast %parallel_loop3A_376 : i32 to index
        %parallel_loop3A_407 = arith.constant 16 : index
        %parallel_loop3A_408 = tpu.vector_load %arg12[%parallel_loop3A_406, %parallel_loop3A_407] {strides = array<i32>} : memref<128x64xf32, #tpu.memory_space<vmem>>, vector<1x16xf32>,
        %parallel_loop3A_409 = vector.shape_cast %parallel_loop3A_408 : vector<1x16xf32> to vector<16xf32>
        %parallel_loop3A_410 = vector.shape_cast %parallel_loop3A_405 : vector<16xf32> to vector<1x16xf32>
        tpu.vector_store %arg12[%parallel_loop3A_406, %parallel_loop3A_407], %parallel_loop3A_410 {strides = array<i32>} : memref<128x64xf32, #tpu.memory_space<vmem>>, vector<1x16xf32>,
        %parallel_loop3A_411 = arith.index_cast %parallel_loop3A_382 : i32 to index
        %parallel_loop3A_412 = arith.constant 32 : index
        %parallel_loop3A_413 = tpu.vector_load %arg6[%parallel_loop3A_411, %parallel_loop3A_412] {strides = array<i32>} : memref<200x128xf32, #tpu.memory_space<vmem>>, vector<1x16xf32>,
        %parallel_loop3A_414 = vector.shape_cast %parallel_loop3A_413 : vector<1x16xf32> to vector<16xf32>
        %parallel_loop3A_415 = arith.index_cast %parallel_loop3A_376 : i32 to index
        %parallel_loop3A_416 = arith.constant 32 : index
        %parallel_loop3A_417 = tpu.vector_load %arg8[%parallel_loop3A_415, %parallel_loop3A_416] {strides = array<i32>} : memref<128x128xf32, #tpu.memory_space<vmem>>, vector<1x16xf32>,
        %parallel_loop3A_418 = vector.shape_cast %parallel_loop3A_417 : vector<1x16xf32> to vector<16xf32>
        %parallel_loop3A_419 = arith.addf %parallel_loop3A_418, %parallel_loop3A_414 : vector<16xf32>
        %parallel_loop3A_420 = arith.index_cast %parallel_loop3A_376 : i32 to index
        %parallel_loop3A_421 = arith.constant 32 : index
        %parallel_loop3A_422 = tpu.vector_load %arg12[%parallel_loop3A_420, %parallel_loop3A_421] {strides = array<i32>} : memref<128x64xf32, #tpu.memory_space<vmem>>, vector<1x16xf32>,
        %parallel_loop3A_423 = vector.shape_cast %parallel_loop3A_422 : vector<1x16xf32> to vector<16xf32>
        %parallel_loop3A_424 = vector.shape_cast %parallel_loop3A_419 : vector<16xf32> to vector<1x16xf32>
        tpu.vector_store %arg12[%parallel_loop3A_420, %parallel_loop3A_421], %parallel_loop3A_424 {strides = array<i32>} : memref<128x64xf32, #tpu.memory_space<vmem>>, vector<1x16xf32>,
        %parallel_loop3A_425 = arith.index_cast %parallel_loop3A_382 : i32 to index
        %parallel_loop3A_426 = arith.constant 48 : index
        %parallel_loop3A_427 = tpu.vector_load %arg6[%parallel_loop3A_425, %parallel_loop3A_426] {strides = array<i32>} : memref<200x128xf32, #tpu.memory_space<vmem>>, vector<1x16xf32>,
        %parallel_loop3A_428 = vector.shape_cast %parallel_loop3A_427 : vector<1x16xf32> to vector<16xf32>
        %parallel_loop3A_429 = arith.index_cast %parallel_loop3A_376 : i32 to index
        %parallel_loop3A_430 = arith.constant 48 : index
        %parallel_loop3A_431 = tpu.vector_load %arg8[%parallel_loop3A_429, %parallel_loop3A_430] {strides = array<i32>} : memref<128x128xf32, #tpu.memory_space<vmem>>, vector<1x16xf32>,
        %parallel_loop3A_432 = vector.shape_cast %parallel_loop3A_431 : vector<1x16xf32> to vector<16xf32>
        %parallel_loop3A_433 = arith.addf %parallel_loop3A_432, %parallel_loop3A_428 : vector<16xf32>
        %parallel_loop3A_434 = arith.index_cast %parallel_loop3A_376 : i32 to index
        %parallel_loop3A_435 = arith.constant 48 : index
        %parallel_loop3A_436 = tpu.vector_load %arg12[%parallel_loop3A_434, %parallel_loop3A_435] {strides = array<i32>} : memref<128x64xf32, #tpu.memory_space<vmem>>, vector<1x16xf32>,
        %parallel_loop3A_437 = vector.shape_cast %parallel_loop3A_436 : vector<1x16xf32> to vector<16xf32>
        %parallel_loop3A_438 = vector.shape_cast %parallel_loop3A_433 : vector<16xf32> to vector<1x16xf32>
        tpu.vector_store %arg12[%parallel_loop3A_434, %parallel_loop3A_435], %parallel_loop3A_438 {strides = array<i32>} : memref<128x64xf32, #tpu.memory_space<vmem>>, vector<1x16xf32>,
      } {sc.loop_unroll_factor = 4 : i64, sc.parallel_access}
      %mul3A_123 = arith.constant 128 : i32
      %mul3A_124 = arith.muli %add3A_92, %mul3A_123 : i32
      %add3A_125 = arith.addi %mul3A_2, %mul3A_124 : i32
      %dma_start3A_126 = arith.constant 0 : i32
      %dma_start3A_127 = tpu.memref_slice %arg5[%add3A_125, %dma_start3A_126] : memref<819200x64xf32, #tpu.memory_space<hbm>> -> memref<128x64xf32, #tpu.memory_space<hbm>>
      %dma_start3A_128 = arith.constant 0 : i32
      %dma_start3A_129 = tpu.memref_slice %arg5[%add3A_125, %dma_start3A_128] : memref<819200x64xf32, #tpu.memory_space<hbm>> -> memref<128x64xf32, #tpu.memory_space<hbm>>
      tpu.enqueue_dma source(%arg12 : memref<128x64xf32, #tpu.memory_space<vmem>>) target(%dma_start3A_129 : memref<128x64xf32, #tpu.memory_space<hbm>>) target_semaphore(%arg26 : memref<!tpu.dma_semaphore, #tpu.memory_space<semaphore_mem>>)
      %mul3A_130 = arith.constant 8 : i32
      %mul3A_131 = arith.muli %scan3A_53, %mul3A_130 : i32
      %add3A_132 = arith.constant 2 : i32
      %add3A_133 = arith.addi %mul3A_131, %add3A_132 : i32
      %add3A_134 = arith.constant 3 : i32
      %add3A_135 = arith.addi %add3A_133, %add3A_134 : i32
      %lt3A_136 = arith.constant 200 : i32
      %lt3A_137 = arith.cmpi slt, %add3A_135, %lt3A_136 : i32
      %convert_element_type3A_138 = arith.extui %lt3A_137 : i1 to i32
      %cond3A_139 = arith.constant 0 : i32
      %cond3A_140 = arith.cmpi ne, %convert_element_type3A_138, %cond3A_139 : i32
      scf.if %cond3A_140 {
        %ge3A_376 = arith.constant 4 : i32
        %ge3A_377 = arith.cmpi sge, %add3A_135, %ge3A_376 : i32
        %convert_element_type3A_378 = arith.extui %ge3A_377 : i1 to i32
        %cond3A_379 = arith.constant 0 : i32
        %cond3A_380 = arith.cmpi ne, %convert_element_type3A_378, %cond3A_379 : i32
        scf.if %cond3A_380 {
          %sub3A = arith.constant 4 : i32
          %sub3A_389 = arith.subi %add3A_135, %sub3A : i32
          %mul3A_390 = arith.constant 128 : i32
          %mul3A_391 = arith.muli %sub3A_389, %mul3A_390 : i32
          %add3A_392 = arith.addi %mul3A_2, %mul3A_391 : i32
          %dma_wait3A_393 = arith.constant 0 : i32
          %dma_wait3A_394 = tpu.memref_slice %arg5[%add3A_392, %dma_wait3A_393] : memref<819200x64xf32, #tpu.memory_space<hbm>> -> memref<128x64xf32, #tpu.memory_space<hbm>>
          %dma_wait3A_395 = arith.constant 0 : i32
          %dma_wait3A_396 = tpu.memref_slice %arg5[%add3A_392, %dma_wait3A_395] : memref<819200x64xf32, #tpu.memory_space<hbm>> -> memref<128x64xf32, #tpu.memory_space<hbm>>
          tpu.wait_dma2 semaphore(%arg26 : memref<!tpu.dma_semaphore, #tpu.memory_space<semaphore_mem>>) src(%arg12 : memref<128x64xf32, #tpu.memory_space<vmem>>) dst(%dma_wait3A_396 : memref<128x64xf32, #tpu.memory_space<hbm>>)
        } else {
        }
        %mul3A_381 = arith.constant 128 : i32
        %mul3A_382 = arith.muli %add3A_135, %mul3A_381 : i32
        %add3A_383 = arith.addi %mul3A_2, %mul3A_382 : i32
        %dma_wait3A_384 = tpu.memref_slice %arg2[%add3A_383] : memref<819200xi32, #tpu.memory_space<hbm>> -> memref<128xi32, #tpu.memory_space<hbm>>
        %dma_wait3A_385 = tpu.memref_slice %arg2[%add3A_383] : memref<819200xi32, #tpu.memory_space<hbm>> -> memref<128xi32, #tpu.memory_space<hbm>>
        tpu.wait_dma2 semaphore(%arg34 : memref<!tpu.dma_semaphore, #tpu.memory_space<semaphore_mem>>) src(%dma_wait3A_385 : memref<128xi32, #tpu.memory_space<hbm>>) dst(%arg18 : memref<128xi32, #tpu.memory_space<vmem>>)
        %dma_start3A_386 = arith.constant 0 : i32
        %dma_start3A_387 = arith.constant 0 : i32
        %dma_start3A_388 = tpu.memref_slice %arg3[%dma_start3A_386, %dma_start3A_387] : memref<1000000x128xf32, #tpu.memory_space<hbm>> -> memref<1000000x128xf32, #tpu.memory_space<hbm>>
        tpu.enqueue_indirect_dma source(%dma_start3A_388 : memref<1000000x128xf32, #tpu.memory_space<hbm>>) target(%arg8 : memref<128x128xf32, #tpu.memory_space<vmem>>) offsets(%arg18 : memref<128xi32, #tpu.memory_space<vmem>>) semaphore(%arg22 : memref<!tpu.dma_semaphore, #tpu.memory_space<semaphore_mem>>)
      } else {
      }
      %dma_wait3A_141 = arith.constant 0 : i32
      %dma_wait3A_142 = arith.constant 0 : i32
      %dma_wait3A_143 = tpu.memref_slice %arg3[%dma_wait3A_141, %dma_wait3A_142] : memref<1000000x128xf32, #tpu.memory_space<hbm>> -> memref<1000000x128xf32, #tpu.memory_space<hbm>>
      tpu.wait_indirect_dma semaphore(%arg23 : memref<!tpu.dma_semaphore, #tpu.memory_space<semaphore_mem>>) src(%dma_wait3A_143 : memref<1000000x128xf32, #tpu.memory_space<hbm>>) dst(%arg9 : memref<128x128xf32, #tpu.memory_space<vmem>>)
      %add3A_144 = arith.constant 8 : i32
      %add3A_145 = arith.addi %add3A_133, %add3A_144 : i32
      %lt3A_146 = arith.constant 200 : i32
      %lt3A_147 = arith.cmpi slt, %add3A_145, %lt3A_146 : i32
      %convert_element_type3A_148 = arith.extui %lt3A_147 : i1 to i32
      %cond3A_149 = arith.constant 0 : i32
      %cond3A_150 = arith.cmpi ne, %convert_element_type3A_148, %cond3A_149 : i32
      scf.if %cond3A_150 {
        %add3A_376 = arith.constant 8 : i32
        %add3A_377 = arith.addi %add3A_133, %add3A_376 : i32
        %mul3A_378 = arith.constant 128 : i32
        %mul3A_379 = arith.muli %add3A_377, %mul3A_378 : i32
        %add3A_380 = arith.addi %mul3A_2, %mul3A_379 : i32
        %dma_start3A_381 = tpu.memref_slice %arg2[%add3A_380] : memref<819200xi32, #tpu.memory_space<hbm>> -> memref<128xi32, #tpu.memory_space<hbm>>
        %dma_start3A_382 = tpu.memref_slice %arg2[%add3A_380] : memref<819200xi32, #tpu.memory_space<hbm>> -> memref<128xi32, #tpu.memory_space<hbm>>
        tpu.enqueue_dma source(%dma_start3A_382 : memref<128xi32, #tpu.memory_space<hbm>>) target(%arg15 : memref<128xi32, #tpu.memory_space<vmem>>) target_semaphore(%arg31 : memref<!tpu.dma_semaphore, #tpu.memory_space<semaphore_mem>>)
      } else {
      }
      %ge3A_151 = arith.constant 198 : i32
      %ge3A_152 = arith.cmpi sge, %add3A_133, %ge3A_151 : i32
      %convert_element_type3A_153 = arith.extui %ge3A_152 : i1 to i32
      %cond3A_154 = arith.constant 0 : i32
      %cond3A_155 = arith.cmpi ne, %convert_element_type3A_153, %cond3A_154 : i32
      scf.if %cond3A_155 {
        %sub3A = arith.constant 2 : i32
        %sub3A_376 = arith.subi %add3A_133, %sub3A : i32
        %mul3A_377 = arith.constant 128 : i32
        %mul3A_378 = arith.muli %sub3A_376, %mul3A_377 : i32
        %add3A_379 = arith.addi %mul3A_2, %mul3A_378 : i32
        %dma_wait3A_380 = arith.constant 0 : i32
        %dma_wait3A_381 = tpu.memref_slice %arg5[%add3A_379, %dma_wait3A_380] : memref<819200x64xf32, #tpu.memory_space<hbm>> -> memref<128x64xf32, #tpu.memory_space<hbm>>
        %dma_wait3A_382 = arith.constant 0 : i32
        %dma_wait3A_383 = tpu.memref_slice %arg5[%add3A_379, %dma_wait3A_382] : memref<819200x64xf32, #tpu.memory_space<hbm>> -> memref<128x64xf32, #tpu.memory_space<hbm>>
        tpu.wait_dma2 semaphore(%arg25 : memref<!tpu.dma_semaphore, #tpu.memory_space<semaphore_mem>>) src(%arg11 : memref<128x64xf32, #tpu.memory_space<vmem>>) dst(%dma_wait3A_383 : memref<128x64xf32, #tpu.memory_space<hbm>>)
      } else {
      }
      %mul3A_156 = arith.constant 128 : i32
      %mul3A_157 = arith.muli %add3A_133, %mul3A_156 : i32
      %add3A_158 = arith.addi %mul3A_2, %mul3A_157 : i32
      %rem3A_159 = arith.constant 200 : i32
      %rem3A_160 = arith.remsi %add3A_158, %rem3A_159 : i32
      %parallel_loop3A_161 = arith.constant 0 : i32
      %parallel_loop3A_162 = arith.constant 128 : i32
      %parallel_loop3A_163 = arith.constant 1 : i32
      scf.for %parallel_loop3A_376 = %parallel_loop3A_161 to %parallel_loop3A_162 step %parallel_loop3A_163  : i32 {
        %parallel_loop3A_377 = arith.addi %rem3A_160, %parallel_loop3A_376 : i32
        %parallel_loop3A_378 = arith.constant 200 : i32
        %parallel_loop3A_379 = arith.cmpi sge, %parallel_loop3A_377, %parallel_loop3A_378 : i32
        %parallel_loop3A_380 = arith.constant 200 : i32
        %parallel_loop3A_381 = arith.subi %parallel_loop3A_377, %parallel_loop3A_380 : i32
        %parallel_loop3A_382 = arith.select %parallel_loop3A_379, %parallel_loop3A_381, %parallel_loop3A_377 : i32
        %parallel_loop3A_383 = arith.index_cast %parallel_loop3A_382 : i32 to index
        %parallel_loop3A_384 = arith.constant 0 : index
        %parallel_loop3A_385 = tpu.vector_load %arg6[%parallel_loop3A_383, %parallel_loop3A_384] {strides = array<i32>} : memref<200x128xf32, #tpu.memory_space<vmem>>, vector<1x16xf32>,
        %parallel_loop3A_386 = vector.shape_cast %parallel_loop3A_385 : vector<1x16xf32> to vector<16xf32>
        %parallel_loop3A_387 = arith.index_cast %parallel_loop3A_376 : i32 to index
        %parallel_loop3A_388 = arith.constant 0 : index
        %parallel_loop3A_389 = tpu.vector_load %arg9[%parallel_loop3A_387, %parallel_loop3A_388] {strides = array<i32>} : memref<128x128xf32, #tpu.memory_space<vmem>>, vector<1x16xf32>,
        %parallel_loop3A_390 = vector.shape_cast %parallel_loop3A_389 : vector<1x16xf32> to vector<16xf32>
        %parallel_loop3A_391 = arith.addf %parallel_loop3A_390, %parallel_loop3A_386 : vector<16xf32>
        %parallel_loop3A_392 = arith.index_cast %parallel_loop3A_376 : i32 to index
        %parallel_loop3A_393 = arith.constant 0 : index
        %parallel_loop3A_394 = tpu.vector_load %arg11[%parallel_loop3A_392, %parallel_loop3A_393] {strides = array<i32>} : memref<128x64xf32, #tpu.memory_space<vmem>>, vector<1x16xf32>,
        %parallel_loop3A_395 = vector.shape_cast %parallel_loop3A_394 : vector<1x16xf32> to vector<16xf32>
        %parallel_loop3A_396 = vector.shape_cast %parallel_loop3A_391 : vector<16xf32> to vector<1x16xf32>
        tpu.vector_store %arg11[%parallel_loop3A_392, %parallel_loop3A_393], %parallel_loop3A_396 {strides = array<i32>} : memref<128x64xf32, #tpu.memory_space<vmem>>, vector<1x16xf32>,
        %parallel_loop3A_397 = arith.index_cast %parallel_loop3A_382 : i32 to index
        %parallel_loop3A_398 = arith.constant 16 : index
        %parallel_loop3A_399 = tpu.vector_load %arg6[%parallel_loop3A_397, %parallel_loop3A_398] {strides = array<i32>} : memref<200x128xf32, #tpu.memory_space<vmem>>, vector<1x16xf32>,
        %parallel_loop3A_400 = vector.shape_cast %parallel_loop3A_399 : vector<1x16xf32> to vector<16xf32>
        %parallel_loop3A_401 = arith.index_cast %parallel_loop3A_376 : i32 to index
        %parallel_loop3A_402 = arith.constant 16 : index
        %parallel_loop3A_403 = tpu.vector_load %arg9[%parallel_loop3A_401, %parallel_loop3A_402] {strides = array<i32>} : memref<128x128xf32, #tpu.memory_space<vmem>>, vector<1x16xf32>,
        %parallel_loop3A_404 = vector.shape_cast %parallel_loop3A_403 : vector<1x16xf32> to vector<16xf32>
        %parallel_loop3A_405 = arith.addf %parallel_loop3A_404, %parallel_loop3A_400 : vector<16xf32>
        %parallel_loop3A_406 = arith.index_cast %parallel_loop3A_376 : i32 to index
        %parallel_loop3A_407 = arith.constant 16 : index
        %parallel_loop3A_408 = tpu.vector_load %arg11[%parallel_loop3A_406, %parallel_loop3A_407] {strides = array<i32>} : memref<128x64xf32, #tpu.memory_space<vmem>>, vector<1x16xf32>,
        %parallel_loop3A_409 = vector.shape_cast %parallel_loop3A_408 : vector<1x16xf32> to vector<16xf32>
        %parallel_loop3A_410 = vector.shape_cast %parallel_loop3A_405 : vector<16xf32> to vector<1x16xf32>
        tpu.vector_store %arg11[%parallel_loop3A_406, %parallel_loop3A_407], %parallel_loop3A_410 {strides = array<i32>} : memref<128x64xf32, #tpu.memory_space<vmem>>, vector<1x16xf32>,
        %parallel_loop3A_411 = arith.index_cast %parallel_loop3A_382 : i32 to index
        %parallel_loop3A_412 = arith.constant 32 : index
        %parallel_loop3A_413 = tpu.vector_load %arg6[%parallel_loop3A_411, %parallel_loop3A_412] {strides = array<i32>} : memref<200x128xf32, #tpu.memory_space<vmem>>, vector<1x16xf32>,
        %parallel_loop3A_414 = vector.shape_cast %parallel_loop3A_413 : vector<1x16xf32> to vector<16xf32>
        %parallel_loop3A_415 = arith.index_cast %parallel_loop3A_376 : i32 to index
        %parallel_loop3A_416 = arith.constant 32 : index
        %parallel_loop3A_417 = tpu.vector_load %arg9[%parallel_loop3A_415, %parallel_loop3A_416] {strides = array<i32>} : memref<128x128xf32, #tpu.memory_space<vmem>>, vector<1x16xf32>,
        %parallel_loop3A_418 = vector.shape_cast %parallel_loop3A_417 : vector<1x16xf32> to vector<16xf32>
        %parallel_loop3A_419 = arith.addf %parallel_loop3A_418, %parallel_loop3A_414 : vector<16xf32>
        %parallel_loop3A_420 = arith.index_cast %parallel_loop3A_376 : i32 to index
        %parallel_loop3A_421 = arith.constant 32 : index
        %parallel_loop3A_422 = tpu.vector_load %arg11[%parallel_loop3A_420, %parallel_loop3A_421] {strides = array<i32>} : memref<128x64xf32, #tpu.memory_space<vmem>>, vector<1x16xf32>,
        %parallel_loop3A_423 = vector.shape_cast %parallel_loop3A_422 : vector<1x16xf32> to vector<16xf32>
        %parallel_loop3A_424 = vector.shape_cast %parallel_loop3A_419 : vector<16xf32> to vector<1x16xf32>
        tpu.vector_store %arg11[%parallel_loop3A_420, %parallel_loop3A_421], %parallel_loop3A_424 {strides = array<i32>} : memref<128x64xf32, #tpu.memory_space<vmem>>, vector<1x16xf32>,
        %parallel_loop3A_425 = arith.index_cast %parallel_loop3A_382 : i32 to index
        %parallel_loop3A_426 = arith.constant 48 : index
        %parallel_loop3A_427 = tpu.vector_load %arg6[%parallel_loop3A_425, %parallel_loop3A_426] {strides = array<i32>} : memref<200x128xf32, #tpu.memory_space<vmem>>, vector<1x16xf32>,
        %parallel_loop3A_428 = vector.shape_cast %parallel_loop3A_427 : vector<1x16xf32> to vector<16xf32>
        %parallel_loop3A_429 = arith.index_cast %parallel_loop3A_376 : i32 to index
        %parallel_loop3A_430 = arith.constant 48 : index
        %parallel_loop3A_431 = tpu.vector_load %arg9[%parallel_loop3A_429, %parallel_loop3A_430] {strides = array<i32>} : memref<128x128xf32, #tpu.memory_space<vmem>>, vector<1x16xf32>,
        %parallel_loop3A_432 = vector.shape_cast %parallel_loop3A_431 : vector<1x16xf32> to vector<16xf32>
        %parallel_loop3A_433 = arith.addf %parallel_loop3A_432, %parallel_loop3A_428 : vector<16xf32>
        %parallel_loop3A_434 = arith.index_cast %parallel_loop3A_376 : i32 to index
        %parallel_loop3A_435 = arith.constant 48 : index
        %parallel_loop3A_436 = tpu.vector_load %arg11[%parallel_loop3A_434, %parallel_loop3A_435] {strides = array<i32>} : memref<128x64xf32, #tpu.memory_space<vmem>>, vector<1x16xf32>,
        %parallel_loop3A_437 = vector.shape_cast %parallel_loop3A_436 : vector<1x16xf32> to vector<16xf32>
        %parallel_loop3A_438 = vector.shape_cast %parallel_loop3A_433 : vector<16xf32> to vector<1x16xf32>
        tpu.vector_store %arg11[%parallel_loop3A_434, %parallel_loop3A_435], %parallel_loop3A_438 {strides = array<i32>} : memref<128x64xf32, #tpu.memory_space<vmem>>, vector<1x16xf32>,
      } {sc.loop_unroll_factor = 4 : i64, sc.parallel_access}
      %mul3A_164 = arith.constant 128 : i32
      %mul3A_165 = arith.muli %add3A_133, %mul3A_164 : i32
      %add3A_166 = arith.addi %mul3A_2, %mul3A_165 : i32
      %dma_start3A_167 = arith.constant 0 : i32
      %dma_start3A_168 = tpu.memref_slice %arg5[%add3A_166, %dma_start3A_167] : memref<819200x64xf32, #tpu.memory_space<hbm>> -> memref<128x64xf32, #tpu.memory_space<hbm>>
      %dma_start3A_169 = arith.constant 0 : i32
      %dma_start3A_170 = tpu.memref_slice %arg5[%add3A_166, %dma_start3A_169] : memref<819200x64xf32, #tpu.memory_space<hbm>> -> memref<128x64xf32, #tpu.memory_space<hbm>>
      tpu.enqueue_dma source(%arg11 : memref<128x64xf32, #tpu.memory_space<vmem>>) target(%dma_start3A_170 : memref<128x64xf32, #tpu.memory_space<hbm>>) target_semaphore(%arg27 : memref<!tpu.dma_semaphore, #tpu.memory_space<semaphore_mem>>)
      %mul3A_171 = arith.constant 8 : i32
      %mul3A_172 = arith.muli %scan3A_53, %mul3A_171 : i32
      %add3A_173 = arith.constant 3 : i32
      %add3A_174 = arith.addi %mul3A_172, %add3A_173 : i32
      %add3A_175 = arith.constant 3 : i32
      %add3A_176 = arith.addi %add3A_174, %add3A_175 : i32
      %lt3A_177 = arith.constant 200 : i32
      %lt3A_178 = arith.cmpi slt, %add3A_176, %lt3A_177 : i32
      %convert_element_type3A_179 = arith.extui %lt3A_178 : i1 to i32
      %cond3A_180 = arith.constant 0 : i32
      %cond3A_181 = arith.cmpi ne, %convert_element_type3A_179, %cond3A_180 : i32
      scf.if %cond3A_181 {
        %ge3A_376 = arith.constant 4 : i32
        %ge3A_377 = arith.cmpi sge, %add3A_176, %ge3A_376 : i32
        %convert_element_type3A_378 = arith.extui %ge3A_377 : i1 to i32
        %cond3A_379 = arith.constant 0 : i32
        %cond3A_380 = arith.cmpi ne, %convert_element_type3A_378, %cond3A_379 : i32
        scf.if %cond3A_380 {
          %sub3A = arith.constant 4 : i32
          %sub3A_389 = arith.subi %add3A_176, %sub3A : i32
          %mul3A_390 = arith.constant 128 : i32
          %mul3A_391 = arith.muli %sub3A_389, %mul3A_390 : i32
          %add3A_392 = arith.addi %mul3A_2, %mul3A_391 : i32
          %dma_wait3A_393 = arith.constant 0 : i32
          %dma_wait3A_394 = tpu.memref_slice %arg5[%add3A_392, %dma_wait3A_393] : memref<819200x64xf32, #tpu.memory_space<hbm>> -> memref<128x64xf32, #tpu.memory_space<hbm>>
          %dma_wait3A_395 = arith.constant 0 : i32
          %dma_wait3A_396 = tpu.memref_slice %arg5[%add3A_392, %dma_wait3A_395] : memref<819200x64xf32, #tpu.memory_space<hbm>> -> memref<128x64xf32, #tpu.memory_space<hbm>>
          tpu.wait_dma2 semaphore(%arg27 : memref<!tpu.dma_semaphore, #tpu.memory_space<semaphore_mem>>) src(%arg11 : memref<128x64xf32, #tpu.memory_space<vmem>>) dst(%dma_wait3A_396 : memref<128x64xf32, #tpu.memory_space<hbm>>)
        } else {
        }
        %mul3A_381 = arith.constant 128 : i32
        %mul3A_382 = arith.muli %add3A_176, %mul3A_381 : i32
        %add3A_383 = arith.addi %mul3A_2, %mul3A_382 : i32
        %dma_wait3A_384 = tpu.memref_slice %arg2[%add3A_383] : memref<819200xi32, #tpu.memory_space<hbm>> -> memref<128xi32, #tpu.memory_space<hbm>>
        %dma_wait3A_385 = tpu.memref_slice %arg2[%add3A_383] : memref<819200xi32, #tpu.memory_space<hbm>> -> memref<128xi32, #tpu.memory_space<hbm>>
        tpu.wait_dma2 semaphore(%arg35 : memref<!tpu.dma_semaphore, #tpu.memory_space<semaphore_mem>>) src(%dma_wait3A_385 : memref<128xi32, #tpu.memory_space<hbm>>) dst(%arg19 : memref<128xi32, #tpu.memory_space<vmem>>)
        %dma_start3A_386 = arith.constant 0 : i32
        %dma_start3A_387 = arith.constant 0 : i32
        %dma_start3A_388 = tpu.memref_slice %arg3[%dma_start3A_386, %dma_start3A_387] : memref<1000000x128xf32, #tpu.memory_space<hbm>> -> memref<1000000x128xf32, #tpu.memory_space<hbm>>
        tpu.enqueue_indirect_dma source(%dma_start3A_388 : memref<1000000x128xf32, #tpu.memory_space<hbm>>) target(%arg9 : memref<128x128xf32, #tpu.memory_space<vmem>>) offsets(%arg19 : memref<128xi32, #tpu.memory_space<vmem>>) semaphore(%arg23 : memref<!tpu.dma_semaphore, #tpu.memory_space<semaphore_mem>>)
      } else {
      }
      %dma_wait3A_182 = arith.constant 0 : i32
      %dma_wait3A_183 = arith.constant 0 : i32
      %dma_wait3A_184 = tpu.memref_slice %arg3[%dma_wait3A_182, %dma_wait3A_183] : memref<1000000x128xf32, #tpu.memory_space<hbm>> -> memref<1000000x128xf32, #tpu.memory_space<hbm>>
      tpu.wait_indirect_dma semaphore(%arg24 : memref<!tpu.dma_semaphore, #tpu.memory_space<semaphore_mem>>) src(%dma_wait3A_184 : memref<1000000x128xf32, #tpu.memory_space<hbm>>) dst(%arg10 : memref<128x128xf32, #tpu.memory_space<vmem>>)
      %add3A_185 = arith.constant 8 : i32
      %add3A_186 = arith.addi %add3A_174, %add3A_185 : i32
      %lt3A_187 = arith.constant 200 : i32
      %lt3A_188 = arith.cmpi slt, %add3A_186, %lt3A_187 : i32
      %convert_element_type3A_189 = arith.extui %lt3A_188 : i1 to i32
      %cond3A_190 = arith.constant 0 : i32
      %cond3A_191 = arith.cmpi ne, %convert_element_type3A_189, %cond3A_190 : i32
      scf.if %cond3A_191 {
        %add3A_376 = arith.constant 8 : i32
        %add3A_377 = arith.addi %add3A_174, %add3A_376 : i32
        %mul3A_378 = arith.constant 128 : i32
        %mul3A_379 = arith.muli %add3A_377, %mul3A_378 : i32
        %add3A_380 = arith.addi %mul3A_2, %mul3A_379 : i32
        %dma_start3A_381 = tpu.memref_slice %arg2[%add3A_380] : memref<819200xi32, #tpu.memory_space<hbm>> -> memref<128xi32, #tpu.memory_space<hbm>>
        %dma_start3A_382 = tpu.memref_slice %arg2[%add3A_380] : memref<819200xi32, #tpu.memory_space<hbm>> -> memref<128xi32, #tpu.memory_space<hbm>>
        tpu.enqueue_dma source(%dma_start3A_382 : memref<128xi32, #tpu.memory_space<hbm>>) target(%arg16 : memref<128xi32, #tpu.memory_space<vmem>>) target_semaphore(%arg32 : memref<!tpu.dma_semaphore, #tpu.memory_space<semaphore_mem>>)
      } else {
      }
      %ge3A_192 = arith.constant 198 : i32
      %ge3A_193 = arith.cmpi sge, %add3A_174, %ge3A_192 : i32
      %convert_element_type3A_194 = arith.extui %ge3A_193 : i1 to i32
      %cond3A_195 = arith.constant 0 : i32
      %cond3A_196 = arith.cmpi ne, %convert_element_type3A_194, %cond3A_195 : i32
      scf.if %cond3A_196 {
        %sub3A = arith.constant 2 : i32
        %sub3A_376 = arith.subi %add3A_174, %sub3A : i32
        %mul3A_377 = arith.constant 128 : i32
        %mul3A_378 = arith.muli %sub3A_376, %mul3A_377 : i32
        %add3A_379 = arith.addi %mul3A_2, %mul3A_378 : i32
        %dma_wait3A_380 = arith.constant 0 : i32
        %dma_wait3A_381 = tpu.memref_slice %arg5[%add3A_379, %dma_wait3A_380] : memref<819200x64xf32, #tpu.memory_space<hbm>> -> memref<128x64xf32, #tpu.memory_space<hbm>>
        %dma_wait3A_382 = arith.constant 0 : i32
        %dma_wait3A_383 = tpu.memref_slice %arg5[%add3A_379, %dma_wait3A_382] : memref<819200x64xf32, #tpu.memory_space<hbm>> -> memref<128x64xf32, #tpu.memory_space<hbm>>
        tpu.wait_dma2 semaphore(%arg26 : memref<!tpu.dma_semaphore, #tpu.memory_space<semaphore_mem>>) src(%arg12 : memref<128x64xf32, #tpu.memory_space<vmem>>) dst(%dma_wait3A_383 : memref<128x64xf32, #tpu.memory_space<hbm>>)
      } else {
      }
      %mul3A_197 = arith.constant 128 : i32
      %mul3A_198 = arith.muli %add3A_174, %mul3A_197 : i32
      %add3A_199 = arith.addi %mul3A_2, %mul3A_198 : i32
      %rem3A_200 = arith.constant 200 : i32
      %rem3A_201 = arith.remsi %add3A_199, %rem3A_200 : i32
      %parallel_loop3A_202 = arith.constant 0 : i32
      %parallel_loop3A_203 = arith.constant 128 : i32
      %parallel_loop3A_204 = arith.constant 1 : i32
      scf.for %parallel_loop3A_376 = %parallel_loop3A_202 to %parallel_loop3A_203 step %parallel_loop3A_204  : i32 {
        %parallel_loop3A_377 = arith.addi %rem3A_201, %parallel_loop3A_376 : i32
        %parallel_loop3A_378 = arith.constant 200 : i32
        %parallel_loop3A_379 = arith.cmpi sge, %parallel_loop3A_377, %parallel_loop3A_378 : i32
        %parallel_loop3A_380 = arith.constant 200 : i32
        %parallel_loop3A_381 = arith.subi %parallel_loop3A_377, %parallel_loop3A_380 : i32
        %parallel_loop3A_382 = arith.select %parallel_loop3A_379, %parallel_loop3A_381, %parallel_loop3A_377 : i32
        %parallel_loop3A_383 = arith.index_cast %parallel_loop3A_382 : i32 to index
        %parallel_loop3A_384 = arith.constant 0 : index
        %parallel_loop3A_385 = tpu.vector_load %arg6[%parallel_loop3A_383, %parallel_loop3A_384] {strides = array<i32>} : memref<200x128xf32, #tpu.memory_space<vmem>>, vector<1x16xf32>,
        %parallel_loop3A_386 = vector.shape_cast %parallel_loop3A_385 : vector<1x16xf32> to vector<16xf32>
        %parallel_loop3A_387 = arith.index_cast %parallel_loop3A_376 : i32 to index
        %parallel_loop3A_388 = arith.constant 0 : index
        %parallel_loop3A_389 = tpu.vector_load %arg10[%parallel_loop3A_387, %parallel_loop3A_388] {strides = array<i32>} : memref<128x128xf32, #tpu.memory_space<vmem>>, vector<1x16xf32>,
        %parallel_loop3A_390 = vector.shape_cast %parallel_loop3A_389 : vector<1x16xf32> to vector<16xf32>
        %parallel_loop3A_391 = arith.addf %parallel_loop3A_390, %parallel_loop3A_386 : vector<16xf32>
        %parallel_loop3A_392 = arith.index_cast %parallel_loop3A_376 : i32 to index
        %parallel_loop3A_393 = arith.constant 0 : index
        %parallel_loop3A_394 = tpu.vector_load %arg12[%parallel_loop3A_392, %parallel_loop3A_393] {strides = array<i32>} : memref<128x64xf32, #tpu.memory_space<vmem>>, vector<1x16xf32>,
        %parallel_loop3A_395 = vector.shape_cast %parallel_loop3A_394 : vector<1x16xf32> to vector<16xf32>
        %parallel_loop3A_396 = vector.shape_cast %parallel_loop3A_391 : vector<16xf32> to vector<1x16xf32>
        tpu.vector_store %arg12[%parallel_loop3A_392, %parallel_loop3A_393], %parallel_loop3A_396 {strides = array<i32>} : memref<128x64xf32, #tpu.memory_space<vmem>>, vector<1x16xf32>,
        %parallel_loop3A_397 = arith.index_cast %parallel_loop3A_382 : i32 to index
        %parallel_loop3A_398 = arith.constant 16 : index
        %parallel_loop3A_399 = tpu.vector_load %arg6[%parallel_loop3A_397, %parallel_loop3A_398] {strides = array<i32>} : memref<200x128xf32, #tpu.memory_space<vmem>>, vector<1x16xf32>,
        %parallel_loop3A_400 = vector.shape_cast %parallel_loop3A_399 : vector<1x16xf32> to vector<16xf32>
        %parallel_loop3A_401 = arith.index_cast %parallel_loop3A_376 : i32 to index
        %parallel_loop3A_402 = arith.constant 16 : index
        %parallel_loop3A_403 = tpu.vector_load %arg10[%parallel_loop3A_401, %parallel_loop3A_402] {strides = array<i32>} : memref<128x128xf32, #tpu.memory_space<vmem>>, vector<1x16xf32>,
        %parallel_loop3A_404 = vector.shape_cast %parallel_loop3A_403 : vector<1x16xf32> to vector<16xf32>
        %parallel_loop3A_405 = arith.addf %parallel_loop3A_404, %parallel_loop3A_400 : vector<16xf32>
        %parallel_loop3A_406 = arith.index_cast %parallel_loop3A_376 : i32 to index
        %parallel_loop3A_407 = arith.constant 16 : index
        %parallel_loop3A_408 = tpu.vector_load %arg12[%parallel_loop3A_406, %parallel_loop3A_407] {strides = array<i32>} : memref<128x64xf32, #tpu.memory_space<vmem>>, vector<1x16xf32>,
        %parallel_loop3A_409 = vector.shape_cast %parallel_loop3A_408 : vector<1x16xf32> to vector<16xf32>
        %parallel_loop3A_410 = vector.shape_cast %parallel_loop3A_405 : vector<16xf32> to vector<1x16xf32>
        tpu.vector_store %arg12[%parallel_loop3A_406, %parallel_loop3A_407], %parallel_loop3A_410 {strides = array<i32>} : memref<128x64xf32, #tpu.memory_space<vmem>>, vector<1x16xf32>,
        %parallel_loop3A_411 = arith.index_cast %parallel_loop3A_382 : i32 to index
        %parallel_loop3A_412 = arith.constant 32 : index
        %parallel_loop3A_413 = tpu.vector_load %arg6[%parallel_loop3A_411, %parallel_loop3A_412] {strides = array<i32>} : memref<200x128xf32, #tpu.memory_space<vmem>>, vector<1x16xf32>,
        %parallel_loop3A_414 = vector.shape_cast %parallel_loop3A_413 : vector<1x16xf32> to vector<16xf32>
        %parallel_loop3A_415 = arith.index_cast %parallel_loop3A_376 : i32 to index
        %parallel_loop3A_416 = arith.constant 32 : index
        %parallel_loop3A_417 = tpu.vector_load %arg10[%parallel_loop3A_415, %parallel_loop3A_416] {strides = array<i32>} : memref<128x128xf32, #tpu.memory_space<vmem>>, vector<1x16xf32>,
        %parallel_loop3A_418 = vector.shape_cast %parallel_loop3A_417 : vector<1x16xf32> to vector<16xf32>
        %parallel_loop3A_419 = arith.addf %parallel_loop3A_418, %parallel_loop3A_414 : vector<16xf32>
        %parallel_loop3A_420 = arith.index_cast %parallel_loop3A_376 : i32 to index
        %parallel_loop3A_421 = arith.constant 32 : index
        %parallel_loop3A_422 = tpu.vector_load %arg12[%parallel_loop3A_420, %parallel_loop3A_421] {strides = array<i32>} : memref<128x64xf32, #tpu.memory_space<vmem>>, vector<1x16xf32>,
        %parallel_loop3A_423 = vector.shape_cast %parallel_loop3A_422 : vector<1x16xf32> to vector<16xf32>
        %parallel_loop3A_424 = vector.shape_cast %parallel_loop3A_419 : vector<16xf32> to vector<1x16xf32>
        tpu.vector_store %arg12[%parallel_loop3A_420, %parallel_loop3A_421], %parallel_loop3A_424 {strides = array<i32>} : memref<128x64xf32, #tpu.memory_space<vmem>>, vector<1x16xf32>,
        %parallel_loop3A_425 = arith.index_cast %parallel_loop3A_382 : i32 to index
        %parallel_loop3A_426 = arith.constant 48 : index
        %parallel_loop3A_427 = tpu.vector_load %arg6[%parallel_loop3A_425, %parallel_loop3A_426] {strides = array<i32>} : memref<200x128xf32, #tpu.memory_space<vmem>>, vector<1x16xf32>,
        %parallel_loop3A_428 = vector.shape_cast %parallel_loop3A_427 : vector<1x16xf32> to vector<16xf32>
        %parallel_loop3A_429 = arith.index_cast %parallel_loop3A_376 : i32 to index
        %parallel_loop3A_430 = arith.constant 48 : index
        %parallel_loop3A_431 = tpu.vector_load %arg10[%parallel_loop3A_429, %parallel_loop3A_430] {strides = array<i32>} : memref<128x128xf32, #tpu.memory_space<vmem>>, vector<1x16xf32>,
        %parallel_loop3A_432 = vector.shape_cast %parallel_loop3A_431 : vector<1x16xf32> to vector<16xf32>
        %parallel_loop3A_433 = arith.addf %parallel_loop3A_432, %parallel_loop3A_428 : vector<16xf32>
        %parallel_loop3A_434 = arith.index_cast %parallel_loop3A_376 : i32 to index
        %parallel_loop3A_435 = arith.constant 48 : index
        %parallel_loop3A_436 = tpu.vector_load %arg12[%parallel_loop3A_434, %parallel_loop3A_435] {strides = array<i32>} : memref<128x64xf32, #tpu.memory_space<vmem>>, vector<1x16xf32>,
        %parallel_loop3A_437 = vector.shape_cast %parallel_loop3A_436 : vector<1x16xf32> to vector<16xf32>
        %parallel_loop3A_438 = vector.shape_cast %parallel_loop3A_433 : vector<16xf32> to vector<1x16xf32>
        tpu.vector_store %arg12[%parallel_loop3A_434, %parallel_loop3A_435], %parallel_loop3A_438 {strides = array<i32>} : memref<128x64xf32, #tpu.memory_space<vmem>>, vector<1x16xf32>,
      } {sc.loop_unroll_factor = 4 : i64, sc.parallel_access}
      %mul3A_205 = arith.constant 128 : i32
      %mul3A_206 = arith.muli %add3A_174, %mul3A_205 : i32
      %add3A_207 = arith.addi %mul3A_2, %mul3A_206 : i32
      %dma_start3A_208 = arith.constant 0 : i32
      %dma_start3A_209 = tpu.memref_slice %arg5[%add3A_207, %dma_start3A_208] : memref<819200x64xf32, #tpu.memory_space<hbm>> -> memref<128x64xf32, #tpu.memory_space<hbm>>
      %dma_start3A_210 = arith.constant 0 : i32
      %dma_start3A_211 = tpu.memref_slice %arg5[%add3A_207, %dma_start3A_210] : memref<819200x64xf32, #tpu.memory_space<hbm>> -> memref<128x64xf32, #tpu.memory_space<hbm>>
      tpu.enqueue_dma source(%arg12 : memref<128x64xf32, #tpu.memory_space<vmem>>) target(%dma_start3A_211 : memref<128x64xf32, #tpu.memory_space<hbm>>) target_semaphore(%arg28 : memref<!tpu.dma_semaphore, #tpu.memory_space<semaphore_mem>>)
      %mul3A_212 = arith.constant 8 : i32
      %mul3A_213 = arith.muli %scan3A_53, %mul3A_212 : i32
      %add3A_214 = arith.constant 4 : i32
      %add3A_215 = arith.addi %mul3A_213, %add3A_214 : i32
      %add3A_216 = arith.constant 3 : i32
      %add3A_217 = arith.addi %add3A_215, %add3A_216 : i32
      %lt3A_218 = arith.constant 200 : i32
      %lt3A_219 = arith.cmpi slt, %add3A_217, %lt3A_218 : i32
      %convert_element_type3A_220 = arith.extui %lt3A_219 : i1 to i32
      %cond3A_221 = arith.constant 0 : i32
      %cond3A_222 = arith.cmpi ne, %convert_element_type3A_220, %cond3A_221 : i32
      scf.if %cond3A_222 {
        %ge3A_376 = arith.constant 4 : i32
        %ge3A_377 = arith.cmpi sge, %add3A_217, %ge3A_376 : i32
        %convert_element_type3A_378 = arith.extui %ge3A_377 : i1 to i32
        %cond3A_379 = arith.constant 0 : i32
        %cond3A_380 = arith.cmpi ne, %convert_element_type3A_378, %cond3A_379 : i32
        scf.if %cond3A_380 {
          %sub3A = arith.constant 4 : i32
          %sub3A_389 = arith.subi %add3A_217, %sub3A : i32
          %mul3A_390 = arith.constant 128 : i32
          %mul3A_391 = arith.muli %sub3A_389, %mul3A_390 : i32
          %add3A_392 = arith.addi %mul3A_2, %mul3A_391 : i32
          %dma_wait3A_393 = arith.constant 0 : i32
          %dma_wait3A_394 = tpu.memref_slice %arg5[%add3A_392, %dma_wait3A_393] : memref<819200x64xf32, #tpu.memory_space<hbm>> -> memref<128x64xf32, #tpu.memory_space<hbm>>
          %dma_wait3A_395 = arith.constant 0 : i32
          %dma_wait3A_396 = tpu.memref_slice %arg5[%add3A_392, %dma_wait3A_395] : memref<819200x64xf32, #tpu.memory_space<hbm>> -> memref<128x64xf32, #tpu.memory_space<hbm>>
          tpu.wait_dma2 semaphore(%arg28 : memref<!tpu.dma_semaphore, #tpu.memory_space<semaphore_mem>>) src(%arg12 : memref<128x64xf32, #tpu.memory_space<vmem>>) dst(%dma_wait3A_396 : memref<128x64xf32, #tpu.memory_space<hbm>>)
        } else {
        }
        %mul3A_381 = arith.constant 128 : i32
        %mul3A_382 = arith.muli %add3A_217, %mul3A_381 : i32
        %add3A_383 = arith.addi %mul3A_2, %mul3A_382 : i32
        %dma_wait3A_384 = tpu.memref_slice %arg2[%add3A_383] : memref<819200xi32, #tpu.memory_space<hbm>> -> memref<128xi32, #tpu.memory_space<hbm>>
        %dma_wait3A_385 = tpu.memref_slice %arg2[%add3A_383] : memref<819200xi32, #tpu.memory_space<hbm>> -> memref<128xi32, #tpu.memory_space<hbm>>
        tpu.wait_dma2 semaphore(%arg36 : memref<!tpu.dma_semaphore, #tpu.memory_space<semaphore_mem>>) src(%dma_wait3A_385 : memref<128xi32, #tpu.memory_space<hbm>>) dst(%arg20 : memref<128xi32, #tpu.memory_space<vmem>>)
        %dma_start3A_386 = arith.constant 0 : i32
        %dma_start3A_387 = arith.constant 0 : i32
        %dma_start3A_388 = tpu.memref_slice %arg3[%dma_start3A_386, %dma_start3A_387] : memref<1000000x128xf32, #tpu.memory_space<hbm>> -> memref<1000000x128xf32, #tpu.memory_space<hbm>>
        tpu.enqueue_indirect_dma source(%dma_start3A_388 : memref<1000000x128xf32, #tpu.memory_space<hbm>>) target(%arg10 : memref<128x128xf32, #tpu.memory_space<vmem>>) offsets(%arg20 : memref<128xi32, #tpu.memory_space<vmem>>) semaphore(%arg24 : memref<!tpu.dma_semaphore, #tpu.memory_space<semaphore_mem>>)
      } else {
      }
      %dma_wait3A_223 = arith.constant 0 : i32
      %dma_wait3A_224 = arith.constant 0 : i32
      %dma_wait3A_225 = tpu.memref_slice %arg3[%dma_wait3A_223, %dma_wait3A_224] : memref<1000000x128xf32, #tpu.memory_space<hbm>> -> memref<1000000x128xf32, #tpu.memory_space<hbm>>
      tpu.wait_indirect_dma semaphore(%arg21 : memref<!tpu.dma_semaphore, #tpu.memory_space<semaphore_mem>>) src(%dma_wait3A_225 : memref<1000000x128xf32, #tpu.memory_space<hbm>>) dst(%arg7 : memref<128x128xf32, #tpu.memory_space<vmem>>)
      %add3A_226 = arith.constant 8 : i32
      %add3A_227 = arith.addi %add3A_215, %add3A_226 : i32
      %lt3A_228 = arith.constant 200 : i32
      %lt3A_229 = arith.cmpi slt, %add3A_227, %lt3A_228 : i32
      %convert_element_type3A_230 = arith.extui %lt3A_229 : i1 to i32
      %cond3A_231 = arith.constant 0 : i32
      %cond3A_232 = arith.cmpi ne, %convert_element_type3A_230, %cond3A_231 : i32
      scf.if %cond3A_232 {
        %add3A_376 = arith.constant 8 : i32
        %add3A_377 = arith.addi %add3A_215, %add3A_376 : i32
        %mul3A_378 = arith.constant 128 : i32
        %mul3A_379 = arith.muli %add3A_377, %mul3A_378 : i32
        %add3A_380 = arith.addi %mul3A_2, %mul3A_379 : i32
        %dma_start3A_381 = tpu.memref_slice %arg2[%add3A_380] : memref<819200xi32, #tpu.memory_space<hbm>> -> memref<128xi32, #tpu.memory_space<hbm>>
        %dma_start3A_382 = tpu.memref_slice %arg2[%add3A_380] : memref<819200xi32, #tpu.memory_space<hbm>> -> memref<128xi32, #tpu.memory_space<hbm>>
        tpu.enqueue_dma source(%dma_start3A_382 : memref<128xi32, #tpu.memory_space<hbm>>) target(%arg17 : memref<128xi32, #tpu.memory_space<vmem>>) target_semaphore(%arg33 : memref<!tpu.dma_semaphore, #tpu.memory_space<semaphore_mem>>)
      } else {
      }
      %ge3A_233 = arith.constant 198 : i32
      %ge3A_234 = arith.cmpi sge, %add3A_215, %ge3A_233 : i32
      %convert_element_type3A_235 = arith.extui %ge3A_234 : i1 to i32
      %cond3A_236 = arith.constant 0 : i32
      %cond3A_237 = arith.cmpi ne, %convert_element_type3A_235, %cond3A_236 : i32
      scf.if %cond3A_237 {
        %sub3A = arith.constant 2 : i32
        %sub3A_376 = arith.subi %add3A_215, %sub3A : i32
        %mul3A_377 = arith.constant 128 : i32
        %mul3A_378 = arith.muli %sub3A_376, %mul3A_377 : i32
        %add3A_379 = arith.addi %mul3A_2, %mul3A_378 : i32
        %dma_wait3A_380 = arith.constant 0 : i32
        %dma_wait3A_381 = tpu.memref_slice %arg5[%add3A_379, %dma_wait3A_380] : memref<819200x64xf32, #tpu.memory_space<hbm>> -> memref<128x64xf32, #tpu.memory_space<hbm>>
        %dma_wait3A_382 = arith.constant 0 : i32
        %dma_wait3A_383 = tpu.memref_slice %arg5[%add3A_379, %dma_wait3A_382] : memref<819200x64xf32, #tpu.memory_space<hbm>> -> memref<128x64xf32, #tpu.memory_space<hbm>>
        tpu.wait_dma2 semaphore(%arg27 : memref<!tpu.dma_semaphore, #tpu.memory_space<semaphore_mem>>) src(%arg11 : memref<128x64xf32, #tpu.memory_space<vmem>>) dst(%dma_wait3A_383 : memref<128x64xf32, #tpu.memory_space<hbm>>)
      } else {
      }
      %mul3A_238 = arith.constant 128 : i32
      %mul3A_239 = arith.muli %add3A_215, %mul3A_238 : i32
      %add3A_240 = arith.addi %mul3A_2, %mul3A_239 : i32
      %rem3A_241 = arith.constant 200 : i32
      %rem3A_242 = arith.remsi %add3A_240, %rem3A_241 : i32
      %parallel_loop3A_243 = arith.constant 0 : i32
      %parallel_loop3A_244 = arith.constant 128 : i32
      %parallel_loop3A_245 = arith.constant 1 : i32
      scf.for %parallel_loop3A_376 = %parallel_loop3A_243 to %parallel_loop3A_244 step %parallel_loop3A_245  : i32 {
        %parallel_loop3A_377 = arith.addi %rem3A_242, %parallel_loop3A_376 : i32
        %parallel_loop3A_378 = arith.constant 200 : i32
        %parallel_loop3A_379 = arith.cmpi sge, %parallel_loop3A_377, %parallel_loop3A_378 : i32
        %parallel_loop3A_380 = arith.constant 200 : i32
        %parallel_loop3A_381 = arith.subi %parallel_loop3A_377, %parallel_loop3A_380 : i32
        %parallel_loop3A_382 = arith.select %parallel_loop3A_379, %parallel_loop3A_381, %parallel_loop3A_377 : i32
        %parallel_loop3A_383 = arith.index_cast %parallel_loop3A_382 : i32 to index
        %parallel_loop3A_384 = arith.constant 0 : index
        %parallel_loop3A_385 = tpu.vector_load %arg6[%parallel_loop3A_383, %parallel_loop3A_384] {strides = array<i32>} : memref<200x128xf32, #tpu.memory_space<vmem>>, vector<1x16xf32>,
        %parallel_loop3A_386 = vector.shape_cast %parallel_loop3A_385 : vector<1x16xf32> to vector<16xf32>
        %parallel_loop3A_387 = arith.index_cast %parallel_loop3A_376 : i32 to index
        %parallel_loop3A_388 = arith.constant 0 : index
        %parallel_loop3A_389 = tpu.vector_load %arg7[%parallel_loop3A_387, %parallel_loop3A_388] {strides = array<i32>} : memref<128x128xf32, #tpu.memory_space<vmem>>, vector<1x16xf32>,
        %parallel_loop3A_390 = vector.shape_cast %parallel_loop3A_389 : vector<1x16xf32> to vector<16xf32>
        %parallel_loop3A_391 = arith.addf %parallel_loop3A_390, %parallel_loop3A_386 : vector<16xf32>
        %parallel_loop3A_392 = arith.index_cast %parallel_loop3A_376 : i32 to index
        %parallel_loop3A_393 = arith.constant 0 : index
        %parallel_loop3A_394 = tpu.vector_load %arg11[%parallel_loop3A_392, %parallel_loop3A_393] {strides = array<i32>} : memref<128x64xf32, #tpu.memory_space<vmem>>, vector<1x16xf32>,
        %parallel_loop3A_395 = vector.shape_cast %parallel_loop3A_394 : vector<1x16xf32> to vector<16xf32>
        %parallel_loop3A_396 = vector.shape_cast %parallel_loop3A_391 : vector<16xf32> to vector<1x16xf32>
        tpu.vector_store %arg11[%parallel_loop3A_392, %parallel_loop3A_393], %parallel_loop3A_396 {strides = array<i32>} : memref<128x64xf32, #tpu.memory_space<vmem>>, vector<1x16xf32>,
        %parallel_loop3A_397 = arith.index_cast %parallel_loop3A_382 : i32 to index
        %parallel_loop3A_398 = arith.constant 16 : index
        %parallel_loop3A_399 = tpu.vector_load %arg6[%parallel_loop3A_397, %parallel_loop3A_398] {strides = array<i32>} : memref<200x128xf32, #tpu.memory_space<vmem>>, vector<1x16xf32>,
        %parallel_loop3A_400 = vector.shape_cast %parallel_loop3A_399 : vector<1x16xf32> to vector<16xf32>
        %parallel_loop3A_401 = arith.index_cast %parallel_loop3A_376 : i32 to index
        %parallel_loop3A_402 = arith.constant 16 : index
        %parallel_loop3A_403 = tpu.vector_load %arg7[%parallel_loop3A_401, %parallel_loop3A_402] {strides = array<i32>} : memref<128x128xf32, #tpu.memory_space<vmem>>, vector<1x16xf32>,
        %parallel_loop3A_404 = vector.shape_cast %parallel_loop3A_403 : vector<1x16xf32> to vector<16xf32>
        %parallel_loop3A_405 = arith.addf %parallel_loop3A_404, %parallel_loop3A_400 : vector<16xf32>
        %parallel_loop3A_406 = arith.index_cast %parallel_loop3A_376 : i32 to index
        %parallel_loop3A_407 = arith.constant 16 : index
        %parallel_loop3A_408 = tpu.vector_load %arg11[%parallel_loop3A_406, %parallel_loop3A_407] {strides = array<i32>} : memref<128x64xf32, #tpu.memory_space<vmem>>, vector<1x16xf32>,
        %parallel_loop3A_409 = vector.shape_cast %parallel_loop3A_408 : vector<1x16xf32> to vector<16xf32>
        %parallel_loop3A_410 = vector.shape_cast %parallel_loop3A_405 : vector<16xf32> to vector<1x16xf32>
        tpu.vector_store %arg11[%parallel_loop3A_406, %parallel_loop3A_407], %parallel_loop3A_410 {strides = array<i32>} : memref<128x64xf32, #tpu.memory_space<vmem>>, vector<1x16xf32>,
        %parallel_loop3A_411 = arith.index_cast %parallel_loop3A_382 : i32 to index
        %parallel_loop3A_412 = arith.constant 32 : index
        %parallel_loop3A_413 = tpu.vector_load %arg6[%parallel_loop3A_411, %parallel_loop3A_412] {strides = array<i32>} : memref<200x128xf32, #tpu.memory_space<vmem>>, vector<1x16xf32>,
        %parallel_loop3A_414 = vector.shape_cast %parallel_loop3A_413 : vector<1x16xf32> to vector<16xf32>
        %parallel_loop3A_415 = arith.index_cast %parallel_loop3A_376 : i32 to index
        %parallel_loop3A_416 = arith.constant 32 : index
        %parallel_loop3A_417 = tpu.vector_load %arg7[%parallel_loop3A_415, %parallel_loop3A_416] {strides = array<i32>} : memref<128x128xf32, #tpu.memory_space<vmem>>, vector<1x16xf32>,
        %parallel_loop3A_418 = vector.shape_cast %parallel_loop3A_417 : vector<1x16xf32> to vector<16xf32>
        %parallel_loop3A_419 = arith.addf %parallel_loop3A_418, %parallel_loop3A_414 : vector<16xf32>
        %parallel_loop3A_420 = arith.index_cast %parallel_loop3A_376 : i32 to index
        %parallel_loop3A_421 = arith.constant 32 : index
        %parallel_loop3A_422 = tpu.vector_load %arg11[%parallel_loop3A_420, %parallel_loop3A_421] {strides = array<i32>} : memref<128x64xf32, #tpu.memory_space<vmem>>, vector<1x16xf32>,
        %parallel_loop3A_423 = vector.shape_cast %parallel_loop3A_422 : vector<1x16xf32> to vector<16xf32>
        %parallel_loop3A_424 = vector.shape_cast %parallel_loop3A_419 : vector<16xf32> to vector<1x16xf32>
        tpu.vector_store %arg11[%parallel_loop3A_420, %parallel_loop3A_421], %parallel_loop3A_424 {strides = array<i32>} : memref<128x64xf32, #tpu.memory_space<vmem>>, vector<1x16xf32>,
        %parallel_loop3A_425 = arith.index_cast %parallel_loop3A_382 : i32 to index
        %parallel_loop3A_426 = arith.constant 48 : index
        %parallel_loop3A_427 = tpu.vector_load %arg6[%parallel_loop3A_425, %parallel_loop3A_426] {strides = array<i32>} : memref<200x128xf32, #tpu.memory_space<vmem>>, vector<1x16xf32>,
        %parallel_loop3A_428 = vector.shape_cast %parallel_loop3A_427 : vector<1x16xf32> to vector<16xf32>
        %parallel_loop3A_429 = arith.index_cast %parallel_loop3A_376 : i32 to index
        %parallel_loop3A_430 = arith.constant 48 : index
        %parallel_loop3A_431 = tpu.vector_load %arg7[%parallel_loop3A_429, %parallel_loop3A_430] {strides = array<i32>} : memref<128x128xf32, #tpu.memory_space<vmem>>, vector<1x16xf32>,
        %parallel_loop3A_432 = vector.shape_cast %parallel_loop3A_431 : vector<1x16xf32> to vector<16xf32>
        %parallel_loop3A_433 = arith.addf %parallel_loop3A_432, %parallel_loop3A_428 : vector<16xf32>
        %parallel_loop3A_434 = arith.index_cast %parallel_loop3A_376 : i32 to index
        %parallel_loop3A_435 = arith.constant 48 : index
        %parallel_loop3A_436 = tpu.vector_load %arg11[%parallel_loop3A_434, %parallel_loop3A_435] {strides = array<i32>} : memref<128x64xf32, #tpu.memory_space<vmem>>, vector<1x16xf32>,
        %parallel_loop3A_437 = vector.shape_cast %parallel_loop3A_436 : vector<1x16xf32> to vector<16xf32>
        %parallel_loop3A_438 = vector.shape_cast %parallel_loop3A_433 : vector<16xf32> to vector<1x16xf32>
        tpu.vector_store %arg11[%parallel_loop3A_434, %parallel_loop3A_435], %parallel_loop3A_438 {strides = array<i32>} : memref<128x64xf32, #tpu.memory_space<vmem>>, vector<1x16xf32>,
      } {sc.loop_unroll_factor = 4 : i64, sc.parallel_access}
      %mul3A_246 = arith.constant 128 : i32
      %mul3A_247 = arith.muli %add3A_215, %mul3A_246 : i32
      %add3A_248 = arith.addi %mul3A_2, %mul3A_247 : i32
      %dma_start3A_249 = arith.constant 0 : i32
      %dma_start3A_250 = tpu.memref_slice %arg5[%add3A_248, %dma_start3A_249] : memref<819200x64xf32, #tpu.memory_space<hbm>> -> memref<128x64xf32, #tpu.memory_space<hbm>>
      %dma_start3A_251 = arith.constant 0 : i32
      %dma_start3A_252 = tpu.memref_slice %arg5[%add3A_248, %dma_start3A_251] : memref<819200x64xf32, #tpu.memory_space<hbm>> -> memref<128x64xf32, #tpu.memory_space<hbm>>
      tpu.enqueue_dma source(%arg11 : memref<128x64xf32, #tpu.memory_space<vmem>>) target(%dma_start3A_252 : memref<128x64xf32, #tpu.memory_space<hbm>>) target_semaphore(%arg25 : memref<!tpu.dma_semaphore, #tpu.memory_space<semaphore_mem>>)
      %mul3A_253 = arith.constant 8 : i32
      %mul3A_254 = arith.muli %scan3A_53, %mul3A_253 : i32
      %add3A_255 = arith.constant 5 : i32
      %add3A_256 = arith.addi %mul3A_254, %add3A_255 : i32
      %add3A_257 = arith.constant 3 : i32
      %add3A_258 = arith.addi %add3A_256, %add3A_257 : i32
      %lt3A_259 = arith.constant 200 : i32
      %lt3A_260 = arith.cmpi slt, %add3A_258, %lt3A_259 : i32
      %convert_element_type3A_261 = arith.extui %lt3A_260 : i1 to i32
      %cond3A_262 = arith.constant 0 : i32
      %cond3A_263 = arith.cmpi ne, %convert_element_type3A_261, %cond3A_262 : i32
      scf.if %cond3A_263 {
        %ge3A_376 = arith.constant 4 : i32
        %ge3A_377 = arith.cmpi sge, %add3A_258, %ge3A_376 : i32
        %convert_element_type3A_378 = arith.extui %ge3A_377 : i1 to i32
        %cond3A_379 = arith.constant 0 : i32
        %cond3A_380 = arith.cmpi ne, %convert_element_type3A_378, %cond3A_379 : i32
        scf.if %cond3A_380 {
          %sub3A = arith.constant 4 : i32
          %sub3A_389 = arith.subi %add3A_258, %sub3A : i32
          %mul3A_390 = arith.constant 128 : i32
          %mul3A_391 = arith.muli %sub3A_389, %mul3A_390 : i32
          %add3A_392 = arith.addi %mul3A_2, %mul3A_391 : i32
          %dma_wait3A_393 = arith.constant 0 : i32
          %dma_wait3A_394 = tpu.memref_slice %arg5[%add3A_392, %dma_wait3A_393] : memref<819200x64xf32, #tpu.memory_space<hbm>> -> memref<128x64xf32, #tpu.memory_space<hbm>>
          %dma_wait3A_395 = arith.constant 0 : i32
          %dma_wait3A_396 = tpu.memref_slice %arg5[%add3A_392, %dma_wait3A_395] : memref<819200x64xf32, #tpu.memory_space<hbm>> -> memref<128x64xf32, #tpu.memory_space<hbm>>
          tpu.wait_dma2 semaphore(%arg25 : memref<!tpu.dma_semaphore, #tpu.memory_space<semaphore_mem>>) src(%arg11 : memref<128x64xf32, #tpu.memory_space<vmem>>) dst(%dma_wait3A_396 : memref<128x64xf32, #tpu.memory_space<hbm>>)
        } else {
        }
        %mul3A_381 = arith.constant 128 : i32
        %mul3A_382 = arith.muli %add3A_258, %mul3A_381 : i32
        %add3A_383 = arith.addi %mul3A_2, %mul3A_382 : i32
        %dma_wait3A_384 = tpu.memref_slice %arg2[%add3A_383] : memref<819200xi32, #tpu.memory_space<hbm>> -> memref<128xi32, #tpu.memory_space<hbm>>
        %dma_wait3A_385 = tpu.memref_slice %arg2[%add3A_383] : memref<819200xi32, #tpu.memory_space<hbm>> -> memref<128xi32, #tpu.memory_space<hbm>>
        tpu.wait_dma2 semaphore(%arg29 : memref<!tpu.dma_semaphore, #tpu.memory_space<semaphore_mem>>) src(%dma_wait3A_385 : memref<128xi32, #tpu.memory_space<hbm>>) dst(%arg13 : memref<128xi32, #tpu.memory_space<vmem>>)
        %dma_start3A_386 = arith.constant 0 : i32
        %dma_start3A_387 = arith.constant 0 : i32
        %dma_start3A_388 = tpu.memref_slice %arg3[%dma_start3A_386, %dma_start3A_387] : memref<1000000x128xf32, #tpu.memory_space<hbm>> -> memref<1000000x128xf32, #tpu.memory_space<hbm>>
        tpu.enqueue_indirect_dma source(%dma_start3A_388 : memref<1000000x128xf32, #tpu.memory_space<hbm>>) target(%arg7 : memref<128x128xf32, #tpu.memory_space<vmem>>) offsets(%arg13 : memref<128xi32, #tpu.memory_space<vmem>>) semaphore(%arg21 : memref<!tpu.dma_semaphore, #tpu.memory_space<semaphore_mem>>)
      } else {
      }
      %dma_wait3A_264 = arith.constant 0 : i32
      %dma_wait3A_265 = arith.constant 0 : i32
      %dma_wait3A_266 = tpu.memref_slice %arg3[%dma_wait3A_264, %dma_wait3A_265] : memref<1000000x128xf32, #tpu.memory_space<hbm>> -> memref<1000000x128xf32, #tpu.memory_space<hbm>>
      tpu.wait_indirect_dma semaphore(%arg22 : memref<!tpu.dma_semaphore, #tpu.memory_space<semaphore_mem>>) src(%dma_wait3A_266 : memref<1000000x128xf32, #tpu.memory_space<hbm>>) dst(%arg8 : memref<128x128xf32, #tpu.memory_space<vmem>>)
      %add3A_267 = arith.constant 8 : i32
      %add3A_268 = arith.addi %add3A_256, %add3A_267 : i32
      %lt3A_269 = arith.constant 200 : i32
      %lt3A_270 = arith.cmpi slt, %add3A_268, %lt3A_269 : i32
      %convert_element_type3A_271 = arith.extui %lt3A_270 : i1 to i32
      %cond3A_272 = arith.constant 0 : i32
      %cond3A_273 = arith.cmpi ne, %convert_element_type3A_271, %cond3A_272 : i32
      scf.if %cond3A_273 {
        %add3A_376 = arith.constant 8 : i32
        %add3A_377 = arith.addi %add3A_256, %add3A_376 : i32
        %mul3A_378 = arith.constant 128 : i32
        %mul3A_379 = arith.muli %add3A_377, %mul3A_378 : i32
        %add3A_380 = arith.addi %mul3A_2, %mul3A_379 : i32
        %dma_start3A_381 = tpu.memref_slice %arg2[%add3A_380] : memref<819200xi32, #tpu.memory_space<hbm>> -> memref<128xi32, #tpu.memory_space<hbm>>
        %dma_start3A_382 = tpu.memref_slice %arg2[%add3A_380] : memref<819200xi32, #tpu.memory_space<hbm>> -> memref<128xi32, #tpu.memory_space<hbm>>
        tpu.enqueue_dma source(%dma_start3A_382 : memref<128xi32, #tpu.memory_space<hbm>>) target(%arg18 : memref<128xi32, #tpu.memory_space<vmem>>) target_semaphore(%arg34 : memref<!tpu.dma_semaphore, #tpu.memory_space<semaphore_mem>>)
      } else {
      }
      %ge3A_274 = arith.constant 198 : i32
      %ge3A_275 = arith.cmpi sge, %add3A_256, %ge3A_274 : i32
      %convert_element_type3A_276 = arith.extui %ge3A_275 : i1 to i32
      %cond3A_277 = arith.constant 0 : i32
      %cond3A_278 = arith.cmpi ne, %convert_element_type3A_276, %cond3A_277 : i32
      scf.if %cond3A_278 {
        %sub3A = arith.constant 2 : i32
        %sub3A_376 = arith.subi %add3A_256, %sub3A : i32
        %mul3A_377 = arith.constant 128 : i32
        %mul3A_378 = arith.muli %sub3A_376, %mul3A_377 : i32
        %add3A_379 = arith.addi %mul3A_2, %mul3A_378 : i32
        %dma_wait3A_380 = arith.constant 0 : i32
        %dma_wait3A_381 = tpu.memref_slice %arg5[%add3A_379, %dma_wait3A_380] : memref<819200x64xf32, #tpu.memory_space<hbm>> -> memref<128x64xf32, #tpu.memory_space<hbm>>
        %dma_wait3A_382 = arith.constant 0 : i32
        %dma_wait3A_383 = tpu.memref_slice %arg5[%add3A_379, %dma_wait3A_382] : memref<819200x64xf32, #tpu.memory_space<hbm>> -> memref<128x64xf32, #tpu.memory_space<hbm>>
        tpu.wait_dma2 semaphore(%arg28 : memref<!tpu.dma_semaphore, #tpu.memory_space<semaphore_mem>>) src(%arg12 : memref<128x64xf32, #tpu.memory_space<vmem>>) dst(%dma_wait3A_383 : memref<128x64xf32, #tpu.memory_space<hbm>>)
      } else {
      }
      %mul3A_279 = arith.constant 128 : i32
      %mul3A_280 = arith.muli %add3A_256, %mul3A_279 : i32
      %add3A_281 = arith.addi %mul3A_2, %mul3A_280 : i32
      %rem3A_282 = arith.constant 200 : i32
      %rem3A_283 = arith.remsi %add3A_281, %rem3A_282 : i32
      %parallel_loop3A_284 = arith.constant 0 : i32
      %parallel_loop3A_285 = arith.constant 128 : i32
      %parallel_loop3A_286 = arith.constant 1 : i32
      scf.for %parallel_loop3A_376 = %parallel_loop3A_284 to %parallel_loop3A_285 step %parallel_loop3A_286  : i32 {
        %parallel_loop3A_377 = arith.addi %rem3A_283, %parallel_loop3A_376 : i32
        %parallel_loop3A_378 = arith.constant 200 : i32
        %parallel_loop3A_379 = arith.cmpi sge, %parallel_loop3A_377, %parallel_loop3A_378 : i32
        %parallel_loop3A_380 = arith.constant 200 : i32
        %parallel_loop3A_381 = arith.subi %parallel_loop3A_377, %parallel_loop3A_380 : i32
        %parallel_loop3A_382 = arith.select %parallel_loop3A_379, %parallel_loop3A_381, %parallel_loop3A_377 : i32
        %parallel_loop3A_383 = arith.index_cast %parallel_loop3A_382 : i32 to index
        %parallel_loop3A_384 = arith.constant 0 : index
        %parallel_loop3A_385 = tpu.vector_load %arg6[%parallel_loop3A_383, %parallel_loop3A_384] {strides = array<i32>} : memref<200x128xf32, #tpu.memory_space<vmem>>, vector<1x16xf32>,
        %parallel_loop3A_386 = vector.shape_cast %parallel_loop3A_385 : vector<1x16xf32> to vector<16xf32>
        %parallel_loop3A_387 = arith.index_cast %parallel_loop3A_376 : i32 to index
        %parallel_loop3A_388 = arith.constant 0 : index
        %parallel_loop3A_389 = tpu.vector_load %arg8[%parallel_loop3A_387, %parallel_loop3A_388] {strides = array<i32>} : memref<128x128xf32, #tpu.memory_space<vmem>>, vector<1x16xf32>,
        %parallel_loop3A_390 = vector.shape_cast %parallel_loop3A_389 : vector<1x16xf32> to vector<16xf32>
        %parallel_loop3A_391 = arith.addf %parallel_loop3A_390, %parallel_loop3A_386 : vector<16xf32>
        %parallel_loop3A_392 = arith.index_cast %parallel_loop3A_376 : i32 to index
        %parallel_loop3A_393 = arith.constant 0 : index
        %parallel_loop3A_394 = tpu.vector_load %arg12[%parallel_loop3A_392, %parallel_loop3A_393] {strides = array<i32>} : memref<128x64xf32, #tpu.memory_space<vmem>>, vector<1x16xf32>,
        %parallel_loop3A_395 = vector.shape_cast %parallel_loop3A_394 : vector<1x16xf32> to vector<16xf32>
        %parallel_loop3A_396 = vector.shape_cast %parallel_loop3A_391 : vector<16xf32> to vector<1x16xf32>
        tpu.vector_store %arg12[%parallel_loop3A_392, %parallel_loop3A_393], %parallel_loop3A_396 {strides = array<i32>} : memref<128x64xf32, #tpu.memory_space<vmem>>, vector<1x16xf32>,
        %parallel_loop3A_397 = arith.index_cast %parallel_loop3A_382 : i32 to index
        %parallel_loop3A_398 = arith.constant 16 : index
        %parallel_loop3A_399 = tpu.vector_load %arg6[%parallel_loop3A_397, %parallel_loop3A_398] {strides = array<i32>} : memref<200x128xf32, #tpu.memory_space<vmem>>, vector<1x16xf32>,
        %parallel_loop3A_400 = vector.shape_cast %parallel_loop3A_399 : vector<1x16xf32> to vector<16xf32>
        %parallel_loop3A_401 = arith.index_cast %parallel_loop3A_376 : i32 to index
        %parallel_loop3A_402 = arith.constant 16 : index
        %parallel_loop3A_403 = tpu.vector_load %arg8[%parallel_loop3A_401, %parallel_loop3A_402] {strides = array<i32>} : memref<128x128xf32, #tpu.memory_space<vmem>>, vector<1x16xf32>,
        %parallel_loop3A_404 = vector.shape_cast %parallel_loop3A_403 : vector<1x16xf32> to vector<16xf32>
        %parallel_loop3A_405 = arith.addf %parallel_loop3A_404, %parallel_loop3A_400 : vector<16xf32>
        %parallel_loop3A_406 = arith.index_cast %parallel_loop3A_376 : i32 to index
        %parallel_loop3A_407 = arith.constant 16 : index
        %parallel_loop3A_408 = tpu.vector_load %arg12[%parallel_loop3A_406, %parallel_loop3A_407] {strides = array<i32>} : memref<128x64xf32, #tpu.memory_space<vmem>>, vector<1x16xf32>,
        %parallel_loop3A_409 = vector.shape_cast %parallel_loop3A_408 : vector<1x16xf32> to vector<16xf32>
        %parallel_loop3A_410 = vector.shape_cast %parallel_loop3A_405 : vector<16xf32> to vector<1x16xf32>
        tpu.vector_store %arg12[%parallel_loop3A_406, %parallel_loop3A_407], %parallel_loop3A_410 {strides = array<i32>} : memref<128x64xf32, #tpu.memory_space<vmem>>, vector<1x16xf32>,
        %parallel_loop3A_411 = arith.index_cast %parallel_loop3A_382 : i32 to index
        %parallel_loop3A_412 = arith.constant 32 : index
        %parallel_loop3A_413 = tpu.vector_load %arg6[%parallel_loop3A_411, %parallel_loop3A_412] {strides = array<i32>} : memref<200x128xf32, #tpu.memory_space<vmem>>, vector<1x16xf32>,
        %parallel_loop3A_414 = vector.shape_cast %parallel_loop3A_413 : vector<1x16xf32> to vector<16xf32>
        %parallel_loop3A_415 = arith.index_cast %parallel_loop3A_376 : i32 to index
        %parallel_loop3A_416 = arith.constant 32 : index
        %parallel_loop3A_417 = tpu.vector_load %arg8[%parallel_loop3A_415, %parallel_loop3A_416] {strides = array<i32>} : memref<128x128xf32, #tpu.memory_space<vmem>>, vector<1x16xf32>,
        %parallel_loop3A_418 = vector.shape_cast %parallel_loop3A_417 : vector<1x16xf32> to vector<16xf32>
        %parallel_loop3A_419 = arith.addf %parallel_loop3A_418, %parallel_loop3A_414 : vector<16xf32>
        %parallel_loop3A_420 = arith.index_cast %parallel_loop3A_376 : i32 to index
        %parallel_loop3A_421 = arith.constant 32 : index
        %parallel_loop3A_422 = tpu.vector_load %arg12[%parallel_loop3A_420, %parallel_loop3A_421] {strides = array<i32>} : memref<128x64xf32, #tpu.memory_space<vmem>>, vector<1x16xf32>,
        %parallel_loop3A_423 = vector.shape_cast %parallel_loop3A_422 : vector<1x16xf32> to vector<16xf32>
        %parallel_loop3A_424 = vector.shape_cast %parallel_loop3A_419 : vector<16xf32> to vector<1x16xf32>
        tpu.vector_store %arg12[%parallel_loop3A_420, %parallel_loop3A_421], %parallel_loop3A_424 {strides = array<i32>} : memref<128x64xf32, #tpu.memory_space<vmem>>, vector<1x16xf32>,
        %parallel_loop3A_425 = arith.index_cast %parallel_loop3A_382 : i32 to index
        %parallel_loop3A_426 = arith.constant 48 : index
        %parallel_loop3A_427 = tpu.vector_load %arg6[%parallel_loop3A_425, %parallel_loop3A_426] {strides = array<i32>} : memref<200x128xf32, #tpu.memory_space<vmem>>, vector<1x16xf32>,
        %parallel_loop3A_428 = vector.shape_cast %parallel_loop3A_427 : vector<1x16xf32> to vector<16xf32>
        %parallel_loop3A_429 = arith.index_cast %parallel_loop3A_376 : i32 to index
        %parallel_loop3A_430 = arith.constant 48 : index
        %parallel_loop3A_431 = tpu.vector_load %arg8[%parallel_loop3A_429, %parallel_loop3A_430] {strides = array<i32>} : memref<128x128xf32, #tpu.memory_space<vmem>>, vector<1x16xf32>,
        %parallel_loop3A_432 = vector.shape_cast %parallel_loop3A_431 : vector<1x16xf32> to vector<16xf32>
        %parallel_loop3A_433 = arith.addf %parallel_loop3A_432, %parallel_loop3A_428 : vector<16xf32>
        %parallel_loop3A_434 = arith.index_cast %parallel_loop3A_376 : i32 to index
        %parallel_loop3A_435 = arith.constant 48 : index
        %parallel_loop3A_436 = tpu.vector_load %arg12[%parallel_loop3A_434, %parallel_loop3A_435] {strides = array<i32>} : memref<128x64xf32, #tpu.memory_space<vmem>>, vector<1x16xf32>,
        %parallel_loop3A_437 = vector.shape_cast %parallel_loop3A_436 : vector<1x16xf32> to vector<16xf32>
        %parallel_loop3A_438 = vector.shape_cast %parallel_loop3A_433 : vector<16xf32> to vector<1x16xf32>
        tpu.vector_store %arg12[%parallel_loop3A_434, %parallel_loop3A_435], %parallel_loop3A_438 {strides = array<i32>} : memref<128x64xf32, #tpu.memory_space<vmem>>, vector<1x16xf32>,
      } {sc.loop_unroll_factor = 4 : i64, sc.parallel_access}
      %mul3A_287 = arith.constant 128 : i32
      %mul3A_288 = arith.muli %add3A_256, %mul3A_287 : i32
      %add3A_289 = arith.addi %mul3A_2, %mul3A_288 : i32
      %dma_start3A_290 = arith.constant 0 : i32
      %dma_start3A_291 = tpu.memref_slice %arg5[%add3A_289, %dma_start3A_290] : memref<819200x64xf32, #tpu.memory_space<hbm>> -> memref<128x64xf32, #tpu.memory_space<hbm>>
      %dma_start3A_292 = arith.constant 0 : i32
      %dma_start3A_293 = tpu.memref_slice %arg5[%add3A_289, %dma_start3A_292] : memref<819200x64xf32, #tpu.memory_space<hbm>> -> memref<128x64xf32, #tpu.memory_space<hbm>>
      tpu.enqueue_dma source(%arg12 : memref<128x64xf32, #tpu.memory_space<vmem>>) target(%dma_start3A_293 : memref<128x64xf32, #tpu.memory_space<hbm>>) target_semaphore(%arg26 : memref<!tpu.dma_semaphore, #tpu.memory_space<semaphore_mem>>)
      %mul3A_294 = arith.constant 8 : i32
      %mul3A_295 = arith.muli %scan3A_53, %mul3A_294 : i32
      %add3A_296 = arith.constant 6 : i32
      %add3A_297 = arith.addi %mul3A_295, %add3A_296 : i32
      %add3A_298 = arith.constant 3 : i32
      %add3A_299 = arith.addi %add3A_297, %add3A_298 : i32
      %lt3A_300 = arith.constant 200 : i32
      %lt3A_301 = arith.cmpi slt, %add3A_299, %lt3A_300 : i32
      %convert_element_type3A_302 = arith.extui %lt3A_301 : i1 to i32
      %cond3A_303 = arith.constant 0 : i32
      %cond3A_304 = arith.cmpi ne, %convert_element_type3A_302, %cond3A_303 : i32
      scf.if %cond3A_304 {
        %ge3A_376 = arith.constant 4 : i32
        %ge3A_377 = arith.cmpi sge, %add3A_299, %ge3A_376 : i32
        %convert_element_type3A_378 = arith.extui %ge3A_377 : i1 to i32
        %cond3A_379 = arith.constant 0 : i32
        %cond3A_380 = arith.cmpi ne, %convert_element_type3A_378, %cond3A_379 : i32
        scf.if %cond3A_380 {
          %sub3A = arith.constant 4 : i32
          %sub3A_389 = arith.subi %add3A_299, %sub3A : i32
          %mul3A_390 = arith.constant 128 : i32
          %mul3A_391 = arith.muli %sub3A_389, %mul3A_390 : i32
          %add3A_392 = arith.addi %mul3A_2, %mul3A_391 : i32
          %dma_wait3A_393 = arith.constant 0 : i32
          %dma_wait3A_394 = tpu.memref_slice %arg5[%add3A_392, %dma_wait3A_393] : memref<819200x64xf32, #tpu.memory_space<hbm>> -> memref<128x64xf32, #tpu.memory_space<hbm>>
          %dma_wait3A_395 = arith.constant 0 : i32
          %dma_wait3A_396 = tpu.memref_slice %arg5[%add3A_392, %dma_wait3A_395] : memref<819200x64xf32, #tpu.memory_space<hbm>> -> memref<128x64xf32, #tpu.memory_space<hbm>>
          tpu.wait_dma2 semaphore(%arg26 : memref<!tpu.dma_semaphore, #tpu.memory_space<semaphore_mem>>) src(%arg12 : memref<128x64xf32, #tpu.memory_space<vmem>>) dst(%dma_wait3A_396 : memref<128x64xf32, #tpu.memory_space<hbm>>)
        } else {
        }
        %mul3A_381 = arith.constant 128 : i32
        %mul3A_382 = arith.muli %add3A_299, %mul3A_381 : i32
        %add3A_383 = arith.addi %mul3A_2, %mul3A_382 : i32
        %dma_wait3A_384 = tpu.memref_slice %arg2[%add3A_383] : memref<819200xi32, #tpu.memory_space<hbm>> -> memref<128xi32, #tpu.memory_space<hbm>>
        %dma_wait3A_385 = tpu.memref_slice %arg2[%add3A_383] : memref<819200xi32, #tpu.memory_space<hbm>> -> memref<128xi32, #tpu.memory_space<hbm>>
        tpu.wait_dma2 semaphore(%arg30 : memref<!tpu.dma_semaphore, #tpu.memory_space<semaphore_mem>>) src(%dma_wait3A_385 : memref<128xi32, #tpu.memory_space<hbm>>) dst(%arg14 : memref<128xi32, #tpu.memory_space<vmem>>)
        %dma_start3A_386 = arith.constant 0 : i32
        %dma_start3A_387 = arith.constant 0 : i32
        %dma_start3A_388 = tpu.memref_slice %arg3[%dma_start3A_386, %dma_start3A_387] : memref<1000000x128xf32, #tpu.memory_space<hbm>> -> memref<1000000x128xf32, #tpu.memory_space<hbm>>
        tpu.enqueue_indirect_dma source(%dma_start3A_388 : memref<1000000x128xf32, #tpu.memory_space<hbm>>) target(%arg8 : memref<128x128xf32, #tpu.memory_space<vmem>>) offsets(%arg14 : memref<128xi32, #tpu.memory_space<vmem>>) semaphore(%arg22 : memref<!tpu.dma_semaphore, #tpu.memory_space<semaphore_mem>>)
      } else {
      }
      %dma_wait3A_305 = arith.constant 0 : i32
      %dma_wait3A_306 = arith.constant 0 : i32
      %dma_wait3A_307 = tpu.memref_slice %arg3[%dma_wait3A_305, %dma_wait3A_306] : memref<1000000x128xf32, #tpu.memory_space<hbm>> -> memref<1000000x128xf32, #tpu.memory_space<hbm>>
      tpu.wait_indirect_dma semaphore(%arg23 : memref<!tpu.dma_semaphore, #tpu.memory_space<semaphore_mem>>) src(%dma_wait3A_307 : memref<1000000x128xf32, #tpu.memory_space<hbm>>) dst(%arg9 : memref<128x128xf32, #tpu.memory_space<vmem>>)
      %add3A_308 = arith.constant 8 : i32
      %add3A_309 = arith.addi %add3A_297, %add3A_308 : i32
      %lt3A_310 = arith.constant 200 : i32
      %lt3A_311 = arith.cmpi slt, %add3A_309, %lt3A_310 : i32
      %convert_element_type3A_312 = arith.extui %lt3A_311 : i1 to i32
      %cond3A_313 = arith.constant 0 : i32
      %cond3A_314 = arith.cmpi ne, %convert_element_type3A_312, %cond3A_313 : i32
      scf.if %cond3A_314 {
        %add3A_376 = arith.constant 8 : i32
        %add3A_377 = arith.addi %add3A_297, %add3A_376 : i32
        %mul3A_378 = arith.constant 128 : i32
        %mul3A_379 = arith.muli %add3A_377, %mul3A_378 : i32
        %add3A_380 = arith.addi %mul3A_2, %mul3A_379 : i32
        %dma_start3A_381 = tpu.memref_slice %arg2[%add3A_380] : memref<819200xi32, #tpu.memory_space<hbm>> -> memref<128xi32, #tpu.memory_space<hbm>>
        %dma_start3A_382 = tpu.memref_slice %arg2[%add3A_380] : memref<819200xi32, #tpu.memory_space<hbm>> -> memref<128xi32, #tpu.memory_space<hbm>>
        tpu.enqueue_dma source(%dma_start3A_382 : memref<128xi32, #tpu.memory_space<hbm>>) target(%arg19 : memref<128xi32, #tpu.memory_space<vmem>>) target_semaphore(%arg35 : memref<!tpu.dma_semaphore, #tpu.memory_space<semaphore_mem>>)
      } else {
      }
      %ge3A_315 = arith.constant 198 : i32
      %ge3A_316 = arith.cmpi sge, %add3A_297, %ge3A_315 : i32
      %convert_element_type3A_317 = arith.extui %ge3A_316 : i1 to i32
      %cond3A_318 = arith.constant 0 : i32
      %cond3A_319 = arith.cmpi ne, %convert_element_type3A_317, %cond3A_318 : i32
      scf.if %cond3A_319 {
        %sub3A = arith.constant 2 : i32
        %sub3A_376 = arith.subi %add3A_297, %sub3A : i32
        %mul3A_377 = arith.constant 128 : i32
        %mul3A_378 = arith.muli %sub3A_376, %mul3A_377 : i32
        %add3A_379 = arith.addi %mul3A_2, %mul3A_378 : i32
        %dma_wait3A_380 = arith.constant 0 : i32
        %dma_wait3A_381 = tpu.memref_slice %arg5[%add3A_379, %dma_wait3A_380] : memref<819200x64xf32, #tpu.memory_space<hbm>> -> memref<128x64xf32, #tpu.memory_space<hbm>>
        %dma_wait3A_382 = arith.constant 0 : i32
        %dma_wait3A_383 = tpu.memref_slice %arg5[%add3A_379, %dma_wait3A_382] : memref<819200x64xf32, #tpu.memory_space<hbm>> -> memref<128x64xf32, #tpu.memory_space<hbm>>
        tpu.wait_dma2 semaphore(%arg25 : memref<!tpu.dma_semaphore, #tpu.memory_space<semaphore_mem>>) src(%arg11 : memref<128x64xf32, #tpu.memory_space<vmem>>) dst(%dma_wait3A_383 : memref<128x64xf32, #tpu.memory_space<hbm>>)
      } else {
      }
      %mul3A_320 = arith.constant 128 : i32
      %mul3A_321 = arith.muli %add3A_297, %mul3A_320 : i32
      %add3A_322 = arith.addi %mul3A_2, %mul3A_321 : i32
      %rem3A_323 = arith.constant 200 : i32
      %rem3A_324 = arith.remsi %add3A_322, %rem3A_323 : i32
      %parallel_loop3A_325 = arith.constant 0 : i32
      %parallel_loop3A_326 = arith.constant 128 : i32
      %parallel_loop3A_327 = arith.constant 1 : i32
      scf.for %parallel_loop3A_376 = %parallel_loop3A_325 to %parallel_loop3A_326 step %parallel_loop3A_327  : i32 {
        %parallel_loop3A_377 = arith.addi %rem3A_324, %parallel_loop3A_376 : i32
        %parallel_loop3A_378 = arith.constant 200 : i32
        %parallel_loop3A_379 = arith.cmpi sge, %parallel_loop3A_377, %parallel_loop3A_378 : i32
        %parallel_loop3A_380 = arith.constant 200 : i32
        %parallel_loop3A_381 = arith.subi %parallel_loop3A_377, %parallel_loop3A_380 : i32
        %parallel_loop3A_382 = arith.select %parallel_loop3A_379, %parallel_loop3A_381, %parallel_loop3A_377 : i32
        %parallel_loop3A_383 = arith.index_cast %parallel_loop3A_382 : i32 to index
        %parallel_loop3A_384 = arith.constant 0 : index
        %parallel_loop3A_385 = tpu.vector_load %arg6[%parallel_loop3A_383, %parallel_loop3A_384] {strides = array<i32>} : memref<200x128xf32, #tpu.memory_space<vmem>>, vector<1x16xf32>,
        %parallel_loop3A_386 = vector.shape_cast %parallel_loop3A_385 : vector<1x16xf32> to vector<16xf32>
        %parallel_loop3A_387 = arith.index_cast %parallel_loop3A_376 : i32 to index
        %parallel_loop3A_388 = arith.constant 0 : index
        %parallel_loop3A_389 = tpu.vector_load %arg9[%parallel_loop3A_387, %parallel_loop3A_388] {strides = array<i32>} : memref<128x128xf32, #tpu.memory_space<vmem>>, vector<1x16xf32>,
        %parallel_loop3A_390 = vector.shape_cast %parallel_loop3A_389 : vector<1x16xf32> to vector<16xf32>
        %parallel_loop3A_391 = arith.addf %parallel_loop3A_390, %parallel_loop3A_386 : vector<16xf32>
        %parallel_loop3A_392 = arith.index_cast %parallel_loop3A_376 : i32 to index
        %parallel_loop3A_393 = arith.constant 0 : index
        %parallel_loop3A_394 = tpu.vector_load %arg11[%parallel_loop3A_392, %parallel_loop3A_393] {strides = array<i32>} : memref<128x64xf32, #tpu.memory_space<vmem>>, vector<1x16xf32>,
        %parallel_loop3A_395 = vector.shape_cast %parallel_loop3A_394 : vector<1x16xf32> to vector<16xf32>
        %parallel_loop3A_396 = vector.shape_cast %parallel_loop3A_391 : vector<16xf32> to vector<1x16xf32>
        tpu.vector_store %arg11[%parallel_loop3A_392, %parallel_loop3A_393], %parallel_loop3A_396 {strides = array<i32>} : memref<128x64xf32, #tpu.memory_space<vmem>>, vector<1x16xf32>,
        %parallel_loop3A_397 = arith.index_cast %parallel_loop3A_382 : i32 to index
        %parallel_loop3A_398 = arith.constant 16 : index
        %parallel_loop3A_399 = tpu.vector_load %arg6[%parallel_loop3A_397, %parallel_loop3A_398] {strides = array<i32>} : memref<200x128xf32, #tpu.memory_space<vmem>>, vector<1x16xf32>,
        %parallel_loop3A_400 = vector.shape_cast %parallel_loop3A_399 : vector<1x16xf32> to vector<16xf32>
        %parallel_loop3A_401 = arith.index_cast %parallel_loop3A_376 : i32 to index
        %parallel_loop3A_402 = arith.constant 16 : index
        %parallel_loop3A_403 = tpu.vector_load %arg9[%parallel_loop3A_401, %parallel_loop3A_402] {strides = array<i32>} : memref<128x128xf32, #tpu.memory_space<vmem>>, vector<1x16xf32>,
        %parallel_loop3A_404 = vector.shape_cast %parallel_loop3A_403 : vector<1x16xf32> to vector<16xf32>
        %parallel_loop3A_405 = arith.addf %parallel_loop3A_404, %parallel_loop3A_400 : vector<16xf32>
        %parallel_loop3A_406 = arith.index_cast %parallel_loop3A_376 : i32 to index
        %parallel_loop3A_407 = arith.constant 16 : index
        %parallel_loop3A_408 = tpu.vector_load %arg11[%parallel_loop3A_406, %parallel_loop3A_407] {strides = array<i32>} : memref<128x64xf32, #tpu.memory_space<vmem>>, vector<1x16xf32>,
        %parallel_loop3A_409 = vector.shape_cast %parallel_loop3A_408 : vector<1x16xf32> to vector<16xf32>
        %parallel_loop3A_410 = vector.shape_cast %parallel_loop3A_405 : vector<16xf32> to vector<1x16xf32>
        tpu.vector_store %arg11[%parallel_loop3A_406, %parallel_loop3A_407], %parallel_loop3A_410 {strides = array<i32>} : memref<128x64xf32, #tpu.memory_space<vmem>>, vector<1x16xf32>,
        %parallel_loop3A_411 = arith.index_cast %parallel_loop3A_382 : i32 to index
        %parallel_loop3A_412 = arith.constant 32 : index
        %parallel_loop3A_413 = tpu.vector_load %arg6[%parallel_loop3A_411, %parallel_loop3A_412] {strides = array<i32>} : memref<200x128xf32, #tpu.memory_space<vmem>>, vector<1x16xf32>,
        %parallel_loop3A_414 = vector.shape_cast %parallel_loop3A_413 : vector<1x16xf32> to vector<16xf32>
        %parallel_loop3A_415 = arith.index_cast %parallel_loop3A_376 : i32 to index
        %parallel_loop3A_416 = arith.constant 32 : index
        %parallel_loop3A_417 = tpu.vector_load %arg9[%parallel_loop3A_415, %parallel_loop3A_416] {strides = array<i32>} : memref<128x128xf32, #tpu.memory_space<vmem>>, vector<1x16xf32>,
        %parallel_loop3A_418 = vector.shape_cast %parallel_loop3A_417 : vector<1x16xf32> to vector<16xf32>
        %parallel_loop3A_419 = arith.addf %parallel_loop3A_418, %parallel_loop3A_414 : vector<16xf32>
        %parallel_loop3A_420 = arith.index_cast %parallel_loop3A_376 : i32 to index
        %parallel_loop3A_421 = arith.constant 32 : index
        %parallel_loop3A_422 = tpu.vector_load %arg11[%parallel_loop3A_420, %parallel_loop3A_421] {strides = array<i32>} : memref<128x64xf32, #tpu.memory_space<vmem>>, vector<1x16xf32>,
        %parallel_loop3A_423 = vector.shape_cast %parallel_loop3A_422 : vector<1x16xf32> to vector<16xf32>
        %parallel_loop3A_424 = vector.shape_cast %parallel_loop3A_419 : vector<16xf32> to vector<1x16xf32>
        tpu.vector_store %arg11[%parallel_loop3A_420, %parallel_loop3A_421], %parallel_loop3A_424 {strides = array<i32>} : memref<128x64xf32, #tpu.memory_space<vmem>>, vector<1x16xf32>,
        %parallel_loop3A_425 = arith.index_cast %parallel_loop3A_382 : i32 to index
        %parallel_loop3A_426 = arith.constant 48 : index
        %parallel_loop3A_427 = tpu.vector_load %arg6[%parallel_loop3A_425, %parallel_loop3A_426] {strides = array<i32>} : memref<200x128xf32, #tpu.memory_space<vmem>>, vector<1x16xf32>,
        %parallel_loop3A_428 = vector.shape_cast %parallel_loop3A_427 : vector<1x16xf32> to vector<16xf32>
        %parallel_loop3A_429 = arith.index_cast %parallel_loop3A_376 : i32 to index
        %parallel_loop3A_430 = arith.constant 48 : index
        %parallel_loop3A_431 = tpu.vector_load %arg9[%parallel_loop3A_429, %parallel_loop3A_430] {strides = array<i32>} : memref<128x128xf32, #tpu.memory_space<vmem>>, vector<1x16xf32>,
        %parallel_loop3A_432 = vector.shape_cast %parallel_loop3A_431 : vector<1x16xf32> to vector<16xf32>
        %parallel_loop3A_433 = arith.addf %parallel_loop3A_432, %parallel_loop3A_428 : vector<16xf32>
        %parallel_loop3A_434 = arith.index_cast %parallel_loop3A_376 : i32 to index
        %parallel_loop3A_435 = arith.constant 48 : index
        %parallel_loop3A_436 = tpu.vector_load %arg11[%parallel_loop3A_434, %parallel_loop3A_435] {strides = array<i32>} : memref<128x64xf32, #tpu.memory_space<vmem>>, vector<1x16xf32>,
        %parallel_loop3A_437 = vector.shape_cast %parallel_loop3A_436 : vector<1x16xf32> to vector<16xf32>
        %parallel_loop3A_438 = vector.shape_cast %parallel_loop3A_433 : vector<16xf32> to vector<1x16xf32>
        tpu.vector_store %arg11[%parallel_loop3A_434, %parallel_loop3A_435], %parallel_loop3A_438 {strides = array<i32>} : memref<128x64xf32, #tpu.memory_space<vmem>>, vector<1x16xf32>,
      } {sc.loop_unroll_factor = 4 : i64, sc.parallel_access}
      %mul3A_328 = arith.constant 128 : i32
      %mul3A_329 = arith.muli %add3A_297, %mul3A_328 : i32
      %add3A_330 = arith.addi %mul3A_2, %mul3A_329 : i32
      %dma_start3A_331 = arith.constant 0 : i32
      %dma_start3A_332 = tpu.memref_slice %arg5[%add3A_330, %dma_start3A_331] : memref<819200x64xf32, #tpu.memory_space<hbm>> -> memref<128x64xf32, #tpu.memory_space<hbm>>
      %dma_start3A_333 = arith.constant 0 : i32
      %dma_start3A_334 = tpu.memref_slice %arg5[%add3A_330, %dma_start3A_333] : memref<819200x64xf32, #tpu.memory_space<hbm>> -> memref<128x64xf32, #tpu.memory_space<hbm>>
      tpu.enqueue_dma source(%arg11 : memref<128x64xf32, #tpu.memory_space<vmem>>) target(%dma_start3A_334 : memref<128x64xf32, #tpu.memory_space<hbm>>) target_semaphore(%arg27 : memref<!tpu.dma_semaphore, #tpu.memory_space<semaphore_mem>>)
      %mul3A_335 = arith.constant 8 : i32
      %mul3A_336 = arith.muli %scan3A_53, %mul3A_335 : i32
      %add3A_337 = arith.constant 7 : i32
      %add3A_338 = arith.addi %mul3A_336, %add3A_337 : i32
      %add3A_339 = arith.constant 3 : i32
      %add3A_340 = arith.addi %add3A_338, %add3A_339 : i32
      %lt3A_341 = arith.constant 200 : i32
      %lt3A_342 = arith.cmpi slt, %add3A_340, %lt3A_341 : i32
      %convert_element_type3A_343 = arith.extui %lt3A_342 : i1 to i32
      %cond3A_344 = arith.constant 0 : i32
      %cond3A_345 = arith.cmpi ne, %convert_element_type3A_343, %cond3A_344 : i32
      scf.if %cond3A_345 {
        %ge3A_376 = arith.constant 4 : i32
        %ge3A_377 = arith.cmpi sge, %add3A_340, %ge3A_376 : i32
        %convert_element_type3A_378 = arith.extui %ge3A_377 : i1 to i32
        %cond3A_379 = arith.constant 0 : i32
        %cond3A_380 = arith.cmpi ne, %convert_element_type3A_378, %cond3A_379 : i32
        scf.if %cond3A_380 {
          %sub3A = arith.constant 4 : i32
          %sub3A_389 = arith.subi %add3A_340, %sub3A : i32
          %mul3A_390 = arith.constant 128 : i32
          %mul3A_391 = arith.muli %sub3A_389, %mul3A_390 : i32
          %add3A_392 = arith.addi %mul3A_2, %mul3A_391 : i32
          %dma_wait3A_393 = arith.constant 0 : i32
          %dma_wait3A_394 = tpu.memref_slice %arg5[%add3A_392, %dma_wait3A_393] : memref<819200x64xf32, #tpu.memory_space<hbm>> -> memref<128x64xf32, #tpu.memory_space<hbm>>
          %dma_wait3A_395 = arith.constant 0 : i32
          %dma_wait3A_396 = tpu.memref_slice %arg5[%add3A_392, %dma_wait3A_395] : memref<819200x64xf32, #tpu.memory_space<hbm>> -> memref<128x64xf32, #tpu.memory_space<hbm>>
          tpu.wait_dma2 semaphore(%arg27 : memref<!tpu.dma_semaphore, #tpu.memory_space<semaphore_mem>>) src(%arg11 : memref<128x64xf32, #tpu.memory_space<vmem>>) dst(%dma_wait3A_396 : memref<128x64xf32, #tpu.memory_space<hbm>>)
        } else {
        }
        %mul3A_381 = arith.constant 128 : i32
        %mul3A_382 = arith.muli %add3A_340, %mul3A_381 : i32
        %add3A_383 = arith.addi %mul3A_2, %mul3A_382 : i32
        %dma_wait3A_384 = tpu.memref_slice %arg2[%add3A_383] : memref<819200xi32, #tpu.memory_space<hbm>> -> memref<128xi32, #tpu.memory_space<hbm>>
        %dma_wait3A_385 = tpu.memref_slice %arg2[%add3A_383] : memref<819200xi32, #tpu.memory_space<hbm>> -> memref<128xi32, #tpu.memory_space<hbm>>
        tpu.wait_dma2 semaphore(%arg31 : memref<!tpu.dma_semaphore, #tpu.memory_space<semaphore_mem>>) src(%dma_wait3A_385 : memref<128xi32, #tpu.memory_space<hbm>>) dst(%arg15 : memref<128xi32, #tpu.memory_space<vmem>>)
        %dma_start3A_386 = arith.constant 0 : i32
        %dma_start3A_387 = arith.constant 0 : i32
        %dma_start3A_388 = tpu.memref_slice %arg3[%dma_start3A_386, %dma_start3A_387] : memref<1000000x128xf32, #tpu.memory_space<hbm>> -> memref<1000000x128xf32, #tpu.memory_space<hbm>>
        tpu.enqueue_indirect_dma source(%dma_start3A_388 : memref<1000000x128xf32, #tpu.memory_space<hbm>>) target(%arg9 : memref<128x128xf32, #tpu.memory_space<vmem>>) offsets(%arg15 : memref<128xi32, #tpu.memory_space<vmem>>) semaphore(%arg23 : memref<!tpu.dma_semaphore, #tpu.memory_space<semaphore_mem>>)
      } else {
      }
      %dma_wait3A_346 = arith.constant 0 : i32
      %dma_wait3A_347 = arith.constant 0 : i32
      %dma_wait3A_348 = tpu.memref_slice %arg3[%dma_wait3A_346, %dma_wait3A_347] : memref<1000000x128xf32, #tpu.memory_space<hbm>> -> memref<1000000x128xf32, #tpu.memory_space<hbm>>
      tpu.wait_indirect_dma semaphore(%arg24 : memref<!tpu.dma_semaphore, #tpu.memory_space<semaphore_mem>>) src(%dma_wait3A_348 : memref<1000000x128xf32, #tpu.memory_space<hbm>>) dst(%arg10 : memref<128x128xf32, #tpu.memory_space<vmem>>)
      %add3A_349 = arith.constant 8 : i32
      %add3A_350 = arith.addi %add3A_338, %add3A_349 : i32
      %lt3A_351 = arith.constant 200 : i32
      %lt3A_352 = arith.cmpi slt, %add3A_350, %lt3A_351 : i32
      %convert_element_type3A_353 = arith.extui %lt3A_352 : i1 to i32
      %cond3A_354 = arith.constant 0 : i32
      %cond3A_355 = arith.cmpi ne, %convert_element_type3A_353, %cond3A_354 : i32
      scf.if %cond3A_355 {
        %add3A_376 = arith.constant 8 : i32
        %add3A_377 = arith.addi %add3A_338, %add3A_376 : i32
        %mul3A_378 = arith.constant 128 : i32
        %mul3A_379 = arith.muli %add3A_377, %mul3A_378 : i32
        %add3A_380 = arith.addi %mul3A_2, %mul3A_379 : i32
        %dma_start3A_381 = tpu.memref_slice %arg2[%add3A_380] : memref<819200xi32, #tpu.memory_space<hbm>> -> memref<128xi32, #tpu.memory_space<hbm>>
        %dma_start3A_382 = tpu.memref_slice %arg2[%add3A_380] : memref<819200xi32, #tpu.memory_space<hbm>> -> memref<128xi32, #tpu.memory_space<hbm>>
        tpu.enqueue_dma source(%dma_start3A_382 : memref<128xi32, #tpu.memory_space<hbm>>) target(%arg20 : memref<128xi32, #tpu.memory_space<vmem>>) target_semaphore(%arg36 : memref<!tpu.dma_semaphore, #tpu.memory_space<semaphore_mem>>)
      } else {
      }
      %ge3A_356 = arith.constant 198 : i32
      %ge3A_357 = arith.cmpi sge, %add3A_338, %ge3A_356 : i32
      %convert_element_type3A_358 = arith.extui %ge3A_357 : i1 to i32
      %cond3A_359 = arith.constant 0 : i32
      %cond3A_360 = arith.cmpi ne, %convert_element_type3A_358, %cond3A_359 : i32
      scf.if %cond3A_360 {
        %sub3A = arith.constant 2 : i32
        %sub3A_376 = arith.subi %add3A_338, %sub3A : i32
        %mul3A_377 = arith.constant 128 : i32
        %mul3A_378 = arith.muli %sub3A_376, %mul3A_377 : i32
        %add3A_379 = arith.addi %mul3A_2, %mul3A_378 : i32
        %dma_wait3A_380 = arith.constant 0 : i32
        %dma_wait3A_381 = tpu.memref_slice %arg5[%add3A_379, %dma_wait3A_380] : memref<819200x64xf32, #tpu.memory_space<hbm>> -> memref<128x64xf32, #tpu.memory_space<hbm>>
        %dma_wait3A_382 = arith.constant 0 : i32
        %dma_wait3A_383 = tpu.memref_slice %arg5[%add3A_379, %dma_wait3A_382] : memref<819200x64xf32, #tpu.memory_space<hbm>> -> memref<128x64xf32, #tpu.memory_space<hbm>>
        tpu.wait_dma2 semaphore(%arg26 : memref<!tpu.dma_semaphore, #tpu.memory_space<semaphore_mem>>) src(%arg12 : memref<128x64xf32, #tpu.memory_space<vmem>>) dst(%dma_wait3A_383 : memref<128x64xf32, #tpu.memory_space<hbm>>)
      } else {
      }
      %mul3A_361 = arith.constant 128 : i32
      %mul3A_362 = arith.muli %add3A_338, %mul3A_361 : i32
      %add3A_363 = arith.addi %mul3A_2, %mul3A_362 : i32
      %rem3A_364 = arith.constant 200 : i32
      %rem3A_365 = arith.remsi %add3A_363, %rem3A_364 : i32
      %parallel_loop3A_366 = arith.constant 0 : i32
      %parallel_loop3A_367 = arith.constant 128 : i32
      %parallel_loop3A_368 = arith.constant 1 : i32
      scf.for %parallel_loop3A_376 = %parallel_loop3A_366 to %parallel_loop3A_367 step %parallel_loop3A_368  : i32 {
        %parallel_loop3A_377 = arith.addi %rem3A_365, %parallel_loop3A_376 : i32
        %parallel_loop3A_378 = arith.constant 200 : i32
        %parallel_loop3A_379 = arith.cmpi sge, %parallel_loop3A_377, %parallel_loop3A_378 : i32
        %parallel_loop3A_380 = arith.constant 200 : i32
        %parallel_loop3A_381 = arith.subi %parallel_loop3A_377, %parallel_loop3A_380 : i32
        %parallel_loop3A_382 = arith.select %parallel_loop3A_379, %parallel_loop3A_381, %parallel_loop3A_377 : i32
        %parallel_loop3A_383 = arith.index_cast %parallel_loop3A_382 : i32 to index
        %parallel_loop3A_384 = arith.constant 0 : index
        %parallel_loop3A_385 = tpu.vector_load %arg6[%parallel_loop3A_383, %parallel_loop3A_384] {strides = array<i32>} : memref<200x128xf32, #tpu.memory_space<vmem>>, vector<1x16xf32>,
        %parallel_loop3A_386 = vector.shape_cast %parallel_loop3A_385 : vector<1x16xf32> to vector<16xf32>
        %parallel_loop3A_387 = arith.index_cast %parallel_loop3A_376 : i32 to index
        %parallel_loop3A_388 = arith.constant 0 : index
        %parallel_loop3A_389 = tpu.vector_load %arg10[%parallel_loop3A_387, %parallel_loop3A_388] {strides = array<i32>} : memref<128x128xf32, #tpu.memory_space<vmem>>, vector<1x16xf32>,
        %parallel_loop3A_390 = vector.shape_cast %parallel_loop3A_389 : vector<1x16xf32> to vector<16xf32>
        %parallel_loop3A_391 = arith.addf %parallel_loop3A_390, %parallel_loop3A_386 : vector<16xf32>
        %parallel_loop3A_392 = arith.index_cast %parallel_loop3A_376 : i32 to index
        %parallel_loop3A_393 = arith.constant 0 : index
        %parallel_loop3A_394 = tpu.vector_load %arg12[%parallel_loop3A_392, %parallel_loop3A_393] {strides = array<i32>} : memref<128x64xf32, #tpu.memory_space<vmem>>, vector<1x16xf32>,
        %parallel_loop3A_395 = vector.shape_cast %parallel_loop3A_394 : vector<1x16xf32> to vector<16xf32>
        %parallel_loop3A_396 = vector.shape_cast %parallel_loop3A_391 : vector<16xf32> to vector<1x16xf32>
        tpu.vector_store %arg12[%parallel_loop3A_392, %parallel_loop3A_393], %parallel_loop3A_396 {strides = array<i32>} : memref<128x64xf32, #tpu.memory_space<vmem>>, vector<1x16xf32>,
        %parallel_loop3A_397 = arith.index_cast %parallel_loop3A_382 : i32 to index
        %parallel_loop3A_398 = arith.constant 16 : index
        %parallel_loop3A_399 = tpu.vector_load %arg6[%parallel_loop3A_397, %parallel_loop3A_398] {strides = array<i32>} : memref<200x128xf32, #tpu.memory_space<vmem>>, vector<1x16xf32>,
        %parallel_loop3A_400 = vector.shape_cast %parallel_loop3A_399 : vector<1x16xf32> to vector<16xf32>
        %parallel_loop3A_401 = arith.index_cast %parallel_loop3A_376 : i32 to index
        %parallel_loop3A_402 = arith.constant 16 : index
        %parallel_loop3A_403 = tpu.vector_load %arg10[%parallel_loop3A_401, %parallel_loop3A_402] {strides = array<i32>} : memref<128x128xf32, #tpu.memory_space<vmem>>, vector<1x16xf32>,
        %parallel_loop3A_404 = vector.shape_cast %parallel_loop3A_403 : vector<1x16xf32> to vector<16xf32>
        %parallel_loop3A_405 = arith.addf %parallel_loop3A_404, %parallel_loop3A_400 : vector<16xf32>
        %parallel_loop3A_406 = arith.index_cast %parallel_loop3A_376 : i32 to index
        %parallel_loop3A_407 = arith.constant 16 : index
        %parallel_loop3A_408 = tpu.vector_load %arg12[%parallel_loop3A_406, %parallel_loop3A_407] {strides = array<i32>} : memref<128x64xf32, #tpu.memory_space<vmem>>, vector<1x16xf32>,
        %parallel_loop3A_409 = vector.shape_cast %parallel_loop3A_408 : vector<1x16xf32> to vector<16xf32>
        %parallel_loop3A_410 = vector.shape_cast %parallel_loop3A_405 : vector<16xf32> to vector<1x16xf32>
        tpu.vector_store %arg12[%parallel_loop3A_406, %parallel_loop3A_407], %parallel_loop3A_410 {strides = array<i32>} : memref<128x64xf32, #tpu.memory_space<vmem>>, vector<1x16xf32>,
        %parallel_loop3A_411 = arith.index_cast %parallel_loop3A_382 : i32 to index
        %parallel_loop3A_412 = arith.constant 32 : index
        %parallel_loop3A_413 = tpu.vector_load %arg6[%parallel_loop3A_411, %parallel_loop3A_412] {strides = array<i32>} : memref<200x128xf32, #tpu.memory_space<vmem>>, vector<1x16xf32>,
        %parallel_loop3A_414 = vector.shape_cast %parallel_loop3A_413 : vector<1x16xf32> to vector<16xf32>
        %parallel_loop3A_415 = arith.index_cast %parallel_loop3A_376 : i32 to index
        %parallel_loop3A_416 = arith.constant 32 : index
        %parallel_loop3A_417 = tpu.vector_load %arg10[%parallel_loop3A_415, %parallel_loop3A_416] {strides = array<i32>} : memref<128x128xf32, #tpu.memory_space<vmem>>, vector<1x16xf32>,
        %parallel_loop3A_418 = vector.shape_cast %parallel_loop3A_417 : vector<1x16xf32> to vector<16xf32>
        %parallel_loop3A_419 = arith.addf %parallel_loop3A_418, %parallel_loop3A_414 : vector<16xf32>
        %parallel_loop3A_420 = arith.index_cast %parallel_loop3A_376 : i32 to index
        %parallel_loop3A_421 = arith.constant 32 : index
        %parallel_loop3A_422 = tpu.vector_load %arg12[%parallel_loop3A_420, %parallel_loop3A_421] {strides = array<i32>} : memref<128x64xf32, #tpu.memory_space<vmem>>, vector<1x16xf32>,
        %parallel_loop3A_423 = vector.shape_cast %parallel_loop3A_422 : vector<1x16xf32> to vector<16xf32>
        %parallel_loop3A_424 = vector.shape_cast %parallel_loop3A_419 : vector<16xf32> to vector<1x16xf32>
        tpu.vector_store %arg12[%parallel_loop3A_420, %parallel_loop3A_421], %parallel_loop3A_424 {strides = array<i32>} : memref<128x64xf32, #tpu.memory_space<vmem>>, vector<1x16xf32>,
        %parallel_loop3A_425 = arith.index_cast %parallel_loop3A_382 : i32 to index
        %parallel_loop3A_426 = arith.constant 48 : index
        %parallel_loop3A_427 = tpu.vector_load %arg6[%parallel_loop3A_425, %parallel_loop3A_426] {strides = array<i32>} : memref<200x128xf32, #tpu.memory_space<vmem>>, vector<1x16xf32>,
        %parallel_loop3A_428 = vector.shape_cast %parallel_loop3A_427 : vector<1x16xf32> to vector<16xf32>
        %parallel_loop3A_429 = arith.index_cast %parallel_loop3A_376 : i32 to index
        %parallel_loop3A_430 = arith.constant 48 : index
        %parallel_loop3A_431 = tpu.vector_load %arg10[%parallel_loop3A_429, %parallel_loop3A_430] {strides = array<i32>} : memref<128x128xf32, #tpu.memory_space<vmem>>, vector<1x16xf32>,
        %parallel_loop3A_432 = vector.shape_cast %parallel_loop3A_431 : vector<1x16xf32> to vector<16xf32>
        %parallel_loop3A_433 = arith.addf %parallel_loop3A_432, %parallel_loop3A_428 : vector<16xf32>
        %parallel_loop3A_434 = arith.index_cast %parallel_loop3A_376 : i32 to index
        %parallel_loop3A_435 = arith.constant 48 : index
        %parallel_loop3A_436 = tpu.vector_load %arg12[%parallel_loop3A_434, %parallel_loop3A_435] {strides = array<i32>} : memref<128x64xf32, #tpu.memory_space<vmem>>, vector<1x16xf32>,
        %parallel_loop3A_437 = vector.shape_cast %parallel_loop3A_436 : vector<1x16xf32> to vector<16xf32>
        %parallel_loop3A_438 = vector.shape_cast %parallel_loop3A_433 : vector<16xf32> to vector<1x16xf32>
        tpu.vector_store %arg12[%parallel_loop3A_434, %parallel_loop3A_435], %parallel_loop3A_438 {strides = array<i32>} : memref<128x64xf32, #tpu.memory_space<vmem>>, vector<1x16xf32>,
      } {sc.loop_unroll_factor = 4 : i64, sc.parallel_access}
      %mul3A_369 = arith.constant 128 : i32
      %mul3A_370 = arith.muli %add3A_338, %mul3A_369 : i32
      %add3A_371 = arith.addi %mul3A_2, %mul3A_370 : i32
      %dma_start3A_372 = arith.constant 0 : i32
      %dma_start3A_373 = tpu.memref_slice %arg5[%add3A_371, %dma_start3A_372] : memref<819200x64xf32, #tpu.memory_space<hbm>> -> memref<128x64xf32, #tpu.memory_space<hbm>>
      %dma_start3A_374 = arith.constant 0 : i32
      %dma_start3A_375 = tpu.memref_slice %arg5[%add3A_371, %dma_start3A_374] : memref<819200x64xf32, #tpu.memory_space<hbm>> -> memref<128x64xf32, #tpu.memory_space<hbm>>
      tpu.enqueue_dma source(%arg12 : memref<128x64xf32, #tpu.memory_space<vmem>>) target(%dma_start3A_375 : memref<128x64xf32, #tpu.memory_space<hbm>>) target_semaphore(%arg28 : memref<!tpu.dma_semaphore, #tpu.memory_space<semaphore_mem>>)
    }
    %scan3A_41 = arith.constant 25 : i32
    %add3A_42 = arith.constant 25344 : i32
    %add3A_43 = arith.addi %mul3A_2, %add3A_42 : i32
    %dma_wait3A = arith.constant 0 : i32
    %dma_wait3A_44 = tpu.memref_slice %arg5[%add3A_43, %dma_wait3A] : memref<819200x64xf32, #tpu.memory_space<hbm>> -> memref<128x64xf32, #tpu.memory_space<hbm>>
    %dma_wait3A_45 = arith.constant 0 : i32
    %dma_wait3A_46 = tpu.memref_slice %arg5[%add3A_43, %dma_wait3A_45] : memref<819200x64xf32, #tpu.memory_space<hbm>> -> memref<128x64xf32, #tpu.memory_space<hbm>>
    tpu.wait_dma2 semaphore(%arg27 : memref<!tpu.dma_semaphore, #tpu.memory_space<semaphore_mem>>) src(%arg11 : memref<128x64xf32, #tpu.memory_space<vmem>>) dst(%dma_wait3A_46 : memref<128x64xf32, #tpu.memory_space<hbm>>)
    %add3A_47 = arith.constant 25472 : i32
    %add3A_48 = arith.addi %mul3A_2, %add3A_47 : i32
    %dma_wait3A_49 = arith.constant 0 : i32
    %dma_wait3A_50 = tpu.memref_slice %arg5[%add3A_48, %dma_wait3A_49] : memref<819200x64xf32, #tpu.memory_space<hbm>> -> memref<128x64xf32, #tpu.memory_space<hbm>>
    %dma_wait3A_51 = arith.constant 0 : i32
    %dma_wait3A_52 = tpu.memref_slice %arg5[%add3A_48, %dma_wait3A_51] : memref<819200x64xf32, #tpu.memory_space<hbm>> -> memref<128x64xf32, #tpu.memory_space<hbm>>
    tpu.wait_dma2 semaphore(%arg28 : memref<!tpu.dma_semaphore, #tpu.memory_space<semaphore_mem>>) src(%arg12 : memref<128x64xf32, #tpu.memory_space<vmem>>) dst(%dma_wait3A_52 : memref<128x64xf32, #tpu.memory_space<hbm>>)
    return
  }
}

module attributes {stable_mosaic.version = 14 : i64} {
  func.func @body(%arg0: i32, %arg1: memref<64x4096xf32, #tpu.memory_space<vmem>>, %arg2: memref<4096x128xf32, #tpu.memory_space<vmem>>) attributes {dimension_semantics = [#tpu.dimension_semantics<arbitrary>], iteration_bounds = array<i64: 245>, scalar_prefetch = 0 : i64, scratch_operands = 0 : i64, tpu.core_type = #tpu.core_type<tc>, window_params = [{transform_indices = @transform_0, window_bounds = array<i64: 64, 4096>}, {transform_indices = @transform_1, window_bounds = array<i64: 4096, 128>}]} {
    %get3A = arith.constant 0 : index
    %get3A_0 = arith.constant 0 : index
    %get3A_1 = vector.load %arg1[%get3A, %get3A_0] : memref<64x4096xf32, #tpu.memory_space<vmem>>, vector<64x4096xf32>
    %transpose3A = tpu.transpose %get3A_1, [1, 0] : vector<64x4096xf32> -> vector<4096x64xf32>
    %swap3A = arith.constant 0 : index
    %swap3A_2 = arith.constant 0 : index
    %swap3A_3 = vector.load %arg2[%swap3A, %swap3A_2] : memref<4096x128xf32, #tpu.memory_space<vmem>>, vector<4096x64xf32>
    tpu.vector_store %arg2[%swap3A, %swap3A_2], %transpose3A {strides = array<i32>} : memref<4096x128xf32, #tpu.memory_space<vmem>>, vector<4096x64xf32>,
    %swap3A_4 = arith.constant 0 : index
    %swap3A_5 = arith.constant 64 : index
    %swap3A_6 = vector.load %arg2[%swap3A_4, %swap3A_5] : memref<4096x128xf32, #tpu.memory_space<vmem>>, vector<4096x64xf32>
    tpu.vector_store %arg2[%swap3A_4, %swap3A_5], %transpose3A {strides = array<i32>} : memref<4096x128xf32, #tpu.memory_space<vmem>>, vector<4096x64xf32>,
    return
  }
  func.func @transform_0(%arg0: i32) -> (i32, i32) {
    %c0_i32 = arith.constant 0 : i32
    %c0_i32_0 = arith.constant 0 : i32
    return %c0_i32, %arg0 : i32, i32
  }
  func.func @transform_1(%arg0: i32) -> (i32, i32) {
    %c0_i32 = arith.constant 0 : i32
    %c0_i32_0 = arith.constant 0 : i32
    return %arg0, %c0_i32 : i32, i32
  }
}

</mosaic_0001>

<sc_bundles>
// kernel: kernel.4.cloned.1.call-start
scs
__scs_entry_jumppad:
0x0: {  	(pc) =	sbr.rel $0x88, $3  }
0x1: {  	(tag) =	ssettag $0x0;
	lr =	simm.s32 $0x1  }
0x2: {  	[smem:$0x3F9E] =	sst lr;
	_ =	strace $0xD0000000  }
0x3: {  	_ = 	snop  }
0x4: {  	_ = 	snop  }
0x5: {  	_ = 	snop  }
0x6: {  	_ = 	snop  }
0x7: {  	_ = 	snop  }
__scs_overlays_trampoline_lowered:
0x8: {  	[smem:$0x3FAD] =	sst s0  }
0x9: {  	[smem:$0x3FAE] =	sst s1  }
0xa: {  	[smem:$0x3FAF] =	sst s2  }
0xb: {  	[smem:$0x3FB0] =	sst s3  }
0xc: {  	[smem:$0x3FB1] =	sst s4  }
0xd: {  	[smem:$0x3FB2] =	sst s5  }
0xe: {  	[smem:$0x3FB3] =	sst s6  }
0xf: {  	[smem:$0x3FB4] =	sst s7  }
0x10: {  	[smem:$0x3FB5] =	sst s8  }
0x11: {  	[smem:$0x3FB6] =	sst s9;
	s0 =	simm.s32 @!p0 $0x0  }
0x12: {  	s1 =	sld [smem:$0x3F9C];
	s0 =	simm.s32 @p0 $0x1  }
0x13: {  	[smem:$0x3FB7] =	sst s0;
	s0 =	simm.s32 @!p1 $0x0  }
0x14: {  	s2 =	sld [smem:$0x3F9B];
	s0 =	simm.s32 @p1 $0x1  }
0x15: {  	[smem:$0x3FB8] =	sst s0;
	s0 =	simm.s32 @!p2 $0x0  }
0x16: {  	s3 =	sld [smem:$0x3FDB];
	s0 =	simm.s32 @p2 $0x1  }
0x17: {  	s4 =	simm.s32 $0x1BF5;
	[smem:$0x3FBA] =	sst s0  }
0x18: {  	s0 =	sld [smem:$0x3F9D];
	_ =	swait.ge [sflag:s4], $0x0  }
0x19: {  	s7 =	sld [smem:$0x3F9E]  }
0x1a: {  	s8 =	sadd.s32 $0xFFFFE003, lr  }
0x1b: {  	s9 =	sadd.s32 $0xFFFFFEF7, lr;
	s5 =	simm.s32 $0xFFFFFFFF;
	p2 =	slt.u32 s8, $0xFFFFF086  }
0x1c: {  	p1 =	slt.u32 s9, $0xF7A;
	s5 =	simm.s32 @!p2 $0x0  }
0x1d: {  	s5 =	simm.s32 @p1 $0x1;
	p0 =	seq.s32 s7, s2  }
0x1e: {  	s7 =	smul.u32 @!p0 $0xF7A, s2;
	p2 =	seq.s32 @!p0 s5, $0x0  }
0x1f: {  	s9 =	smul.u32 $0xF7A, s1;
	s8 =	simm.s32 @!p0 $0x1BF5;
	p2 =	por !p2, p0  }
0x20: {  	[sflag:s8] =	ssyncset.s32 @!p0 $0xFFFFF086;
	s6 =	sadd.s32 @!p0 s3, s7;
	s7 =	simm.s32 @!p0 $0x108  }
0x21: {  	s3 =	sadd.s32 s3, s9;
	s6 =	sadd.s32 @!p0 $0x88, s6;
	s7 =	simm.s32 @p2 $0x1082  }
0x22: {  	[simem:s7], [sflag:s8] =	dma.local @!p0 [hbm:s6], $0xF7A  }
0x23: {  	s9 =	sor.u32 $0xD0000000, s2;
	s6 =	simm.s32 $0x108;
	_ =	swait.ge @!p0 [sflag:s8], $0x0  }
0x24: {  	s3 =	sadd.s32 $0x88, s3;
	s6 =	simm.s32 @!p1 $0x1082;
	[sflag:s4] =	ssyncset.s32 $0xFFFFF086  }
0x25: {  	[simem:s6], [sflag:s4] =	dma.local [hbm:s3], $0xF7A  }
0x26: {  	[smem:$0x3F9E] =	sst s1;
	(tag) =	ssettag s2;
	_ =	strace s9  }
0x27: {  	s1 =	sld [smem:$0x3FAE]  }
0x28: {  	s2 =	sld [smem:$0x3FAF]  }
0x29: {  	s4 =	sld [smem:$0x3FB1]  }
0x2a: {  	p0 =	seq.s32 s5, $0x0;
	s5 =	sld [smem:$0x3FB2]  }
0x2b: {  	s6 =	sld [smem:$0x3FB3]  }
0x2c: {  	s7 =	sld [smem:$0x3FB4]  }
0x2d: {  	s3 =	simm.s32 $0x108;
	s8 =	sld [smem:$0x3FB5]  }
0x2e: {  	s3 =	simm.s32 @!p0 $0x1082;
	s9 =	sld [smem:$0x3FB6]  }
0x2f: {  	lr =	sadd.s32 s0, s3;
	s0 =	sld [smem:$0x3FAD]  }
0x30: {  	s3 =	sld [smem:$0x3FB0]  }
0x31: {  	[smem:$0x3FB9] =	sst s10  }
0x32: {  	s10 =	sld [smem:$0x3FB7];
	_ =	sdelay $0x3  }
0x33: {  	p0 =	seq.s32 s10, $0x1;
	s10 =	sld [smem:$0x3FB9];
	_ =	sdelay $0x3  }
0x34: {  	[smem:$0x3FB9] =	sst s10  }
0x35: {  	s10 =	sld [smem:$0x3FB8];
	_ =	sdelay $0x3  }
0x36: {  	p1 =	seq.s32 s10, $0x1;
	s10 =	sld [smem:$0x3FB9];
	_ =	sdelay $0x3  }
0x37: {  	[smem:$0x3FB9] =	sst s10  }
0x38: {  	s10 =	sld [smem:$0x3FBA]  }
0x39: {  	_ = 	snop;
	(pc) =	sbr.ind lr, $3  }
0x3a: {  	_ = 	snop  }
0x3b: {  	_ = 	snop  }
0x3c: {  	p2 =	seq.s32 s10, $0x1;
	s10 =	sld [smem:$0x3FB9]  }
0x3d: {  	_ =	shalt  }
0x3e: {  	_ =	shalt  }
0x3f: {  	_ =	shalt  }
0x40: {  	_ =	shalt  }
0x41: {  	_ =	shalt  }
0x42: {  	_ =	shalt  }
0x43: {  	_ =	shalt  }
0x44: {  	_ =	shalt  }
0x45: {  	_ =	shalt  }
0x46: {  	_ =	shalt  }
0x47: {  	_ =	shalt  }
0x48: {  	_ =	shalt  }
0x49: {  	_ =	shalt  }
0x4a: {  	_ =	shalt  }
0x4b: {  	_ =	shalt  }
0x4c: {  	_ =	shalt  }
0x4d: {  	_ =	shalt  }
0x4e: {  	_ =	shalt  }
0x4f: {  	_ =	shalt  }
0x50: {  	_ =	shalt  }
0x51: {  	_ =	shalt  }
0x52: {  	_ =	shalt  }
0x53: {  	_ =	shalt  }
0x54: {  	_ =	shalt  }
0x55: {  	_ =	shalt  }
0x56: {  	_ =	shalt  }
0x57: {  	_ =	shalt  }
0x58: {  	_ =	shalt  }
0x59: {  	_ =	shalt  }
0x5a: {  	_ =	shalt  }
0x5b: {  	_ =	shalt  }
0x5c: {  	_ =	shalt  }
0x5d: {  	_ =	shalt  }
0x5e: {  	_ =	shalt  }
0x5f: {  	_ =	shalt  }
0x60: {  	_ =	shalt  }
0x61: {  	_ =	shalt  }
0x62: {  	_ =	shalt  }
0x63: {  	_ =	shalt  }
0x64: {  	_ =	shalt  }
0x65: {  	_ =	shalt  }
0x66: {  	_ =	shalt  }
0x67: {  	_ =	shalt  }
0x68: {  	_ =	shalt  }
0x69: {  	_ =	shalt  }
0x6a: {  	_ =	shalt  }
0x6b: {  	_ =	shalt  }
0x6c: {  	_ =	shalt  }
0x6d: {  	_ =	shalt  }
0x6e: {  	_ =	shalt  }
0x6f: {  	_ =	shalt  }
0x70: {  	_ =	shalt  }
0x71: {  	_ =	shalt  }
0x72: {  	_ =	shalt  }
0x73: {  	_ =	shalt  }
0x74: {  	_ =	shalt  }
0x75: {  	_ =	shalt  }
0x76: {  	_ =	shalt  }
0x77: {  	_ =	shalt  }
0x78: {  	_ =	shalt  }
0x79: {  	_ =	shalt  }
0x7a: {  	_ =	shalt  }
0x7b: {  	_ =	shalt  }
0x7c: {  	_ =	shalt  }
0x7d: {  	_ =	shalt  }
0x7e: {  	_ =	shalt  }
0x7f: {  	_ =	shalt  }
0x80: {  	_ =	shalt  }
0x81: {  	_ =	shalt  }
0x82: {  	_ =	shalt  }
0x83: {  	_ =	shalt  }
0x84: {  	_ =	shalt  }
0x85: {  	_ =	shalt  }
0x86: {  	_ =	shalt  }
0x87: {  	_ =	shalt  }
.Lfunc_end0:
.L_simem_size_0:
called_computation.1_lowered:
.L_overlay_start_0:
0x88: {  	s2 =	sld [smem:$0x3FD9]  }
0x89: {  	s3 =	sld [smem:$0x3FFE];
	_ =	sdelay $0x1  }
0x8a: {  	s1 =	srdreg.scid  }
0x8b: {  	s0 =	sand.u32 $0x1, s1  }
0x8c: {  	s17 =	sshll.u32 s0, $0xA;
	s2 =	sadd.s32 s3, s2  }
0x8d: {  	s2 =	sadd.s32 s2, s17  }
0x8e: {  	[smem:$0x3FC5] =	sst s2  }
0x8f: {  	_ = 	snop  }
0x90: {  	s2 =	sld [smem:$0x3FD0];
	(tm) =	ssettm $0x1  }
0x91: {  	s18 =	sld [smem:$0x3FFB];
	_ =	sdelay $0x3  }
0x92: {  	_ =	strace s18  }
0x93: {  	s3 =	sld [smem:$0x3FFC];
	_ =	sdelay $0x3  }
0x94: {  	_ =	strace s3  }
0x95: {  	s3 =	sld [smem:$0x3FFD];
	_ =	sdelay $0x3  }
0x96: {  	_ =	strace s3  }
0x97: {  	_ =	strace $0x8FFFFFFF  }
0x98: {  	s19 =	sld [smem:$0x3FDB];
	_ =	sdelay $0x1  }
0x99: {  	s4 =	simm.s32 $_scs_section_size  }
0x9a: {  	s5 =	simm.s32 $_size__tile_overlayer_lowered;
	s6 =	simm.s32 $_tile_overlayer_lowered  }
0x9b: {  	s22 =	simm.s32 $0x1BFF;
	s21 =	sshll.u32 s6, $0x1;
	s3 =	sadd.s32 s4, s19  }
0x9c: {  	s7 =	simm.s32 $0x0;
	s20 =	sshll.u32 s5, $0x1;
	s5 =	sadd.s32 s21, s3  }
0x9d: {  	[timem:s7], [sflag:s22] =	dma.local [hbm:s5], s20  }
0x9e: {  	_ =	swait.ge [sflag:s22], s20  }
0x9f: {  	s4 =	ssub.s32 $0x0, s20;
	[sflag:s22] =	ssyncset.done $0x0  }
0xa0: {  	[sflag:s22] =	ssyncadd.s32 s4;
	_ =	sdelay $0x1  }
0xa1: {  	s23 =	simm.s32 $0x1B8B  }
0xa2: {  	_ =	swait.ge [sflag:s23], $0x1  }
0xa3: {  	[sflag:s23] =	ssyncset.done $0x0  }
0xa4: {  	s25 =	simm.s32 $0x1B8E;
	s24 =	sld [smem:$0x3FFE];
	[sflag:s23] =	ssyncadd.s32 $0xFFFFFFFF  }
0xa5: {  	s26 =	simm.s32 $execute0_lowered;
	[smem:$0x3FD2] =	sst s25  }
0xa6: {  	s5 =	sshll.u32 s26, $0x1;
	_ =	strace $0x80000046;
	[dreg:$0x1] =	wrdreg $0xFFFFFFFF  }
0xa7: {  	s28 =	simm.s32 $_size_execute0_lowered;
	s3 =	sadd.s32 s3, s5;
	[dreg:$0x0] =	wrdreg $0x0  }
0xa8: {  	s5 =	sshll.u32 s28, $0x1;
	[dreg:$0x2] =	wrdreg s3  }
0xa9: {  	[dreg:$0x3] =	wrdreg s5  }
0xaa: {  	[dreg:$0x4] =	wrdreg $0xC0  }
0xab: {  	_ =	task [dreg:s7], $0x5FFFF  }
0xac: {  	[dreg:$0x1] =	wrdreg $0xFFFFFFFF  }
0xad: {  	[dreg:$0x0] =	wrdreg $0x60  }
0xae: {  	[dreg:$0x2] =	wrdreg s2  }
0xaf: {  	[dreg:$0x3] =	wrdreg s24  }
0xb0: {  	[dreg:$0x4] =	wrdreg $0x9  }
0xb1: {  	_ =	task.clear_ibuf [dreg:s7], $0x5FFFF;
	_ =	strace $0x90000046  }
0xb2: {  	s29 =	simm.s32 $0x9;
	_ =	strace $0x80000048  }
0xb3: {  	_ =	swait.ge [sflag:s29], $0x1  }
0xb4: {  	[sflag:s29] =	ssyncadd.s32 $0xFFFFFFFF  }
0xb5: {  	_ =	strace $0x90000048  }
0xb6: {  	_ =	sfence  }
0xb7: {  	s30 =	sld [smem:$0x0];
	_ =	sdelay $0x2  }
0xb8: {  	s31 =	sshll.u32 s1, $0xD;
	s1 =	sshrl.u32 s1, $0x2  }
0xb9: {  	s3 =	sand.u32 $0x4000, s31;
	s1 =	sadd.s32 s1, s30  }
0xba: {  	s0 =	sor.u32 s3, s0;
	s1 =	sshll.u32 s1, $0x11  }
0xbb: {  	s0 =	sor.u32 s1, s0  }
0xbc: {  	s0 =	sadd.s32 $0x8F2B, s0  }
0xbd: {  	[sflag:s0] =	ssyncadd.remote.s32 $0x1  }
0xbe: {  	_ =	sfence.sel $0xFFFF  }
0xbf: {  	[dreg:$0x0] =	wrdreg $0xFFFFFFFF;
	(pc) =	sbr.abs _section_cstart, $3  }
0xc0: {  	[dreg:$0x1] =	wrdreg $0xFFFFFFFF  }
0xc1: {  	_ =	task.clear_ibuf [dreg:s7], $0x2FFFF;
	_ =	strace $0x9FFFFFFF  }
0xc2: {  	(tm) =	ssettm $0x7FFFFFFF  }
0xc3: {  	_ =	shalt  }
tec
execute0_lowered:
.L_overlay_start_1:
0x0: {  	(tag) =	ssettag $0x1  }
0x1: {  	s29 =	rddreg [dreg:$0x0];
	s0 =	srdreg.scid  }
0x2: {  	s6 =	stileid.u32;
	s1 =	rddreg [dreg:$0x1]  }
0x3: {  	s5 =	simm.s32 $0x0;
	s0 =	sand.u32 $0x1, s0;
	s2 =	sshll.u32 s6, $0x1  }
0x4: {  	[smem:$0x7FF] =	sst s5;
	s8 =	sadd.s32 $0x1800, s1;
	s12 =	smul.u32 $0xC800, s6  }
0x5: {  	s4 =	sadd.s32 $0xA00, s1;
	s1 =	sadd.s32 $0xF43C00, s1;
	s9 =	smul.u32 $0x320000, s0  }
0x6: {  	s2 =	sor.u32 s0, s2;
	s22 =	ssub.s32 $0x2, s0;
	s0 =	smul.u32 $0x6400, s0  }
0x7: {  	s31 =	smul.u32 $0x640000, s6;
	_ =	strace $0x80000047;
	[dreg:$0x4] =	wrdreg s4  }
0x8: {  	[dreg:$0x6] =	wrdreg s1;
	s0 =	sadd.s32 s0, s12  }
0x9: {  	s26 =	smul.u32 $0x6400, s2;
	s2 =	sadd.s32 s9, s31;
	[dreg:$0x15] =	wrdreg s0  }
0xa: {  	[dreg:$0x13] =	wrdreg s2  }
0xb: {  	s13 =	sadd.s32 $0x400, s26;
	[dreg:$0x3] =	wrdreg s26  }
0xc: {  	s14 =	sadd.s32 $0x480, s26;
	[dreg:$0xe] =	wrdreg s13  }
0xd: {  	s15 =	sadd.s32 $0x500, s26;
	[dreg:$0xf] =	wrdreg s14  }
0xe: {  	s16 =	sadd.s32 $0x580, s26;
	[dreg:$0x10] =	wrdreg s15  }
0xf: {  	s17 =	sadd.s32 $0x600, s26;
	[dreg:$0x11] =	wrdreg s16  }
0x10: {  	s23 =	sshrl.u32 s22, $0x1;
	s18 =	sadd.s32 $0x680, s26;
	[dreg:$0x12] =	wrdreg s17  }
0x11: {  	s24 =	ssub.s32 s22, s23;
	s19 =	sadd.s32 $0x700, s26;
	[dreg:$0x14] =	wrdreg s18  }
0x12: {  	s1 =	smax.u32 s24, $0x1;
	[dreg:$0x16] =	wrdreg s19  }
0x13: {  	s20 =	sadd.s32 $0x780, s26;
	[dreg:$0x17] =	wrdreg s1  }
0x14: {  	s21 =	sadd.s32 $0xFFFFDC00, s2;
	[dreg:$0x18] =	wrdreg s20  }
0x15: {  	s22 =	sor.u32 $0x1D80, s2;
	[dreg:$0x19] =	wrdreg s21  }
0x16: {  	s23 =	sor.u32 $0x5D80, s2;
	[dreg:$0x1a] =	wrdreg s22  }
0x17: {  	s24 =	sor.u32 $0x9D80, s2;
	[dreg:$0x1b] =	wrdreg s23  }
0x18: {  	s3 =	sshrl.u32 s26, $0x3;
	s31 =	sor.u32 $0x1C180, s2;
	[dreg:$0x1c] =	wrdreg s24  }
0x19: {  	s7 =	sadd.s32 s29, s3;
	[smem:$0x7FD] =	sst s31  }
0x1a: {  	s25 =	sadd.s32 $0x10, s7;
	[dreg:$0x5] =	wrdreg s7  }
0x1b: {  	s28 =	sadd.s32 $0x20, s7;
	[dreg:$0x7] =	wrdreg s25  }
0x1c: {  	s30 =	sadd.s32 $0x30, s7;
	[dreg:$0x8] =	wrdreg s28  }
0x1d: {  	s3 =	sadd.s32 $0x40, s7;
	[dreg:$0x9] =	wrdreg s30  }
0x1e: {  	s4 =	sadd.s32 $0x50, s7;
	[dreg:$0xa] =	wrdreg s3  }
0x1f: {  	s10 =	sadd.s32 $0x60, s7;
	[dreg:$0xb] =	wrdreg s4  }
0x20: {  	s11 =	sadd.s32 $0x70, s7;
	[dreg:$0xc] =	wrdreg s10  }
0x21: {  	[dreg:$0xd] =	wrdreg s11;
	s25 =	sor.u32 $0xDD80, s2  }
0x22: {  	s28 =	sor.u32 $0x300, s0;
	[dreg:$0x1d] =	wrdreg s25  }
0x23: {  	s30 =	sor.u32 $0x18180, s2;
	[dreg:$0x1e] =	wrdreg s28  }
0x24: {  	s0 =	sor.u32 $0x380, s0;
	[dreg:$0x1f] =	wrdreg s30  }
0x25: {  	s24 =	simm.s32 $0x80;
	s2 =	simm.s32 $0x0;
	[smem:$0x7FC] =	sst s0  }
.LBB2_1:
0x26: {  	[smem:$0x7FB] =	sst s2  }
0x27: {  	s0 =	rddreg [dreg:$0x4];
	s1 =	simm.s32 $0x11  }
0x28: {  	[tilespmem:s5], [sflag:$0x11] =	stream.linear.gather [hbm4b:s0+s5], $0x6400, $0x38;
	[tilespmem:$0x1E800] =	vst v63  }
0x29: {  	_ =	swait.ge [sflag:s1], $0x6400  }
0x2a: {  	[sflag:s1] =	ssyncset.done $0x0  }
0x2b: {  	s7 =	simm.s32 $0x1E400;
	s6 =	rddreg [dreg:$0x5];
	[sflag:s1] =	ssyncadd.s32 $0xFFFF9C00  }
0x2c: {  	[tilespmem:s7], [sflag:$0x11] =	stream.linear.gather [hbm4b:s6+s5], $0x80, $0x38;
	[tilespmem:$0x1E800] =	vst v63  }
0x2d: {  	_ =	swait.ge [sflag:s1], $0x80  }
0x2e: {  	[sflag:s1] =	ssyncset.done $0x0  }
0x2f: {  	s9 =	simm.s32 $0x6400;
	[sflag:s1] =	ssyncadd.s32 $0xFFFFFF80  }
0x30: {  	[tilespmem:s9], [sflag:$0x1] =	stream.indirect.gather [hbm4b:s8+s24], $0x80, s7, s24, $0xb8;
	[tilespmem:$0x1E800] =	vst v63  }
0x31: {  	s11 =	simm.s32 $0x1E480;
	s10 =	rddreg [dreg:$0x7]  }
0x32: {  	[tilespmem:s11], [sflag:$0x11] =	stream.linear.gather [hbm4b:s10+s5], $0x80, $0x38;
	[tilespmem:$0x1E800] =	vst v63  }
0x33: {  	_ =	swait.ge [sflag:s1], $0x80  }
0x34: {  	[sflag:s1] =	ssyncset.done $0x0  }
0x35: {  	s12 =	simm.s32 $0xA400;
	[sflag:s1] =	ssyncadd.s32 $0xFFFFFF80  }
0x36: {  	[tilespmem:s12], [sflag:$0x2] =	stream.indirect.gather [hbm4b:s8+s24], $0x80, s11, s24, $0xb8;
	[tilespmem:$0x1E800] =	vst v63  }
0x37: {  	s14 =	simm.s32 $0x1E500;
	s13 =	rddreg [dreg:$0x8]  }
0x38: {  	[tilespmem:s14], [sflag:$0x11] =	stream.linear.gather [hbm4b:s13+s5], $0x80, $0x38;
	[tilespmem:$0x1E800] =	vst v63  }
0x39: {  	_ =	swait.ge [sflag:s1], $0x80  }
0x3a: {  	s16 =	rddreg [dreg:$0x9]  }
0x3b: {  	s18 =	rddreg [dreg:$0xa]  }
0x3c: {  	s20 =	rddreg [dreg:$0xb]  }
0x3d: {  	[sflag:s1] =	ssyncset.done $0x0;
	s22 =	rddreg [dreg:$0xc]  }
0x3e: {  	s15 =	simm.s32 $0xE400;
	s25 =	rddreg [dreg:$0xd];
	[sflag:s1] =	ssyncadd.s32 $0xFFFFFF80  }
0x3f: {  	[tilespmem:s15], [sflag:$0x3] =	stream.indirect.gather [hbm4b:s8+s24], $0x80, s14, s24, $0xb8;
	[tilespmem:$0x1E800] =	vst v63  }
0x40: {  	s17 =	simm.s32 $0x1E580;
	s13 =	sld [smem:$0x7FC]  }
0x41: {  	[tilespmem:s17], [sflag:$0xC] =	stream.linear.gather [hbm4b:s16+s5], $0x80, $0x38;
	[tilespmem:$0x1E800] =	vst v63  }
0x42: {  	s19 =	simm.s32 $0x1E600;
	s28 =	rddreg [dreg:$0x1f]  }
0x43: {  	[tilespmem:s19], [sflag:$0xD] =	stream.linear.gather [hbm4b:s18+s5], $0x80, $0x38;
	[tilespmem:$0x1E800] =	vst v63  }
0x44: {  	s21 =	simm.s32 $0x1E680;
	s14 =	rddreg [dreg:$0x1e]  }
0x45: {  	[tilespmem:s21], [sflag:$0xE] =	stream.linear.gather [hbm4b:s20+s5], $0x80, $0x38;
	[tilespmem:$0x1E800] =	vst v63  }
0x46: {  	s23 =	simm.s32 $0x1E700;
	s17 =	sld [smem:$0x7FD]  }
0x47: {  	[tilespmem:s23], [sflag:$0xF] =	stream.linear.gather [hbm4b:s22+s5], $0x80, $0x38;
	[tilespmem:$0x1E800] =	vst v63  }
0x48: {  	s30 =	simm.s32 $0x1E780;
	s31 =	simm.s32 $0x0;
	s23 =	rddreg [dreg:$0x15]  }
0x49: {  	[tilespmem:s30], [sflag:$0x10] =	stream.linear.gather [hbm4b:s25+s5], $0x80, $0x38;
	[tilespmem:$0x1E800] =	vst v63  }
.LBB2_2:
0x4a: {  	p0 =	seq.s32 s31, $0x0  }
0x4b: {  	[smem:$0x7F7] =	sst s17;
	s0 =	simm.s32 @!p0 $0x8  }
0x4c: {  	_ =	swait.ge @!p0 [sflag:s0], $0x4000  }
0x4d: {  	[sflag:s0] =	ssyncset.done @!p0 $0x0  }
0x4e: {  	s16 =	simm.s32 $0xC;
	[sflag:s0] =	ssyncadd.s32 @!p0 $0xFFFFC000  }
0x4f: {  	s17 =	simm.s32 $0x1E580;
	_ =	swait.ge [sflag:s16], $0x80  }
0x50: {  	s1 =	simm.s32 $0x12400;
	p0 =	seq.s32 s31, $0x18;
	[sflag:s16] =	ssyncset.done $0x0  }
0x51: {  	s11 =	sshll.u32 @!p0 s31, $0xA;
	s0 =	rddreg [dreg:$0xe];
	[sflag:s16] =	ssyncadd.s32 $0xFFFFFF80  }
0x52: {  	[tilespmem:s1], [sflag:$0x4] =	stream.indirect.gather [hbm4b:s8+s24], $0x80, s17, s24, $0xb8;
	[tilespmem:$0x1E800] =	vst v63  }
0x53: {  	s1 =	sadd.s32 @!p0 s11, s0;
	s11 =	simm.s32 @p0 $0x6000  }
0x54: {  	s0 =	sadd.s32 s26, s11  }
0x55: {  	s3 =	simm.s32 $0x1;
	s2 =	smulhi.u32 $0x51EB851F, s0  }
0x56: {  	s4 =	simm.s32 @!p0 $0x1E400;
	_ =	swait.ge [sflag:s3], $0x4000;
	s1 =	sshrl.u32 @!p0 s1, $0x3  }
0x57: {  	[sflag:s3] =	ssyncset.done $0x0;
	s1 =	sadd.s32 @!p0 s29, s1;
	s2 =	sshrl.u32 s2, $0x6  }
0x58: {  	[sflag:s3] =	ssyncadd.s32 $0xFFFFC000;
	s3 =	simm.s32 @!p0 $0x0;
	s6 =	smul.u32 $0xC8, s2  }
0x59: {  	[tilespmem:s4], [sflag:$0x9] =	stream.linear.gather @!p0 [hbm4b:s1+s3], $0x80, $0x38;
	[tilespmem:$0x1E800] =	vst v63  }
0x5a: {  	s10 =	ssub.s32 s0, s6  }
0x5b: {  	s15 =	sshll.u32 s11, $0x7;
	s18 =	smul.u32 $0x6400, s2;
	s19 =	sadd.s32 $0xFFFFFFFC, s10  }
0x5c: {  	s20 =	rddreg [dreg:$0x13];
	s1 =	simm.s32 $0xFFFF9D80;
	s21 =	sadd.s32 $0x7, s19  }
0x5d: {  	s3 =	ssub.s32 s20, s18;
	s18 =	simm.s32 $0x6500;
	p1 =	sgt.u32 s21, $0xC7  }
0x5e: {  	s25 =	sadd.s32 s3, s15;
	s22 =	sadd.s32 $0x5, s19;
	s1 =	simm.s32 @!p1 $0x180  }
0x5f: {  	v0 =	vld [tilespmem:s18+$0x80];
	p1 =	sgt.u32 s22, $0xC7;
	s12 =	sadd.s32 s1, s25;
	s1 =	simm.s32 $0xFFFF9C80  }
0x60: {  	s7 =	sadd.s32 $0x6, s19;
	s1 =	simm.s32 @!p1 $0x80;
	v1 =	vld [tilespmem:s12+$0x0]  }
0x61: {  	v2 =	vld [tilespmem:s18+$0xFFFFFF80];
	p1 =	sgt.u32 s7, $0xC7;
	s9 =	sadd.s32 s1, s25;
	s1 =	simm.s32 $0xFFFF9D00  }
0x62: {  	v3 =	vld [tilespmem:s9+$0x0];
	s1 =	simm.s32 @!p1 $0x100  }
0x63: {  	v4 =	vld [tilespmem:s18+$0x0];
	s17 =	sadd.s32 $0x0, s10;
	s16 =	sadd.s32 $0x4, s19;
	s2 =	sadd.s32 s1, s25  }
0x64: {  	s7 =	sadd.s32 $0xFFFF9C00, s25;
	p1 =	sgt.u32 s16, $0xC7;
	s1 =	smov.u32 s25;
	v5 =	vld [tilespmem:s2+$0x0]  }
0x65: {  	s19 =	sadd.s32 $0x7, s17;
	s1 =	smov.u32 @p1 s7;
	v0 =	vadd.f32 v0, v1;
	v1 =	vld [tilespmem:s18+$0xFFFFFF00]  }
0x66: {  	s16 =	simm.s32 $0x16500;
	p1 =	sgt.u32 s19, $0xC7;
	s19 =	simm.s32 $0x6700;
	v6 =	vld [tilespmem:s1+$0x0]  }
0x67: {  	v7 =	vld [tilespmem:s19+$0xFFFFFF00];
	[tilespmem:s16+$0x80] =	vst v0;
	v0 =	vadd.f32 v2, v3  }
0x68: {  	v2 =	vld [tilespmem:s12+$0x10]  }
0x69: {  	v3 =	vld [tilespmem:s18+$0x90];
	[tilespmem:s16+$0xFFFFFF80] =	vst v0  }
0x6a: {  	v0 =	vadd.f32 v4, v5;
	v4 =	vld [tilespmem:s9+$0x10]  }
0x6b: {  	v5 =	vld [tilespmem:s18+$0xFFFFFF90]  }
0x6c: {  	v8 =	vld [tilespmem:s19+$0x80];
	v1 =	vadd.f32 v1, v6;
	[tilespmem:s16+$0x0] =	vst v0  }
0x6d: {  	s22 =	sadd.s32 $0x200, s3;
	s3 =	simm.s32 $0xFFFF9D80;
	v0 =	vld [tilespmem:s2+$0x10]  }
0x6e: {  	s20 =	sadd.s32 s22, s15;
	s3 =	simm.s32 @!p1 $0x180;
	[tilespmem:s16+$0xFFFFFF00] =	vst v1;
	v1 =	vld [tilespmem:s18+$0x10];
	v2 =	vadd.f32 v3, v2  }
0x6f: {  	v10 =	vld [tilespmem:s19+$0xFFFFFF80];
	s3 =	sadd.s32 s3, s20  }
0x70: {  	v9 =	vld [tilespmem:s3+$0x0];
	[tilespmem:s16+$0x90] =	vst v2;
	v2 =	vadd.f32 v5, v4  }
0x71: {  	v3 =	vld [tilespmem:s1+$0x10]  }
0x72: {  	v6 =	vld [tilespmem:s18+$0xFFFFFF10];
	[tilespmem:s16+$0xFFFFFF90] =	vst v2  }
0x73: {  	v0 =	vadd.f32 v1, v0;
	v1 =	vld [tilespmem:s9+$0x20]  }
0x74: {  	s21 =	sadd.s32 $0x5, s17;
	v2 =	vld [tilespmem:s18+$0xFFFFFFA0]  }
0x75: {  	s7 =	simm.s32 $0xFFFF9C80;
	p1 =	sgt.u32 s21, $0xC7;
	v4 =	vld [tilespmem:s12+$0x20]  }
0x76: {  	s7 =	simm.s32 @!p1 $0x80;
	v5 =	vld [tilespmem:s18+$0xA0]  }
0x77: {  	s25 =	sadd.s32 $0x6, s17;
	v11 =	vld [tilespmem:s19+$0x0];
	s6 =	sadd.s32 s7, s20;
	v8 =	vadd.f32 v8, v9  }
0x78: {  	p1 =	sgt.u32 s25, $0xC7;
	s25 =	simm.s32 $0x16700;
	v12 =	vld [tilespmem:s6+$0x0];
	v3 =	vadd.f32 v6, v3;
	[tilespmem:s16+$0x10] =	vst v0  }
0x79: {  	[tilespmem:s25+$0x80] =	vst v8;
	v0 =	vld [tilespmem:s2+$0x20];
	v1 =	vadd.f32 v2, v1  }
0x7a: {  	[tilespmem:s16+$0xFFFFFF10] =	vst v3;
	v3 =	vld [tilespmem:s18+$0x20]  }
0x7b: {  	v58 =	vld [tilespmem:s3+$0x10];
	v4 =	vadd.f32 v5, v4;
	[tilespmem:s16+$0xFFFFFFA0] =	vst v1  }
0x7c: {  	v1 =	vld [tilespmem:s9+$0x30];
	s9 =	simm.s32 $0xFFFF9D00  }
0x7d: {  	s7 =	sadd.s32 $0xFFFF9C00, s20;
	v59 =	vld [tilespmem:s19+$0x90];
	[tilespmem:s16+$0xA0] =	vst v4;
	s9 =	simm.s32 @!p1 $0x100  }
0x7e: {  	v2 =	vld [tilespmem:s12+$0x30];
	s12 =	sadd.s32 $0x4, s17;
	s17 =	smov.u32 s20;
	s20 =	sadd.s32 s9, s20  }
0x7f: {  	v0 =	vadd.f32 v3, v0;
	v3 =	vld [tilespmem:s20+$0x0]  }
0x80: {  	v5 =	vld [tilespmem:s1+$0x20];
	p1 =	sgt.u32 s12, $0xC7  }
0x81: {  	v6 =	vld [tilespmem:s18+$0xFFFFFF20];
	s17 =	smov.u32 @p1 s7  }
0x82: {  	[tilespmem:s16+$0x20] =	vst v0;
	v0 =	vadd.f32 v10, v12;
	v13 =	vld [tilespmem:s17+$0x0]  }
0x83: {  	v4 =	vld [tilespmem:s18+$0xB0]  }
0x84: {  	v57 =	vld [tilespmem:s18+$0xFFFFFFB0];
	[tilespmem:s25+$0xFFFFFF80] =	vst v0;
	v3 =	vadd.f32 v11, v3  }
0x85: {  	v0 =	vld [tilespmem:s6+$0x10]  }
0x86: {  	[tilespmem:s25+$0x0] =	vst v3;
	v3 =	vld [tilespmem:s19+$0xFFFFFF90]  }
0x87: {  	v8 =	vld [tilespmem:s2+$0x30];
	v7 =	vadd.f32 v7, v13  }
0x88: {  	v61 =	vld [tilespmem:s20+$0x10]  }
0x89: {  	v10 =	vadd.f32 v59, v58;
	[tilespmem:s25+$0xFFFFFF00] =	vst v7;
	v7 =	vld [tilespmem:s19+$0x10]  }
0x8a: {  	v5 =	vadd.f32 v6, v5;
	v62 =	vld [tilespmem:s17+$0x10]  }
0x8b: {  	[tilespmem:s25+$0x90] =	vst v10;
	v6 =	vld [tilespmem:s19+$0xFFFFFF10];
	v0 =	vadd.f32 v3, v0  }
0x8c: {  	[tilespmem:s16+$0xFFFFFF20] =	vst v5;
	v10 =	vld [tilespmem:s3+$0x20]  }
0x8d: {  	v5 =	vld [tilespmem:s19+$0xA0];
	[tilespmem:s25+$0xFFFFFF90] =	vst v0  }
0x8e: {  	v60 =	vld [tilespmem:s18+$0x30];
	v3 =	vadd.f32 v7, v61;
	[smem:$0x7F8] =	sst s13  }
0x8f: {  	s4 =	smulhi.u32 $0x51EB851F, s13;
	v2 =	vadd.f32 v4, v2;
	v0 =	vld [tilespmem:s1+$0x30];
	[smem:$0x7F9] =	sst s14  }
0x90: {  	v4 =	vadd.f32 v6, v62;
	v7 =	vld [tilespmem:s6+$0x20];
	[tilespmem:s25+$0x10] =	vst v3  }
0x91: {  	s7 =	smulhi.u32 $0x51EB851F, s14;
	s2 =	sshrl.u32 s4, $0x6;
	v1 =	vadd.f32 v57, v1;
	v6 =	vld [tilespmem:s19+$0xFFFFFFA0];
	[tilespmem:s16+$0xB0] =	vst v2  }
0x92: {  	s9 =	smul.u32 $0xC8, s2;
	v63 =	vadd.f32 v5, v10;
	[tilespmem:s25+$0xFFFFFF10] =	vst v4;
	v3 =	vld [tilespmem:s20+$0x20]  }
0x93: {  	s12 =	sshrl.u32 s7, $0x6;
	[tilespmem:s16+$0xFFFFFFB0] =	vst v1;
	v5 =	vld [tilespmem:s19+$0x20]  }
0x94: {  	s21 =	ssub.s32 s23, s9;
	s13 =	smul.u32 $0xC8, s12;
	s14 =	sshll.u32 s31, $0x3;
	v1 =	vadd.f32 v60, v8;
	[tilespmem:s25+$0xA0] =	vst v63;
	v2 =	vld [tilespmem:s17+$0x20]  }
0x95: {  	s7 =	smul.u32 $0xFFFF9C00, s12;
	s12 =	simm.s32 $0x6700;
	v4 =	vld [tilespmem:s19+$0xFFFFFF20];
	[smem:$0x7FA] =	sst s14  }
0x96: {  	s1 =	smul.u32 $0xFFFF9C00, s2;
	s2 =	simm.s32 $0x4;
	s30 =	ssub.s32 s23, s13;
	[tilespmem:s16+$0x30] =	vst v1;
	v1 =	vld [tilespmem:s3+$0x30];
	v6 =	vadd.f32 v6, v7  }
.LBB2_3:
0x97: {  	s3 =	sadd.s32 s2, s10;
	s22 =	sadd.s32 $0x200, s22  }
0x98: {  	v7 =	vld [tilespmem:s19+$0xB0];
	s19 =	sadd.s32 $0x200, s19;
	s2 =	sadd.s32 $0x4, s2;
	s14 =	simm.s32 $0xFFFF9D00  }
0x99: {  	s4 =	sadd.s32 $0x5, s3;
	s9 =	sadd.s32 $0x6, s3;
	s13 =	sadd.s32 $0x7, s3;
	[tilespmem:s25+$0xFFFFFFA0] =	vst v6;
	v3 =	vadd.f32 v5, v3;
	v5 =	vld [tilespmem:s18+$0xFFFFFF30]  }
0x9a: {  	s3 =	sadd.s32 $0x4, s3;
	p1 =	sgt.u32 s13, $0xC7;
	v6 =	vld [tilespmem:s6+$0x30];
	s6 =	simm.s32 $0xFFFF9D80  }
0x9b: {  	s13 =	sadd.s32 s22, s15;
	p2 =	sgt.u32 s4, $0xC7;
	v8 =	vld [tilespmem:s19+$0xFFFFFF00];
	s6 =	simm.s32 @!p1 $0x180;
	v2 =	vadd.f32 v4, v2;
	[tilespmem:s25+$0x20] =	vst v3  }
0x9c: {  	p1 =	slt.u32 s2, $0x7C;
	s4 =	sadd.s32 s6, s13;
	v3 =	vld [tilespmem:s19+$0x80];
	s6 =	simm.s32 $0xFFFF9C80  }
0x9d: {  	p3 =	sgt.u32 s3, $0xC7;
	s6 =	simm.s32 @!p2 $0x80;
	p2 =	sgt.u32 s9, $0xC7;
	v4 =	vld [tilespmem:s4+$0x0];
	[tilespmem:s25+$0xFFFFFF20] =	vst v2;
	v1 =	vadd.f32 v7, v1  }
0x9e: {  	s3 =	smov.u32 s13;
	s9 =	sadd.s32 $0xFFFF9C00, s13;
	v2 =	vld [tilespmem:s19+$0xFFFFFF80];
	s14 =	simm.s32 @!p2 $0x100;
	v0 =	vadd.f32 v5, v0  }
0x9f: {  	s3 =	smov.u32 @p3 s9;
	s6 =	sadd.s32 s6, s13;
	s9 =	sadd.s32 s14, s13;
	v5 =	vld [tilespmem:s19+$0x0];
	[tilespmem:s25+$0xB0] =	vst v1  }
0xa0: {  	s18 =	smov.u32 s12;
	s12 =	smov.u32 s19;
	v1 =	vld [tilespmem:s6+$0x0];
	[tilespmem:s16+$0xFFFFFF30] =	vst v0;
	s16 =	smov.u32 s25  }
0xa1: {  	v0 =	vld [tilespmem:s9+$0x0]  }
0xa2: {  	v7 =	vld [tilespmem:s3+$0x0];
	v3 =	vadd.f32 v3, v4  }
0xa3: {  	s25 =	sadd.s32 $0x200, s25;
	v4 =	vld [tilespmem:s18+$0xFFFFFFB0]  }
0xa4: {  	[tilespmem:s25+$0x80] =	vst v3;
	v3 =	vld [tilespmem:s20+$0x30];
	s20 =	smov.u32 s9  }
0xa5: {  	v1 =	vadd.f32 v2, v1;
	v2 =	vld [tilespmem:s4+$0x10]  }
0xa6: {  	v0 =	vadd.f32 v5, v0;
	v5 =	vld [tilespmem:s19+$0x90]  }
0xa7: {  	v7 =	vadd.f32 v8, v7;
	[tilespmem:s25+$0xFFFFFF80] =	vst v1;
	v1 =	vld [tilespmem:s18+$0x30]  }
0xa8: {  	v8 =	vld [tilespmem:s6+$0x10];
	[tilespmem:s25+$0x0] =	vst v0;
	v0 =	vadd.f32 v4, v6  }
0xa9: {  	[tilespmem:s25+$0xFFFFFF00] =	vst v7;
	v4 =	vld [tilespmem:s19+$0xFFFFFF90]  }
0xaa: {  	v6 =	vld [tilespmem:s20+$0x10];
	[tilespmem:s16+$0xFFFFFFB0] =	vst v0  }
0xab: {  	v0 =	vld [tilespmem:s19+$0x10];
	v2 =	vadd.f32 v5, v2  }
0xac: {  	v5 =	vld [tilespmem:s3+$0x10];
	v1 =	vadd.f32 v1, v3  }
0xad: {  	v3 =	vld [tilespmem:s19+$0xFFFFFF10];
	[tilespmem:s25+$0x90] =	vst v2  }
0xae: {  	v2 =	vadd.f32 v4, v8;
	v4 =	vld [tilespmem:s4+$0x20];
	[tilespmem:s16+$0x30] =	vst v1  }
0xaf: {  	v1 =	vld [tilespmem:s19+$0xA0]  }
0xb0: {  	[tilespmem:s25+$0xFFFFFF90] =	vst v2;
	v2 =	vadd.f32 v0, v6;
	v0 =	vld [tilespmem:s17+$0x30];
	s17 =	smov.u32 s3  }
0xb1: {  	v6 =	vld [tilespmem:s6+$0x20]  }
0xb2: {  	v5 =	vadd.f32 v3, v5;
	v7 =	vld [tilespmem:s19+$0xFFFFFFA0];
	[tilespmem:s25+$0x10] =	vst v2  }
.Ltmp0:
0xb3: {  	v3 =	vld [tilespmem:s20+$0x20];
	(pc) =	sbr.rel @p1 .LBB2_3-.Ltmp0, $4  }
0xb4: {  	[tilespmem:s25+$0xFFFFFF10] =	vst v5;
	v5 =	vld [tilespmem:s19+$0x20];
	v1 =	vadd.f32 v1, v4  }
0xb5: {  	v2 =	vld [tilespmem:s17+$0x20]  }
0xb6: {  	v4 =	vld [tilespmem:s19+$0xFFFFFF20];
	[tilespmem:s25+$0xA0] =	vst v1  }
0xb7: {  	v6 =	vadd.f32 v7, v6;
	v1 =	vld [tilespmem:s4+$0x30]  }
0xb8: {  	v7 =	vld [tilespmem:s19+$0xB0]  }
0xb9: {  	[tilespmem:s25+$0xFFFFFFA0] =	vst v6;
	v3 =	vadd.f32 v5, v3;
	v5 =	vld [tilespmem:s18+$0xFFFFFF30]  }
0xba: {  	v6 =	vld [tilespmem:s6+$0x30]  }
0xbb: {  	v2 =	vadd.f32 v4, v2;
	[tilespmem:s25+$0x20] =	vst v3;
	v3 =	vld [tilespmem:s12+$0xFFFFFFB0]  }
0xbc: {  	v4 =	vld [tilespmem:s20+$0x30]  }
0xbd: {  	[tilespmem:s25+$0xFFFFFF20] =	vst v2;
	v2 =	vld [tilespmem:s12+$0x30]  }
0xbe: {  	v8 =	vld [tilespmem:s17+$0x30]  }
0xbf: {  	v9 =	vld [tilespmem:s12+$0xFFFFFF30]  }
0xc0: {  	v1 =	vadd.f32 v7, v1  }
0xc1: {  	v0 =	vadd.f32 v5, v0  }
0xc2: {  	[tilespmem:s25+$0xB0] =	vst v1;
	v1 =	vadd.f32 v3, v6  }
0xc3: {  	[tilespmem:s16+$0xFFFFFF30] =	vst v0;
	v0 =	vadd.f32 v2, v4  }
0xc4: {  	[tilespmem:s25+$0xFFFFFFB0] =	vst v1;
	v1 =	vadd.f32 v9, v8  }
0xc5: {  	[tilespmem:s25+$0x30] =	vst v0  }
0xc6: {  	[tilespmem:s25+$0xFFFFFF30] =	vst v1  }
0xc7: {  	s0 =	sshll.u32 s0, $0x4;
	s2 =	rddreg [dreg:$0x6]  }
0xc8: {  	s9 =	simm.s32 $0x16400;
	s10 =	simm.s32 $0x5;
	s0 =	sadd.s32 s2, s0  }
0xc9: {  	[hbm4b:s0+s5] =	stream.linear.scatter [tilespmem:s9], [sflag:$0x5], $0x4000, $0x38;
	[tilespmem:$0x1E800] =	vst v63  }
0xca: {  	_ =	swait.ge [sflag:s10], $0x4000  }
0xcb: {  	[sflag:s10] =	ssyncset.done $0x0  }
0xcc: {  	s12 =	simm.s32 $0xD;
	[sflag:s10] =	ssyncadd.s32 $0xFFFFC000  }
0xcd: {  	s13 =	simm.s32 $0x6400;
	_ =	swait.ge [sflag:s12], $0x80  }
0xce: {  	s14 =	simm.s32 $0x1E600;
	s25 =	sadd.s32 s11, s26;
	[sflag:s12] =	ssyncset.done $0x0  }
0xcf: {  	s16 =	simm.s32 $0x2;
	s10 =	sadd.s32 $0x80, s25;
	[sflag:s12] =	ssyncadd.s32 $0xFFFFFF80  }
0xd0: {  	[tilespmem:s13], [sflag:$0x1] =	stream.indirect.gather [hbm4b:s8+s24], $0x80, s14, s24, $0xb8;
	[tilespmem:$0x1E800] =	vst v63  }
0xd1: {  	s4 =	smulhi.u32 $0x51EB851F, s10;
	_ =	swait.ge [sflag:s16], $0x4000  }
0xd2: {  	s3 =	simm.s32 @!p0 $0x1E480;
	s0 =	rddreg [dreg:$0xf]  }
0xd3: {  	s2 =	simm.s32 @!p0 $0x0;
	s17 =	sshrl.u32 s4, $0x6;
	s0 =	sadd.s32 @!p0 s11, s0  }
0xd4: {  	s18 =	smul.u32 $0xC8, s17;
	[sflag:s16] =	ssyncset.done $0x0;
	s0 =	sshrl.u32 @!p0 s0, $0x3  }
0xd5: {  	s19 =	rddreg [dreg:$0x15];
	[sflag:s16] =	ssyncadd.s32 $0xFFFFC000;
	s0 =	sadd.s32 @!p0 s29, s0  }
0xd6: {  	[tilespmem:s3], [sflag:$0xA] =	stream.linear.gather @!p0 [hbm4b:s0+s2], $0x80, $0x38;
	[tilespmem:$0x1E800] =	vst v63  }
0xd7: {  	s0 =	sadd.s32 s11, s19  }
0xd8: {  	s16 =	ssub.s32 s0, s18  }
0xd9: {  	s22 =	rddreg [dreg:$0x19];
	s9 =	sadd.s32 $0xFFFFFFFC, s16  }
0xda: {  	s4 =	sadd.s32 s15, s22;
	s2 =	smul.u32 $0x6400, s17;
	s20 =	sadd.s32 $0x87, s9  }
0xdb: {  	s3 =	simm.s32 $0x180;
	s19 =	simm.s32 $0xA500;
	p1 =	sgt.u32 s20, $0xC7  }
0xdc: {  	s4 =	ssub.s32 s4, s2;
	s26 =	sadd.s32 $0x85, s9;
	s3 =	simm.s32 @!p1 $0x6580  }
0xdd: {  	v0 =	vld [tilespmem:s19+$0x80];
	s2 =	simm.s32 $0x80;
	p1 =	sgt.u32 s26, $0xC7;
	s6 =	sadd.s32 s3, s4  }
0xde: {  	s13 =	sadd.s32 $0x86, s9;
	s2 =	simm.s32 @!p1 $0x6480;
	v1 =	vld [tilespmem:s6+$0x0]  }
0xdf: {  	v3 =	vld [tilespmem:s19+$0xFFFFFF80];
	p1 =	sgt.u32 s13, $0xC7;
	s14 =	sadd.s32 s2, s4;
	s2 =	simm.s32 $0x100  }
0xe0: {  	s17 =	sadd.s32 $0x84, s9;
	v2 =	vld [tilespmem:s14+$0x0];
	s2 =	simm.s32 @!p1 $0x6500  }
0xe1: {  	p1 =	sgt.u32 s17, $0xC7;
	s3 =	sadd.s32 s2, s4;
	s2 =	sadd.s32 $0x6400, s4  }
0xe2: {  	v4 =	vld [tilespmem:s19+$0x0];
	s2 =	smov.u32 @p1 s4  }
0xe3: {  	v6 =	vld [tilespmem:s2+$0x0];
	v0 =	vadd.f32 v0, v1  }
0xe4: {  	s18 =	simm.s32 $0x1A500;
	v1 =	vld [tilespmem:s3+$0x0]  }
0xe5: {  	v2 =	vadd.f32 v3, v2;
	v3 =	vld [tilespmem:s19+$0xFFFFFF00];
	[tilespmem:s18+$0x80] =	vst v0  }
0xe6: {  	v0 =	vld [tilespmem:s6+$0x10]  }
0xe7: {  	v5 =	vld [tilespmem:s19+$0x90]  }
0xe8: {  	[tilespmem:s18+$0xFFFFFF80] =	vst v2  }
0xe9: {  	v2 =	vld [tilespmem:s14+$0x10];
	v1 =	vadd.f32 v4, v1  }
0xea: {  	s17 =	simm.s32 $0xA700;
	v4 =	vld [tilespmem:s19+$0xFFFFFF90]  }
0xeb: {  	v8 =	vld [tilespmem:s17+$0xFFFFFF00];
	v3 =	vadd.f32 v3, v6;
	[tilespmem:s18+$0x0] =	vst v1  }
0xec: {  	v0 =	vadd.f32 v5, v0;
	v1 =	vld [tilespmem:s3+$0x10]  }
0xed: {  	v5 =	vld [tilespmem:s19+$0x10];
	[tilespmem:s18+$0xFFFFFF00] =	vst v3  }
0xee: {  	v6 =	vld [tilespmem:s19+$0xFFFFFF10];
	[tilespmem:s18+$0x90] =	vst v0  }
0xef: {  	v2 =	vadd.f32 v4, v2;
	v0 =	vld [tilespmem:s6+$0x20]  }
0xf0: {  	s20 =	sadd.s32 $0x0, s16;
	v3 =	vld [tilespmem:s19+$0xA0]  }
0xf1: {  	s13 =	sadd.s32 $0x87, s20;
	v4 =	vld [tilespmem:s2+$0x10];
	[tilespmem:s18+$0xFFFFFF90] =	vst v2  }
0xf2: {  	s22 =	sadd.s32 $0x85, s20;
	p1 =	sgt.u32 s13, $0xC7;
	s13 =	simm.s32 $0x180;
	v2 =	vld [tilespmem:s14+$0x20]  }
0xf3: {  	p2 =	sgt.u32 s22, $0xC7;
	s22 =	sadd.s32 $0x200, s4;
	s13 =	simm.s32 @!p1 $0x6580;
	v1 =	vadd.f32 v5, v1;
	v5 =	vld [tilespmem:s19+$0xFFFFFFA0]  }
0xf4: {  	v11 =	vld [tilespmem:s17+$0x0];
	s4 =	sadd.s32 s13, s22  }
0xf5: {  	v7 =	vld [tilespmem:s4+$0x0];
	[tilespmem:s18+$0x10] =	vst v1;
	v0 =	vadd.f32 v3, v0  }
0xf6: {  	v1 =	vld [tilespmem:s3+$0x20]  }
0xf7: {  	v3 =	vadd.f32 v6, v4;
	v4 =	vld [tilespmem:s19+$0x20];
	[tilespmem:s18+$0xA0] =	vst v0  }
0xf8: {  	v2 =	vadd.f32 v5, v2;
	v0 =	vld [tilespmem:s6+$0x30]  }
0xf9: {  	s26 =	sadd.s32 $0x86, s20;
	[tilespmem:s18+$0xFFFFFF10] =	vst v3;
	v3 =	vld [tilespmem:s19+$0xB0]  }
0xfa: {  	s12 =	simm.s32 $0x100;
	p1 =	sgt.u32 s26, $0xC7;
	[tilespmem:s18+$0xFFFFFFA0] =	vst v2;
	v2 =	vld [tilespmem:s17+$0x80]  }
0xfb: {  	s12 =	simm.s32 @!p1 $0x6500;
	v5 =	vld [tilespmem:s2+$0x20];
	s6 =	simm.s32 $0x80  }
0xfc: {  	s12 =	sadd.s32 s12, s22;
	s6 =	simm.s32 @!p2 $0x6480;
	v6 =	vld [tilespmem:s14+$0x30]  }
0xfd: {  	s6 =	sadd.s32 s6, s22;
	v1 =	vadd.f32 v4, v1;
	v4 =	vld [tilespmem:s12+$0x0]  }
0xfe: {  	s9 =	sadd.s32 $0x84, s20;
	v58 =	vld [tilespmem:s6+$0x0]  }
0xff: {  	p1 =	sgt.u32 s9, $0xC7;
	s14 =	sadd.s32 $0x6400, s22;
	[tilespmem:s18+$0x20] =	vst v1;
	v1 =	vld [tilespmem:s17+$0xFFFFFF80];
	v2 =	vadd.f32 v2, v7  }
0x100: {  	s20 =	simm.s32 $0x1A700;
	v12 =	vld [tilespmem:s19+$0xFFFFFF20];
	s14 =	smov.u32 @p1 s22  }
0x101: {  	v10 =	vld [tilespmem:s14+$0x0];
	[tilespmem:s20+$0x80] =	vst v2  }
0x102: {  	v2 =	vld [tilespmem:s4+$0x10]  }
0x103: {  	v4 =	vadd.f32 v11, v4;
	v59 =	vld [tilespmem:s17+$0x90]  }
0x104: {  	v60 =	vld [tilespmem:s19+$0xFFFFFFB0];
	v1 =	vadd.f32 v1, v58  }
0x105: {  	v13 =	vld [tilespmem:s19+$0x30];
	[tilespmem:s20+$0x0] =	vst v4  }
0x106: {  	v61 =	vld [tilespmem:s12+$0x10];
	[tilespmem:s20+$0xFFFFFF80] =	vst v1  }
0x107: {  	v8 =	vadd.f32 v8, v10;
	v1 =	vld [tilespmem:s6+$0x10]  }
0x108: {  	v4 =	vld [tilespmem:s17+$0xFFFFFF90];
	v2 =	vadd.f32 v59, v2  }
0x109: {  	v62 =	vld [tilespmem:s17+$0x10];
	[tilespmem:s20+$0xFFFFFF00] =	vst v8  }
0x10a: {  	v8 =	vld [tilespmem:s14+$0x10];
	[tilespmem:s20+$0x90] =	vst v2  }
0x10b: {  	v2 =	vld [tilespmem:s4+$0x20]  }
0x10c: {  	v5 =	vadd.f32 v12, v5;
	v63 =	vld [tilespmem:s17+$0xA0]  }
0x10d: {  	v1 =	vadd.f32 v4, v1;
	v4 =	vld [tilespmem:s17+$0xFFFFFF10]  }
0x10e: {  	v3 =	vadd.f32 v3, v0;
	v7 =	vld [tilespmem:s3+$0x30];
	[tilespmem:s18+$0xFFFFFF20] =	vst v5  }
0x10f: {  	v0 =	vld [tilespmem:s2+$0x30];
	[tilespmem:s20+$0xFFFFFF90] =	vst v1;
	v1 =	vadd.f32 v62, v61  }
0x110: {  	[tilespmem:s18+$0xB0] =	vst v3;
	v6 =	vadd.f32 v60, v6;
	v3 =	vld [tilespmem:s6+$0x20]  }
0x111: {  	v5 =	vld [tilespmem:s17+$0xFFFFFFA0];
	[tilespmem:s20+$0x10] =	vst v1;
	v1 =	vadd.f32 v63, v2  }
0x112: {  	[tilespmem:s18+$0xFFFFFFB0] =	vst v6;
	v8 =	vadd.f32 v4, v8;
	v2 =	vld [tilespmem:s12+$0x20]  }
0x113: {  	v4 =	vld [tilespmem:s17+$0x20];
	[tilespmem:s20+$0xA0] =	vst v1  }
0x114: {  	s13 =	simm.s32 $0xA700;
	s2 =	simm.s32 $0x4;
	v6 =	vadd.f32 v13, v7;
	[tilespmem:s20+$0xFFFFFF10] =	vst v8;
	v1 =	vld [tilespmem:s4+$0x30]  }
.LBB2_5:
0x115: {  	s3 =	sadd.s32 s2, s16  }
0x116: {  	v7 =	vld [tilespmem:s17+$0xB0];
	[tilespmem:s18+$0x30] =	vst v6;
	s22 =	sadd.s32 $0x200, s22;
	s2 =	sadd.s32 $0x4, s2;
	s4 =	sadd.s32 $0x85, s3  }
0x117: {  	s9 =	sadd.s32 $0x86, s3;
	s26 =	sadd.s32 $0x87, s3;
	v6 =	vld [tilespmem:s14+$0x20];
	v3 =	vadd.f32 v5, v3;
	p2 =	sgt.u32 s4, $0xC7  }
0x118: {  	p1 =	sgt.u32 s26, $0xC7;
	v5 =	vld [tilespmem:s17+$0xFFFFFF20];
	s4 =	simm.s32 $0x180;
	s17 =	sadd.s32 $0x200, s17  }
0x119: {  	p3 =	sgt.u32 s9, $0xC7;
	s9 =	simm.s32 $0x80;
	s4 =	simm.s32 @!p1 $0x6580;
	[tilespmem:s20+$0xFFFFFFA0] =	vst v3;
	v2 =	vadd.f32 v4, v2;
	v3 =	vld [tilespmem:s19+$0xFFFFFF30]  }
0x11a: {  	p1 =	slt.u32 s2, $0x7C;
	s19 =	simm.s32 $0x100;
	s4 =	sadd.s32 s4, s22;
	v4 =	vld [tilespmem:s17+$0x80]  }
0x11b: {  	s3 =	sadd.s32 $0x84, s3;
	s9 =	simm.s32 @!p2 $0x6480;
	s19 =	simm.s32 @!p3 $0x6500;
	v8 =	vld [tilespmem:s4+$0x0];
	[tilespmem:s20+$0x20] =	vst v2;
	v1 =	vadd.f32 v7, v1  }
0x11c: {  	p2 =	sgt.u32 s3, $0xC7;
	s3 =	sadd.s32 $0x6400, s22;
	s9 =	sadd.s32 s9, s22;
	v2 =	vld [tilespmem:s17+$0xFFFFFF00]  }
0x11d: {  	s3 =	smov.u32 @p2 s22;
	s26 =	sadd.s32 s19, s22;
	s19 =	smov.u32 s13;
	v7 =	vld [tilespmem:s9+$0x0];
	v5 =	vadd.f32 v5, v6;
	[tilespmem:s20+$0xB0] =	vst v1  }
0x11e: {  	s13 =	smov.u32 s17;
	v1 =	vld [tilespmem:s26+$0x0];
	v0 =	vadd.f32 v3, v0  }
0x11f: {  	v3 =	vld [tilespmem:s3+$0x0];
	[tilespmem:s20+$0xFFFFFF20] =	vst v5  }
0x120: {  	v5 =	vld [tilespmem:s17+$0xFFFFFF80];
	v4 =	vadd.f32 v4, v8;
	[tilespmem:s18+$0xFFFFFF30] =	vst v0;
	s18 =	smov.u32 s20  }
0x121: {  	s20 =	sadd.s32 $0x200, s20;
	v0 =	vld [tilespmem:s17+$0x0]  }
0x122: {  	[tilespmem:s20+$0x80] =	vst v4;
	v4 =	vld [tilespmem:s6+$0x30];
	s6 =	smov.u32 s9  }
0x123: {  	v6 =	vld [tilespmem:s4+$0x10]  }
0x124: {  	v2 =	vadd.f32 v2, v3;
	v3 =	vld [tilespmem:s17+$0x90]  }
0x125: {  	v5 =	vadd.f32 v5, v7;
	v7 =	vld [tilespmem:s19+$0xFFFFFFB0]  }
0x126: {  	[tilespmem:s20+$0xFFFFFF00] =	vst v2;
	v0 =	vadd.f32 v0, v1;
	v1 =	vld [tilespmem:s12+$0x30];
	s12 =	smov.u32 s26  }
0x127: {  	v2 =	vld [tilespmem:s3+$0x10];
	[tilespmem:s20+$0xFFFFFF80] =	vst v5  }
0x128: {  	v5 =	vld [tilespmem:s6+$0x10];
	[tilespmem:s20+$0x0] =	vst v0  }
0x129: {  	v0 =	vld [tilespmem:s17+$0xFFFFFF90];
	v3 =	vadd.f32 v3, v6  }
0x12a: {  	v6 =	vld [tilespmem:s12+$0x10];
	v4 =	vadd.f32 v7, v4  }
0x12b: {  	v7 =	vld [tilespmem:s17+$0x10];
	[tilespmem:s20+$0x90] =	vst v3  }
0x12c: {  	v8 =	vld [tilespmem:s4+$0x20];
	[tilespmem:s18+$0xFFFFFFB0] =	vst v4  }
0x12d: {  	v4 =	vld [tilespmem:s17+$0xA0]  }
0x12e: {  	v9 =	vld [tilespmem:s17+$0xFFFFFF10];
	v0 =	vadd.f32 v0, v5  }
0x12f: {  	v10 =	vld [tilespmem:s19+$0x30]  }
0x130: {  	[tilespmem:s20+$0xFFFFFF90] =	vst v0;
	v6 =	vadd.f32 v7, v6;
	v0 =	vld [tilespmem:s14+$0x30];
	s14 =	smov.u32 s3  }
.Ltmp1:
0x131: {  	v3 =	vld [tilespmem:s6+$0x20];
	(pc) =	sbr.rel @p1 .LBB2_5-.Ltmp1, $4  }
0x132: {  	v5 =	vld [tilespmem:s17+$0xFFFFFFA0];
	[tilespmem:s20+$0x10] =	vst v6;
	v6 =	vadd.f32 v4, v8  }
0x133: {  	v7 =	vadd.f32 v9, v2;
	v2 =	vld [tilespmem:s12+$0x20]  }
0x134: {  	v4 =	vld [tilespmem:s17+$0x20];
	[tilespmem:s20+$0xA0] =	vst v6;
	v6 =	vadd.f32 v10, v1  }
0x135: {  	[tilespmem:s20+$0xFFFFFF10] =	vst v7;
	v1 =	vld [tilespmem:s4+$0x30]  }
0x136: {  	v7 =	vld [tilespmem:s14+$0x20]  }
0x137: {  	v8 =	vld [tilespmem:s17+$0xFFFFFF20]  }
0x138: {  	v3 =	vadd.f32 v5, v3  }
0x139: {  	v5 =	vld [tilespmem:s17+$0xB0]  }
0x13a: {  	[tilespmem:s20+$0xFFFFFFA0] =	vst v3;
	v2 =	vadd.f32 v4, v2;
	v3 =	vld [tilespmem:s19+$0xFFFFFF30]  }
0x13b: {  	v4 =	vld [tilespmem:s6+$0x30]  }
0x13c: {  	[tilespmem:s20+$0x20] =	vst v2;
	v2 =	vadd.f32 v8, v7;
	v7 =	vld [tilespmem:s13+$0xFFFFFFB0]  }
0x13d: {  	v8 =	vld [tilespmem:s12+$0x30]  }
0x13e: {  	[tilespmem:s20+$0xFFFFFF20] =	vst v2;
	v2 =	vld [tilespmem:s13+$0x30]  }
0x13f: {  	v9 =	vld [tilespmem:s14+$0x30]  }
0x140: {  	v10 =	vld [tilespmem:s13+$0xFFFFFF30]  }
0x141: {  	v1 =	vadd.f32 v5, v1  }
0x142: {  	[tilespmem:s18+$0x30] =	vst v6;
	v0 =	vadd.f32 v3, v0  }
0x143: {  	[tilespmem:s20+$0xB0] =	vst v1;
	v1 =	vadd.f32 v7, v4  }
0x144: {  	[tilespmem:s18+$0xFFFFFF30] =	vst v0;
	v0 =	vadd.f32 v2, v8  }
0x145: {  	[tilespmem:s20+$0xFFFFFFB0] =	vst v1;
	v1 =	vadd.f32 v10, v9  }
0x146: {  	[tilespmem:s20+$0x30] =	vst v0  }
0x147: {  	[tilespmem:s20+$0xFFFFFF30] =	vst v1  }
0x148: {  	s2 =	sshll.u32 s10, $0x4;
	s3 =	rddreg [dreg:$0x6]  }
0x149: {  	s16 =	simm.s32 $0x6;
	s14 =	simm.s32 $0x1A400;
	s2 =	sadd.s32 s3, s2  }
0x14a: {  	[hbm4b:s2+s5] =	stream.linear.scatter [tilespmem:s14], [sflag:$0x6], $0x4000, $0x38;
	[tilespmem:$0x1E800] =	vst v63  }
0x14b: {  	_ =	swait.ge [sflag:s16], $0x4000  }
0x14c: {  	s10 =	sadd.s32 $0x100, s25;
	[sflag:s16] =	ssyncset.done $0x0  }
0x14d: {  	s17 =	simm.s32 $0xE;
	s20 =	smulhi.u32 $0x51EB851F, s10;
	[sflag:s16] =	ssyncadd.s32 $0xFFFFC000  }
0x14e: {  	s4 =	simm.s32 $0x3;
	_ =	swait.ge [sflag:s17], $0x80  }
0x14f: {  	s19 =	simm.s32 $0x1E680;
	s3 =	sshrl.u32 s20, $0x6;
	[sflag:s17] =	ssyncset.done $0x0  }
0x150: {  	s18 =	simm.s32 $0xA400;
	s9 =	smul.u32 $0xC8, s3;
	[sflag:s17] =	ssyncadd.s32 $0xFFFFFF80  }
0x151: {  	[tilespmem:s18], [sflag:$0x2] =	stream.indirect.gather [hbm4b:s8+s24], $0x80, s19, s24, $0xb8;
	[tilespmem:$0x1E800] =	vst v63  }
0x152: {  	s6 =	simm.s32 @!p0 $0x1E500;
	s16 =	ssub.s32 s0, s9;
	_ =	swait.ge [sflag:s4], $0x4000  }
0x153: {  	s22 =	smul.u32 $0x6400, s3;
	s26 =	sadd.s32 $0xFFFFFFFC, s16;
	s2 =	rddreg [dreg:$0x10]  }
0x154: {  	s13 =	sadd.s32 $0x106, s26;
	s14 =	sadd.s32 $0x104, s26;
	s2 =	sadd.s32 @!p0 s11, s2  }
0x155: {  	[sflag:s4] =	ssyncset.done $0x0;
	s12 =	rddreg [dreg:$0x1a];
	s2 =	sshrl.u32 @!p0 s2, $0x3  }
0x156: {  	[sflag:s4] =	ssyncadd.s32 $0xFFFFC000;
	s4 =	simm.s32 @!p0 $0x0;
	s2 =	sadd.s32 @!p0 s29, s2  }
0x157: {  	[tilespmem:s6], [sflag:$0xB] =	stream.linear.gather @!p0 [hbm4b:s2+s4], $0x80, $0x38;
	[tilespmem:$0x1E800] =	vst v63  }
0x158: {  	p1 =	sgt.u32 s13, $0xC7;
	s4 =	sadd.s32 s15, s12;
	s2 =	simm.s32 $0xFFFFFF80  }
0x159: {  	s19 =	simm.s32 $0xE500;
	s4 =	ssub.s32 s4, s22;
	s2 =	simm.s32 @!p1 $0x6380  }
0x15a: {  	p1 =	sgt.u32 s14, $0xC7;
	v0 =	vld [tilespmem:s19+$0x0];
	s17 =	sadd.s32 s2, s4;
	s2 =	simm.s32 $0xFFFFFE80  }
0x15b: {  	s2 =	simm.s32 @!p1 $0x6280;
	v1 =	vld [tilespmem:s17+$0x0]  }
0x15c: {  	s18 =	sadd.s32 $0x105, s26;
	v2 =	vld [tilespmem:s19+$0xFFFFFF00];
	s20 =	sadd.s32 s2, s4  }
0x15d: {  	s9 =	simm.s32 $0xFFFFFF00;
	p1 =	sgt.u32 s18, $0xC7;
	v3 =	vld [tilespmem:s20+$0x0]  }
0x15e: {  	s9 =	simm.s32 @!p1 $0x6300  }
0x15f: {  	s13 =	sadd.s32 $0x107, s26;
	v5 =	vld [tilespmem:s19+$0xFFFFFF80];
	s3 =	sadd.s32 s9, s4  }
0x160: {  	p1 =	sgt.u32 s13, $0xC7;
	s2 =	sadd.s32 $0x6400, s4;
	v4 =	vld [tilespmem:s3+$0x0];
	v0 =	vadd.f32 v0, v1  }
0x161: {  	v6 =	vld [tilespmem:s19+$0x80];
	s18 =	simm.s32 $0x16500;
	s2 =	smov.u32 @p1 s4  }
0x162: {  	v1 =	vld [tilespmem:s2+$0x0];
	v2 =	vadd.f32 v2, v3;
	[tilespmem:s18+$0x0] =	vst v0  }
0x163: {  	v0 =	vld [tilespmem:s17+$0x10]  }
0x164: {  	[tilespmem:s18+$0xFFFFFF00] =	vst v2;
	v2 =	vld [tilespmem:s19+$0x10]  }
0x165: {  	v4 =	vadd.f32 v5, v4;
	v3 =	vld [tilespmem:s20+$0x10]  }
0x166: {  	v5 =	vld [tilespmem:s19+$0xFFFFFF10]  }
0x167: {  	v1 =	vadd.f32 v6, v1;
	[tilespmem:s18+$0xFFFFFF80] =	vst v4  }
0x168: {  	v4 =	vld [tilespmem:s3+$0x10]  }
0x169: {  	[tilespmem:s18+$0x80] =	vst v1;
	v1 =	vld [tilespmem:s19+$0xFFFFFF90];
	v0 =	vadd.f32 v2, v0  }
0x16a: {  	v2 =	vld [tilespmem:s2+$0x10]  }
0x16b: {  	v3 =	vadd.f32 v5, v3;
	[tilespmem:s18+$0x10] =	vst v0;
	v0 =	vld [tilespmem:s19+$0x90]  }
0x16c: {  	v5 =	vld [tilespmem:s17+$0x20]  }
0x16d: {  	[tilespmem:s18+$0xFFFFFF10] =	vst v3;
	v3 =	vld [tilespmem:s19+$0x20]  }
0x16e: {  	v1 =	vadd.f32 v1, v4;
	v6 =	vld [tilespmem:s20+$0x20]  }
0x16f: {  	v4 =	vld [tilespmem:s19+$0xFFFFFF20]  }
0x170: {  	[tilespmem:s18+$0xFFFFFF90] =	vst v1;
	v0 =	vadd.f32 v0, v2  }
0x171: {  	v1 =	vld [tilespmem:s3+$0x20]  }
0x172: {  	v2 =	vld [tilespmem:s19+$0xFFFFFFA0];
	v3 =	vadd.f32 v3, v5;
	[tilespmem:s18+$0x90] =	vst v0  }
0x173: {  	v0 =	vld [tilespmem:s2+$0x20]  }
0x174: {  	v4 =	vadd.f32 v4, v6;
	[tilespmem:s18+$0x20] =	vst v3;
	v3 =	vld [tilespmem:s19+$0xA0]  }
0x175: {  	s6 =	sadd.s32 $0x0, s16;
	v5 =	vld [tilespmem:s17+$0x30]  }
0x176: {  	s22 =	sadd.s32 $0x106, s6;
	[tilespmem:s18+$0xFFFFFF20] =	vst v4;
	v4 =	vld [tilespmem:s19+$0x30]  }
0x177: {  	s12 =	simm.s32 $0xFFFFFF80;
	s14 =	sadd.s32 $0x104, s6;
	p1 =	sgt.u32 s22, $0xC7;
	v6 =	vld [tilespmem:s20+$0x30]  }
0x178: {  	s12 =	simm.s32 @!p1 $0x6380;
	s17 =	simm.s32 $0xE700;
	v7 =	vld [tilespmem:s19+$0xFFFFFF30];
	s20 =	sadd.s32 $0x200, s4  }
0x179: {  	s9 =	simm.s32 $0xFFFFFE80;
	p1 =	sgt.u32 s14, $0xC7;
	v8 =	vld [tilespmem:s17+$0x0];
	s4 =	sadd.s32 s12, s20  }
0x17a: {  	s9 =	simm.s32 @!p1 $0x6280;
	v53 =	vld [tilespmem:s4+$0x0]  }
0x17b: {  	s26 =	sadd.s32 $0x105, s6;
	v54 =	vld [tilespmem:s17+$0xFFFFFF00];
	s13 =	sadd.s32 s9, s20  }
0x17c: {  	p2 =	sgt.u32 s26, $0xC7;
	v1 =	vadd.f32 v2, v1;
	s12 =	simm.s32 $0xFFFFFF00;
	v11 =	vld [tilespmem:s13+$0x0]  }
0x17d: {  	s6 =	sadd.s32 $0x107, s6;
	v13 =	vld [tilespmem:s17+$0x80];
	s12 =	simm.s32 @!p2 $0x6300  }
0x17e: {  	p1 =	sgt.u32 s6, $0xC7;
	s6 =	sadd.s32 $0x6400, s20;
	[tilespmem:s18+$0xFFFFFFA0] =	vst v1;
	v1 =	vld [tilespmem:s17+$0xFFFFFF80];
	s12 =	sadd.s32 s12, s20  }
0x17f: {  	s6 =	smov.u32 @p1 s20;
	v2 =	vld [tilespmem:s12+$0x0];
	v8 =	vadd.f32 v8, v53  }
0x180: {  	s14 =	simm.s32 $0x16700;
	v12 =	vld [tilespmem:s6+$0x0]  }
0x181: {  	v55 =	vld [tilespmem:s3+$0x30];
	v10 =	vadd.f32 v54, v11;
	[tilespmem:s14+$0x0] =	vst v8  }
0x182: {  	v8 =	vld [tilespmem:s4+$0x10]  }
0x183: {  	v0 =	vadd.f32 v3, v0;
	[tilespmem:s14+$0xFFFFFF00] =	vst v10;
	v56 =	vld [tilespmem:s17+$0x10]  }
0x184: {  	v1 =	vadd.f32 v1, v2;
	v57 =	vld [tilespmem:s13+$0x10]  }
0x185: {  	[tilespmem:s18+$0xA0] =	vst v0;
	v2 =	vld [tilespmem:s17+$0xFFFFFF10]  }
0x186: {  	v0 =	vld [tilespmem:s2+$0x30];
	v12 =	vadd.f32 v13, v12;
	[tilespmem:s14+$0xFFFFFF80] =	vst v1  }
0x187: {  	v58 =	vld [tilespmem:s12+$0x10]  }
0x188: {  	[tilespmem:s14+$0x80] =	vst v12;
	v59 =	vld [tilespmem:s17+$0xFFFFFF90];
	v8 =	vadd.f32 v56, v8  }
0x189: {  	v60 =	vld [tilespmem:s6+$0x10]  }
0x18a: {  	v2 =	vadd.f32 v2, v57;
	[tilespmem:s14+$0x10] =	vst v8;
	v8 =	vld [tilespmem:s17+$0x90]  }
0x18b: {  	v61 =	vld [tilespmem:s4+$0x20]  }
0x18c: {  	[tilespmem:s14+$0xFFFFFF10] =	vst v2;
	v2 =	vld [tilespmem:s17+$0x20]  }
0x18d: {  	v1 =	vld [tilespmem:s19+$0xFFFFFFB0];
	v3 =	vadd.f32 v59, v58  }
0x18e: {  	v4 =	vadd.f32 v4, v5;
	v62 =	vld [tilespmem:s13+$0x20]  }
0x18f: {  	v63 =	vld [tilespmem:s17+$0xFFFFFF20];
	[tilespmem:s14+$0xFFFFFF90] =	vst v3;
	v5 =	vadd.f32 v8, v60  }
0x190: {  	v6 =	vadd.f32 v7, v6;
	[tilespmem:s18+$0x30] =	vst v4;
	v3 =	vld [tilespmem:s12+$0x20]  }
0x191: {  	v4 =	vadd.f32 v2, v61;
	[tilespmem:s14+$0x90] =	vst v5;
	v5 =	vld [tilespmem:s17+$0xFFFFFFA0]  }
0x192: {  	[tilespmem:s18+$0xFFFFFF30] =	vst v6;
	v1 =	vadd.f32 v1, v55;
	v2 =	vld [tilespmem:s6+$0x20]  }
0x193: {  	[tilespmem:s14+$0x20] =	vst v4;
	v4 =	vld [tilespmem:s17+$0xA0]  }
0x194: {  	s22 =	simm.s32 $0xE700;
	s2 =	simm.s32 $0x4;
	[tilespmem:s18+$0xFFFFFFB0] =	vst v1;
	v6 =	vadd.f32 v63, v62;
	v1 =	vld [tilespmem:s4+$0x30]  }
.LBB2_7:
0x195: {  	s3 =	sadd.s32 s2, s16  }
0x196: {  	[tilespmem:s14+$0xFFFFFF20] =	vst v6;
	v6 =	vld [tilespmem:s17+$0x30];
	s20 =	sadd.s32 $0x200, s20;
	s2 =	sadd.s32 $0x4, s2;
	s4 =	sadd.s32 $0x104, s3  }
0x197: {  	s9 =	sadd.s32 $0x105, s3;
	s26 =	sadd.s32 $0x106, s3;
	v7 =	vld [tilespmem:s13+$0x30];
	v3 =	vadd.f32 v5, v3;
	p2 =	sgt.u32 s4, $0xC7  }
0x198: {  	p1 =	sgt.u32 s26, $0xC7;
	v5 =	vld [tilespmem:s17+$0xFFFFFF30];
	s4 =	simm.s32 $0xFFFFFF80;
	s17 =	sadd.s32 $0x200, s17  }
0x199: {  	p3 =	sgt.u32 s9, $0xC7;
	s9 =	simm.s32 $0xFFFFFE80;
	s4 =	simm.s32 @!p1 $0x6380;
	[tilespmem:s14+$0xFFFFFFA0] =	vst v3;
	v2 =	vadd.f32 v4, v2;
	v3 =	vld [tilespmem:s19+$0xB0]  }
0x19a: {  	p1 =	slt.u32 s2, $0x7C;
	s19 =	simm.s32 $0xFFFFFF00;
	s4 =	sadd.s32 s4, s20;
	v4 =	vld [tilespmem:s17+$0x0]  }
0x19b: {  	s3 =	sadd.s32 $0x107, s3;
	s9 =	simm.s32 @!p2 $0x6280;
	s19 =	simm.s32 @!p3 $0x6300;
	v8 =	vld [tilespmem:s4+$0x0];
	v1 =	vadd.f32 v6, v1;
	[tilespmem:s14+$0xA0] =	vst v2  }
0x19c: {  	p2 =	sgt.u32 s3, $0xC7;
	s3 =	sadd.s32 $0x6400, s20;
	s13 =	sadd.s32 s9, s20;
	v2 =	vld [tilespmem:s17+$0xFFFFFF00]  }
0x19d: {  	s3 =	smov.u32 @p2 s20;
	s9 =	sadd.s32 s19, s20;
	s19 =	smov.u32 s22;
	v6 =	vld [tilespmem:s13+$0x0];
	v5 =	vadd.f32 v5, v7;
	[tilespmem:s14+$0x30] =	vst v1  }
0x19e: {  	s22 =	smov.u32 s17;
	v1 =	vld [tilespmem:s9+$0x0];
	v0 =	vadd.f32 v3, v0  }
0x19f: {  	v3 =	vld [tilespmem:s3+$0x0];
	[tilespmem:s14+$0xFFFFFF30] =	vst v5  }
0x1a0: {  	v5 =	vld [tilespmem:s17+$0xFFFFFF80];
	v4 =	vadd.f32 v4, v8;
	[tilespmem:s18+$0xB0] =	vst v0;
	s18 =	smov.u32 s14  }
0x1a1: {  	s14 =	sadd.s32 $0x200, s14;
	v0 =	vld [tilespmem:s17+$0x80]  }
0x1a2: {  	v2 =	vadd.f32 v2, v6;
	[tilespmem:s14+$0x0] =	vst v4;
	v4 =	vld [tilespmem:s12+$0x30];
	s12 =	smov.u32 s9  }
0x1a3: {  	v6 =	vld [tilespmem:s4+$0x10]  }
0x1a4: {  	[tilespmem:s14+$0xFFFFFF00] =	vst v2;
	v2 =	vld [tilespmem:s17+$0x10]  }
0x1a5: {  	v7 =	vld [tilespmem:s13+$0x10];
	v1 =	vadd.f32 v5, v1  }
0x1a6: {  	v5 =	vld [tilespmem:s17+$0xFFFFFF10];
	v0 =	vadd.f32 v0, v3  }
0x1a7: {  	[tilespmem:s14+$0xFFFFFF80] =	vst v1;
	v1 =	vld [tilespmem:s19+$0xFFFFFFB0]  }
0x1a8: {  	v3 =	vld [tilespmem:s12+$0x10];
	[tilespmem:s14+$0x80] =	vst v0  }
0x1a9: {  	v0 =	vld [tilespmem:s17+$0xFFFFFF90];
	v2 =	vadd.f32 v2, v6  }
0x1aa: {  	v6 =	vld [tilespmem:s3+$0x10]  }
0x1ab: {  	v5 =	vadd.f32 v5, v7;
	[tilespmem:s14+$0x10] =	vst v2;
	v2 =	vld [tilespmem:s17+$0x90]  }
0x1ac: {  	v7 =	vld [tilespmem:s4+$0x20];
	v1 =	vadd.f32 v1, v4  }
0x1ad: {  	[tilespmem:s14+$0xFFFFFF10] =	vst v5;
	v4 =	vld [tilespmem:s17+$0x20]  }
0x1ae: {  	v8 =	vld [tilespmem:s13+$0x20];
	v0 =	vadd.f32 v0, v3;
	[tilespmem:s18+$0xFFFFFFB0] =	vst v1  }
0x1af: {  	v1 =	vld [tilespmem:s17+$0xFFFFFF20]  }
0x1b0: {  	[tilespmem:s14+$0xFFFFFF90] =	vst v0;
	v2 =	vadd.f32 v2, v6;
	v0 =	vld [tilespmem:s6+$0x30];
	s6 =	smov.u32 s3  }
.Ltmp2:
0x1b1: {  	v3 =	vld [tilespmem:s12+$0x20];
	(pc) =	sbr.rel @p1 .LBB2_7-.Ltmp2, $4  }
0x1b2: {  	v5 =	vld [tilespmem:s17+$0xFFFFFFA0];
	v4 =	vadd.f32 v4, v7;
	[tilespmem:s14+$0x90] =	vst v2  }
0x1b3: {  	v2 =	vld [tilespmem:s6+$0x20]  }
0x1b4: {  	v6 =	vadd.f32 v1, v8;
	[tilespmem:s14+$0x20] =	vst v4;
	v4 =	vld [tilespmem:s17+$0xA0]  }
0x1b5: {  	v1 =	vld [tilespmem:s4+$0x30]  }
0x1b6: {  	[tilespmem:s14+$0xFFFFFF20] =	vst v6;
	v6 =	vld [tilespmem:s17+$0x30]  }
0x1b7: {  	v7 =	vld [tilespmem:s13+$0x30];
	v3 =	vadd.f32 v5, v3  }
0x1b8: {  	v5 =	vld [tilespmem:s17+$0xFFFFFF30]  }
0x1b9: {  	[tilespmem:s14+$0xFFFFFFA0] =	vst v3;
	v2 =	vadd.f32 v4, v2;
	v3 =	vld [tilespmem:s19+$0xB0]  }
0x1ba: {  	v4 =	vld [tilespmem:s12+$0x30]  }
0x1bb: {  	[tilespmem:s14+$0xA0] =	vst v2;
	v2 =	vld [tilespmem:s22+$0xFFFFFFB0]  }
0x1bc: {  	v8 =	vld [tilespmem:s6+$0x30]  }
0x1bd: {  	v9 =	vld [tilespmem:s22+$0xB0]  }
0x1be: {  	v1 =	vadd.f32 v6, v1  }
0x1bf: {  	v5 =	vadd.f32 v5, v7  }
0x1c0: {  	[tilespmem:s14+$0x30] =	vst v1;
	v0 =	vadd.f32 v3, v0  }
0x1c1: {  	[tilespmem:s14+$0xFFFFFF30] =	vst v5;
	v1 =	vadd.f32 v2, v4  }
0x1c2: {  	[tilespmem:s18+$0xB0] =	vst v0;
	v0 =	vadd.f32 v9, v8  }
0x1c3: {  	[tilespmem:s14+$0xFFFFFFB0] =	vst v1  }
0x1c4: {  	[tilespmem:s14+$0xB0] =	vst v0  }
0x1c5: {  	s2 =	sshll.u32 s10, $0x4;
	s3 =	rddreg [dreg:$0x6]  }
0x1c6: {  	s17 =	simm.s32 $0x16400;
	s18 =	simm.s32 $0x7;
	s2 =	sadd.s32 s3, s2  }
0x1c7: {  	[hbm4b:s2+s5] =	stream.linear.scatter [tilespmem:s17], [sflag:$0x7], $0x4000, $0x38;
	[tilespmem:$0x1E800] =	vst v63  }
0x1c8: {  	_ =	swait.ge [sflag:s18], $0x4000  }
0x1c9: {  	[sflag:s18] =	ssyncset.done $0x0  }
0x1ca: {  	s19 =	simm.s32 $0xF;
	[sflag:s18] =	ssyncadd.s32 $0xFFFFC000  }
0x1cb: {  	_ =	swait.ge [sflag:s19], $0x80  }
0x1cc: {  	s20 =	simm.s32 $0xE400;
	[sflag:s19] =	ssyncset.done $0x0  }
0x1cd: {  	s16 =	sadd.s32 $0x180, s25;
	s22 =	simm.s32 $0x1E700;
	[sflag:s19] =	ssyncadd.s32 $0xFFFFFF80  }
0x1ce: {  	[tilespmem:s20], [sflag:$0x3] =	stream.indirect.gather [hbm4b:s8+s24], $0x80, s22, s24, $0xb8;
	[tilespmem:$0x1E800] =	vst v63  }
0x1cf: {  	s4 =	simm.s32 $0x4;
	s24 =	smulhi.u32 $0x51EB851F, s16  }
0x1d0: {  	_ =	swait.ge [sflag:s4], $0x4000  }
0x1d1: {  	s2 =	rddreg [dreg:$0x11];
	s3 =	sshrl.u32 s24, $0x6  }
0x1d2: {  	[sflag:s4] =	ssyncset.done $0x0;
	s2 =	sadd.s32 @!p0 s11, s2;
	s9 =	smul.u32 $0xC8, s3  }
0x1d3: {  	s6 =	simm.s32 @!p0 $0x1E580;
	[sflag:s4] =	ssyncadd.s32 $0xFFFFC000;
	s2 =	sshrl.u32 @!p0 s2, $0x3  }
0x1d4: {  	s4 =	simm.s32 @!p0 $0x0;
	s2 =	sadd.s32 @!p0 s29, s2;
	s18 =	ssub.s32 s0, s9  }
0x1d5: {  	[tilespmem:s6], [sflag:$0xC] =	stream.linear.gather @!p0 [hbm4b:s2+s4], $0x80, $0x38;
	[tilespmem:$0x1E800] =	vst v63  }
0x1d6: {  	s5 =	smov.u32 s29;
	s22 =	simm.s32 $0x12500;
	s29 =	sadd.s32 $0xFFFFFFFC, s18  }
0x1d7: {  	s26 =	smul.u32 $0x6400, s3;
	s9 =	rddreg [dreg:$0x1b];
	s10 =	sadd.s32 $0x186, s29  }
0x1d8: {  	s4 =	sadd.s32 s15, s9;
	s2 =	simm.s32 $0xFFFFFF80;
	p1 =	sgt.u32 s10, $0xC7  }
0x1d9: {  	s4 =	ssub.s32 s4, s26;
	s12 =	sadd.s32 $0x184, s29;
	s2 =	simm.s32 @!p1 $0x6380  }
0x1da: {  	v0 =	vld [tilespmem:s22+$0x0];
	p1 =	sgt.u32 s12, $0xC7;
	s13 =	sadd.s32 s2, s4;
	s2 =	simm.s32 $0xFFFFFE80  }
0x1db: {  	s2 =	simm.s32 @!p1 $0x6280;
	v1 =	vld [tilespmem:s13+$0x0]  }
0x1dc: {  	s14 =	sadd.s32 $0x185, s29;
	v2 =	vld [tilespmem:s22+$0xFFFFFF00];
	s17 =	sadd.s32 s2, s4  }
0x1dd: {  	s9 =	simm.s32 $0xFFFFFF00;
	p1 =	sgt.u32 s14, $0xC7;
	v3 =	vld [tilespmem:s17+$0x0]  }
0x1de: {  	s9 =	simm.s32 @!p1 $0x6300  }
0x1df: {  	s26 =	sadd.s32 $0x187, s29;
	v5 =	vld [tilespmem:s22+$0xFFFFFF80];
	s3 =	sadd.s32 s9, s4  }
0x1e0: {  	p1 =	sgt.u32 s26, $0xC7;
	s2 =	sadd.s32 $0x6400, s4;
	v4 =	vld [tilespmem:s3+$0x0];
	v0 =	vadd.f32 v0, v1  }
0x1e1: {  	s19 =	simm.s32 $0x1A500;
	v6 =	vld [tilespmem:s22+$0x80];
	s2 =	smov.u32 @p1 s4  }
0x1e2: {  	v1 =	vld [tilespmem:s2+$0x0];
	v2 =	vadd.f32 v2, v3;
	[tilespmem:s19+$0x0] =	vst v0  }
0x1e3: {  	v0 =	vld [tilespmem:s13+$0x10]  }
0x1e4: {  	[tilespmem:s19+$0xFFFFFF00] =	vst v2;
	v2 =	vld [tilespmem:s22+$0x10]  }
0x1e5: {  	v4 =	vadd.f32 v5, v4;
	v3 =	vld [tilespmem:s17+$0x10]  }
0x1e6: {  	v5 =	vld [tilespmem:s22+$0xFFFFFF10]  }
0x1e7: {  	v1 =	vadd.f32 v6, v1;
	[tilespmem:s19+$0xFFFFFF80] =	vst v4  }
0x1e8: {  	v4 =	vld [tilespmem:s3+$0x10]  }
0x1e9: {  	[tilespmem:s19+$0x80] =	vst v1;
	v1 =	vld [tilespmem:s22+$0xFFFFFF90];
	v0 =	vadd.f32 v2, v0  }
0x1ea: {  	v2 =	vld [tilespmem:s2+$0x10]  }
0x1eb: {  	s29 =	sadd.s32 $0x0, s18;
	v3 =	vadd.f32 v5, v3;
	[tilespmem:s19+$0x10] =	vst v0;
	v0 =	vld [tilespmem:s22+$0x90]  }
0x1ec: {  	s20 =	sadd.s32 $0x186, s29;
	v5 =	vld [tilespmem:s13+$0x20]  }
0x1ed: {  	s10 =	simm.s32 $0xFFFFFF80;
	p1 =	sgt.u32 s20, $0xC7;
	[tilespmem:s19+$0xFFFFFF10] =	vst v3;
	v3 =	vld [tilespmem:s22+$0x20]  }
0x1ee: {  	s24 =	sadd.s32 $0x185, s29;
	s20 =	sadd.s32 $0x200, s4;
	s10 =	simm.s32 @!p1 $0x6380;
	v6 =	vld [tilespmem:s17+$0x20]  }
0x1ef: {  	p2 =	sgt.u32 s24, $0xC7;
	s26 =	sadd.s32 s10, s20;
	s10 =	simm.s32 $0xFFFFFF00;
	v1 =	vadd.f32 v1, v4;
	v4 =	vld [tilespmem:s22+$0xFFFFFF20]  }
0x1f0: {  	s10 =	simm.s32 @!p2 $0x6300  }
0x1f1: {  	v53 =	vld [tilespmem:s26+$0x0];
	s12 =	sadd.s32 s10, s20  }
0x1f2: {  	v12 =	vld [tilespmem:s12+$0x0];
	[tilespmem:s19+$0xFFFFFF90] =	vst v1;
	v0 =	vadd.f32 v0, v2  }
0x1f3: {  	v1 =	vld [tilespmem:s3+$0x20];
	v3 =	vadd.f32 v3, v5  }
0x1f4: {  	v2 =	vld [tilespmem:s22+$0xFFFFFFA0];
	[tilespmem:s19+$0x90] =	vst v0;
	v4 =	vadd.f32 v4, v6  }
0x1f5: {  	v0 =	vld [tilespmem:s2+$0x20];
	[tilespmem:s19+$0x20] =	vst v3  }
0x1f6: {  	s14 =	sadd.s32 $0x184, s29;
	v3 =	vld [tilespmem:s22+$0xA0];
	[tilespmem:s19+$0xFFFFFF20] =	vst v4  }
0x1f7: {  	s4 =	simm.s32 $0xFFFFFE80;
	p1 =	sgt.u32 s14, $0xC7;
	v6 =	vld [tilespmem:s17+$0x30];
	s17 =	simm.s32 $0x12700  }
0x1f8: {  	s4 =	simm.s32 @!p1 $0x6280;
	v8 =	vld [tilespmem:s17+$0x0]  }
0x1f9: {  	v5 =	vld [tilespmem:s13+$0x30];
	s13 =	sadd.s32 s4, s20  }
0x1fa: {  	v11 =	vld [tilespmem:s13+$0x0]  }
0x1fb: {  	s6 =	sadd.s32 $0x187, s29;
	v10 =	vld [tilespmem:s17+$0xFFFFFF00]  }
0x1fc: {  	p1 =	sgt.u32 s6, $0xC7;
	s6 =	sadd.s32 $0x6400, s20;
	v4 =	vld [tilespmem:s22+$0x30];
	v1 =	vadd.f32 v2, v1  }
0x1fd: {  	s6 =	smov.u32 @p1 s20;
	v13 =	vld [tilespmem:s17+$0xFFFFFF80];
	v8 =	vadd.f32 v8, v53  }
0x1fe: {  	s14 =	simm.s32 $0x1A700;
	v2 =	vld [tilespmem:s6+$0x0];
	[tilespmem:s19+$0xFFFFFFA0] =	vst v1  }
0x1ff: {  	v1 =	vld [tilespmem:s17+$0x80];
	[tilespmem:s14+$0x0] =	vst v8  }
0x200: {  	v54 =	vadd.f32 v10, v11;
	v55 =	vld [tilespmem:s26+$0x10]  }
0x201: {  	v56 =	vld [tilespmem:s17+$0x10]  }
0x202: {  	v7 =	vld [tilespmem:s22+$0xFFFFFF30];
	v12 =	vadd.f32 v13, v12;
	[tilespmem:s14+$0xFFFFFF00] =	vst v54  }
0x203: {  	v57 =	vld [tilespmem:s13+$0x10]  }
0x204: {  	v1 =	vadd.f32 v1, v2;
	[tilespmem:s14+$0xFFFFFF80] =	vst v12;
	v58 =	vld [tilespmem:s17+$0xFFFFFF10]  }
0x205: {  	v12 =	vld [tilespmem:s12+$0x10]  }
0x206: {  	[tilespmem:s14+$0x80] =	vst v1;
	v1 =	vld [tilespmem:s17+$0xFFFFFF90];
	v9 =	vadd.f32 v56, v55  }
0x207: {  	v59 =	vld [tilespmem:s6+$0x10]  }
0x208: {  	v60 =	vld [tilespmem:s17+$0x90];
	[tilespmem:s14+$0x10] =	vst v9  }
0x209: {  	v0 =	vadd.f32 v3, v0;
	v61 =	vld [tilespmem:s26+$0x20]  }
0x20a: {  	v3 =	vadd.f32 v4, v5;
	v62 =	vld [tilespmem:s17+$0x20]  }
0x20b: {  	[tilespmem:s19+$0xA0] =	vst v0;
	v11 =	vadd.f32 v58, v57  }
0x20c: {  	v0 =	vld [tilespmem:s2+$0x30];
	[tilespmem:s19+$0x30] =	vst v3;
	v1 =	vadd.f32 v1, v12  }
0x20d: {  	v4 =	vadd.f32 v7, v6;
	v2 =	vld [tilespmem:s22+$0xFFFFFFB0];
	[tilespmem:s14+$0xFFFFFF10] =	vst v11  }
0x20e: {  	v8 =	vld [tilespmem:s3+$0x30];
	[tilespmem:s14+$0xFFFFFF90] =	vst v1;
	v1 =	vadd.f32 v60, v59  }
0x20f: {  	[tilespmem:s19+$0xFFFFFF30] =	vst v4;
	v63 =	vld [tilespmem:s13+$0x20];
	v6 =	vadd.f32 v62, v61  }
0x210: {  	v14 =	vld [tilespmem:s17+$0xFFFFFF20];
	[tilespmem:s14+$0x90] =	vst v1  }
0x211: {  	v3 =	vld [tilespmem:s12+$0x20];
	[tilespmem:s14+$0x20] =	vst v6  }
0x212: {  	v5 =	vld [tilespmem:s17+$0xFFFFFFA0];
	s29 =	sld [smem:$0x7FA]  }
0x213: {  	v1 =	vadd.f32 v2, v8;
	v2 =	vld [tilespmem:s6+$0x20]  }
0x214: {  	v4 =	vld [tilespmem:s17+$0xA0]  }
0x215: {  	s4 =	simm.s32 $0x4;
	s2 =	simm.s32 $0x12700;
	v6 =	vadd.f32 v14, v63;
	[tilespmem:s19+$0xFFFFFFB0] =	vst v1;
	v1 =	vld [tilespmem:s26+$0x30];
	s10 =	sor.u32 $0x6, s29  }
.LBB2_9:
0x216: {  	s9 =	sadd.s32 s4, s18  }
0x217: {  	[tilespmem:s14+$0xFFFFFF20] =	vst v6;
	v6 =	vld [tilespmem:s17+$0x30];
	s20 =	sadd.s32 $0x200, s20;
	s4 =	sadd.s32 $0x4, s4;
	s3 =	sadd.s32 $0x184, s9  }
0x218: {  	s26 =	sadd.s32 $0x185, s9;
	s29 =	sadd.s32 $0x186, s9;
	v7 =	vld [tilespmem:s13+$0x30];
	v3 =	vadd.f32 v5, v3;
	s13 =	simm.s32 $0xFFFFFE80  }
0x219: {  	p2 =	sgt.u32 s3, $0xC7;
	p1 =	sgt.u32 s29, $0xC7;
	v5 =	vld [tilespmem:s17+$0xFFFFFF30];
	s3 =	simm.s32 $0xFFFFFF80  }
0x21a: {  	s17 =	sadd.s32 $0x200, s17;
	p3 =	sgt.u32 s26, $0xC7;
	s3 =	simm.s32 @!p1 $0x6380;
	[tilespmem:s14+$0xFFFFFFA0] =	vst v3;
	v2 =	vadd.f32 v4, v2;
	v3 =	vld [tilespmem:s22+$0xB0]  }
0x21b: {  	p1 =	slt.u32 s4, $0x7C;
	s22 =	simm.s32 $0xFFFFFF00;
	s3 =	sadd.s32 s3, s20;
	v4 =	vld [tilespmem:s17+$0x0]  }
0x21c: {  	s9 =	sadd.s32 $0x187, s9;
	s13 =	simm.s32 @!p2 $0x6280;
	s22 =	simm.s32 @!p3 $0x6300;
	v8 =	vld [tilespmem:s3+$0x0];
	v1 =	vadd.f32 v6, v1;
	[tilespmem:s14+$0xA0] =	vst v2  }
0x21d: {  	p2 =	sgt.u32 s9, $0xC7;
	s9 =	sadd.s32 $0x6400, s20;
	s13 =	sadd.s32 s13, s20;
	v2 =	vld [tilespmem:s17+$0xFFFFFF00]  }
0x21e: {  	s9 =	smov.u32 @p2 s20;
	s26 =	sadd.s32 s22, s20;
	s22 =	smov.u32 s2;
	v6 =	vld [tilespmem:s13+$0x0];
	v5 =	vadd.f32 v5, v7;
	[tilespmem:s14+$0x30] =	vst v1  }
0x21f: {  	s2 =	smov.u32 s17;
	v1 =	vld [tilespmem:s26+$0x0];
	v0 =	vadd.f32 v3, v0  }
0x220: {  	v3 =	vld [tilespmem:s9+$0x0];
	[tilespmem:s14+$0xFFFFFF30] =	vst v5  }
0x221: {  	v5 =	vld [tilespmem:s17+$0xFFFFFF80];
	v4 =	vadd.f32 v4, v8;
	[tilespmem:s19+$0xB0] =	vst v0;
	s19 =	smov.u32 s14  }
0x222: {  	s14 =	sadd.s32 $0x200, s14;
	v0 =	vld [tilespmem:s17+$0x80]  }
0x223: {  	v2 =	vadd.f32 v2, v6;
	[tilespmem:s14+$0x0] =	vst v4;
	v4 =	vld [tilespmem:s12+$0x30];
	s12 =	smov.u32 s26  }
0x224: {  	v6 =	vld [tilespmem:s3+$0x10]  }
0x225: {  	[tilespmem:s14+$0xFFFFFF00] =	vst v2;
	v2 =	vld [tilespmem:s17+$0x10]  }
0x226: {  	v7 =	vld [tilespmem:s13+$0x10];
	v1 =	vadd.f32 v5, v1  }
0x227: {  	v5 =	vld [tilespmem:s17+$0xFFFFFF10];
	v0 =	vadd.f32 v0, v3  }
0x228: {  	[tilespmem:s14+$0xFFFFFF80] =	vst v1;
	v1 =	vld [tilespmem:s22+$0xFFFFFFB0]  }
0x229: {  	v3 =	vld [tilespmem:s12+$0x10];
	[tilespmem:s14+$0x80] =	vst v0  }
0x22a: {  	v0 =	vld [tilespmem:s17+$0xFFFFFF90];
	v2 =	vadd.f32 v2, v6  }
0x22b: {  	v6 =	vld [tilespmem:s9+$0x10]  }
0x22c: {  	v5 =	vadd.f32 v5, v7;
	[tilespmem:s14+$0x10] =	vst v2;
	v2 =	vld [tilespmem:s17+$0x90]  }
0x22d: {  	v7 =	vld [tilespmem:s3+$0x20];
	v1 =	vadd.f32 v1, v4  }
0x22e: {  	[tilespmem:s14+$0xFFFFFF10] =	vst v5;
	v4 =	vld [tilespmem:s17+$0x20]  }
0x22f: {  	v8 =	vld [tilespmem:s13+$0x20];
	v0 =	vadd.f32 v0, v3;
	[tilespmem:s19+$0xFFFFFFB0] =	vst v1  }
0x230: {  	v1 =	vld [tilespmem:s17+$0xFFFFFF20]  }
0x231: {  	[tilespmem:s14+$0xFFFFFF90] =	vst v0;
	v2 =	vadd.f32 v2, v6;
	v0 =	vld [tilespmem:s6+$0x30];
	s6 =	smov.u32 s9  }
.Ltmp3:
0x232: {  	v3 =	vld [tilespmem:s12+$0x20];
	(pc) =	sbr.rel @p1 .LBB2_9-.Ltmp3, $4  }
0x233: {  	v5 =	vld [tilespmem:s17+$0xFFFFFFA0];
	v4 =	vadd.f32 v4, v7;
	[tilespmem:s14+$0x90] =	vst v2  }
0x234: {  	v2 =	vld [tilespmem:s6+$0x20]  }
0x235: {  	v6 =	vadd.f32 v1, v8;
	[tilespmem:s14+$0x20] =	vst v4;
	v4 =	vld [tilespmem:s17+$0xA0]  }
0x236: {  	v1 =	vld [tilespmem:s3+$0x30]  }
0x237: {  	[tilespmem:s14+$0xFFFFFF20] =	vst v6;
	v6 =	vld [tilespmem:s17+$0x30]  }
0x238: {  	v7 =	vld [tilespmem:s13+$0x30];
	v3 =	vadd.f32 v5, v3  }
0x239: {  	v5 =	vld [tilespmem:s17+$0xFFFFFF30]  }
0x23a: {  	[tilespmem:s14+$0xFFFFFFA0] =	vst v3;
	v2 =	vadd.f32 v4, v2;
	v3 =	vld [tilespmem:s22+$0xB0]  }
0x23b: {  	v4 =	vld [tilespmem:s12+$0x30]  }
0x23c: {  	[tilespmem:s14+$0xA0] =	vst v2;
	v2 =	vld [tilespmem:s2+$0xFFFFFFB0]  }
0x23d: {  	v8 =	vld [tilespmem:s6+$0x30]  }
0x23e: {  	v9 =	vld [tilespmem:s2+$0xB0]  }
0x23f: {  	v1 =	vadd.f32 v6, v1  }
0x240: {  	v5 =	vadd.f32 v5, v7  }
0x241: {  	[tilespmem:s14+$0x30] =	vst v1;
	v0 =	vadd.f32 v3, v0  }
0x242: {  	[tilespmem:s14+$0xFFFFFF30] =	vst v5;
	v1 =	vadd.f32 v2, v4  }
0x243: {  	[tilespmem:s19+$0xB0] =	vst v0;
	v0 =	vadd.f32 v9, v8  }
0x244: {  	[tilespmem:s14+$0xFFFFFFB0] =	vst v1  }
0x245: {  	[tilespmem:s14+$0xB0] =	vst v0  }
0x246: {  	s4 =	simm.s32 $0x1A400;
	s12 =	sshll.u32 s16, $0x4;
	s3 =	rddreg [dreg:$0x6]  }
0x247: {  	s13 =	simm.s32 $0x0;
	s14 =	simm.s32 $0x8;
	s2 =	sadd.s32 s3, s12  }
0x248: {  	[hbm4b:s2+s13] =	stream.linear.scatter [tilespmem:s4], [sflag:$0x8], $0x4000, $0x38;
	[tilespmem:$0x1E800] =	vst v63  }
0x249: {  	_ =	swait.ge [sflag:s14], $0x4000  }
0x24a: {  	[sflag:s14] =	ssyncset.done $0x0  }
0x24b: {  	s16 =	simm.s32 $0x10;
	[sflag:s14] =	ssyncadd.s32 $0xFFFFC000  }
0x24c: {  	_ =	swait.ge [sflag:s16], $0x80  }
0x24d: {  	s18 =	simm.s32 $0x1E780;
	s17 =	simm.s32 $0x80;
	[sflag:s16] =	ssyncset.done $0x0  }
0x24e: {  	s19 =	simm.s32 $0x12400;
	[sflag:s16] =	ssyncadd.s32 $0xFFFFFF80;
	s16 =	sadd.s32 $0x200, s25  }
0x24f: {  	[tilespmem:s19], [sflag:$0x4] =	stream.indirect.gather [hbm4b:s8+s17], $0x80, s18, s17, $0xb8;
	[tilespmem:$0x1E800] =	vst v63  }
0x250: {  	s20 =	simm.s32 $0x1;
	s22 =	smulhi.u32 $0x51EB851F, s16  }
0x251: {  	_ =	swait.ge [sflag:s20], $0x4000  }
0x252: {  	s2 =	rddreg [dreg:$0x12];
	s3 =	sshrl.u32 s22, $0x6  }
0x253: {  	s6 =	simm.s32 @!p0 $0x1E600;
	s2 =	sadd.s32 @!p0 s11, s2;
	s9 =	smul.u32 $0xC8, s3  }
0x254: {  	s4 =	simm.s32 @!p0 $0x0;
	[sflag:s20] =	ssyncset.done $0x0;
	s2 =	sshrl.u32 @!p0 s2, $0x3  }
0x255: {  	[sflag:s20] =	ssyncadd.s32 $0xFFFFC000;
	s2 =	sadd.s32 @!p0 s5, s2;
	s18 =	ssub.s32 s0, s9  }
0x256: {  	[tilespmem:s6], [sflag:$0xD] =	stream.linear.gather @!p0 [hbm4b:s2+s4], $0x80, $0x38;
	[tilespmem:$0x1E800] =	vst v63  }
0x257: {  	s24 =	smov.u32 s8;
	s8 =	rddreg [dreg:$0x1c];
	s29 =	sadd.s32 $0xFFFFFFFC, s18  }
0x258: {  	s22 =	simm.s32 $0x6500;
	s26 =	smul.u32 $0x6400, s3;
	s9 =	sadd.s32 $0x206, s29  }
0x259: {  	s4 =	sadd.s32 s15, s8;
	s2 =	simm.s32 $0xFFFFFF80;
	p0 =	sgt.u32 s9, $0xC7  }
0x25a: {  	s4 =	ssub.s32 s4, s26;
	s12 =	sadd.s32 $0x204, s29;
	s2 =	simm.s32 @!p0 $0x6380  }
0x25b: {  	v0 =	vld [tilespmem:s22+$0x0];
	p0 =	sgt.u32 s12, $0xC7;
	s13 =	sadd.s32 s2, s4;
	s2 =	simm.s32 $0xFFFFFE80  }
0x25c: {  	s2 =	simm.s32 @!p0 $0x6280;
	v1 =	vld [tilespmem:s13+$0x0]  }
0x25d: {  	s14 =	sadd.s32 $0x205, s29;
	v2 =	vld [tilespmem:s22+$0xFFFFFF00];
	s17 =	sadd.s32 s2, s4  }
0x25e: {  	s9 =	simm.s32 $0xFFFFFF00;
	p0 =	sgt.u32 s14, $0xC7;
	v3 =	vld [tilespmem:s17+$0x0]  }
0x25f: {  	s9 =	simm.s32 @!p0 $0x6300  }
0x260: {  	s20 =	sadd.s32 $0x207, s29;
	v5 =	vld [tilespmem:s22+$0xFFFFFF80];
	s3 =	sadd.s32 s9, s4  }
0x261: {  	p0 =	sgt.u32 s20, $0xC7;
	s2 =	sadd.s32 $0x6400, s4;
	v4 =	vld [tilespmem:s3+$0x0];
	v0 =	vadd.f32 v0, v1  }
0x262: {  	s19 =	simm.s32 $0x16500;
	v6 =	vld [tilespmem:s22+$0x80];
	s2 =	smov.u32 @p0 s4  }
0x263: {  	v1 =	vld [tilespmem:s2+$0x0];
	v2 =	vadd.f32 v2, v3;
	[tilespmem:s19+$0x0] =	vst v0  }
0x264: {  	v0 =	vld [tilespmem:s13+$0x10]  }
0x265: {  	[tilespmem:s19+$0xFFFFFF00] =	vst v2;
	v2 =	vld [tilespmem:s22+$0x10]  }
0x266: {  	v4 =	vadd.f32 v5, v4;
	v3 =	vld [tilespmem:s17+$0x10]  }
0x267: {  	v5 =	vld [tilespmem:s22+$0xFFFFFF10]  }
0x268: {  	v1 =	vadd.f32 v6, v1;
	[tilespmem:s19+$0xFFFFFF80] =	vst v4  }
0x269: {  	v4 =	vld [tilespmem:s3+$0x10]  }
0x26a: {  	[tilespmem:s19+$0x80] =	vst v1;
	v1 =	vld [tilespmem:s22+$0xFFFFFF90];
	v0 =	vadd.f32 v2, v0  }
0x26b: {  	v2 =	vld [tilespmem:s2+$0x10]  }
0x26c: {  	s6 =	sadd.s32 $0x0, s18;
	v3 =	vadd.f32 v5, v3;
	[tilespmem:s19+$0x10] =	vst v0;
	v0 =	vld [tilespmem:s22+$0x90]  }
0x26d: {  	s26 =	sadd.s32 $0x204, s6;
	s29 =	sadd.s32 $0x206, s6;
	v5 =	vld [tilespmem:s13+$0x20]  }
0x26e: {  	s8 =	sadd.s32 $0x205, s6;
	s12 =	simm.s32 $0xFFFFFF80;
	p0 =	sgt.u32 s29, $0xC7;
	[tilespmem:s19+$0xFFFFFF10] =	vst v3;
	v3 =	vld [tilespmem:s22+$0x20]  }
0x26f: {  	s6 =	sadd.s32 $0x207, s6;
	s20 =	sadd.s32 $0x200, s4;
	s12 =	simm.s32 @!p0 $0x6380;
	v6 =	vld [tilespmem:s17+$0x20]  }
0x270: {  	s4 =	simm.s32 $0xFFFFFE80;
	p0 =	sgt.u32 s26, $0xC7;
	s26 =	sadd.s32 s12, s20;
	v1 =	vadd.f32 v1, v4;
	v4 =	vld [tilespmem:s22+$0xFFFFFF20]  }
0x271: {  	s4 =	simm.s32 @!p0 $0x6280;
	p0 =	sgt.u32 s6, $0xC7;
	s6 =	sadd.s32 $0x6400, s20  }
0x272: {  	v54 =	vld [tilespmem:s26+$0x0];
	s6 =	smov.u32 @p0 s20  }
0x273: {  	v12 =	vld [tilespmem:s6+$0x0];
	[tilespmem:s19+$0xFFFFFF90] =	vst v1;
	v0 =	vadd.f32 v0, v2  }
0x274: {  	v1 =	vld [tilespmem:s3+$0x20];
	v3 =	vadd.f32 v3, v5  }
0x275: {  	v2 =	vld [tilespmem:s22+$0xFFFFFFA0];
	[tilespmem:s19+$0x90] =	vst v0;
	v4 =	vadd.f32 v4, v6  }
0x276: {  	v0 =	vld [tilespmem:s2+$0x20];
	[tilespmem:s19+$0x20] =	vst v3  }
0x277: {  	v5 =	vld [tilespmem:s13+$0x30];
	[tilespmem:s19+$0xFFFFFF20] =	vst v4  }
0x278: {  	v6 =	vld [tilespmem:s17+$0x30];
	s17 =	simm.s32 $0x6700  }
0x279: {  	s13 =	sadd.s32 s4, s20;
	v8 =	vld [tilespmem:s17+$0x0]  }
0x27a: {  	p1 =	sgt.u32 s8, $0xC7;
	s9 =	simm.s32 $0xFFFFFF00;
	v11 =	vld [tilespmem:s13+$0x0]  }
0x27b: {  	s9 =	simm.s32 @!p1 $0x6300;
	v10 =	vld [tilespmem:s17+$0xFFFFFF00]  }
0x27c: {  	s12 =	sadd.s32 s9, s20;
	v3 =	vld [tilespmem:s22+$0xA0]  }
0x27d: {  	v1 =	vadd.f32 v2, v1;
	v2 =	vld [tilespmem:s12+$0x0]  }
0x27e: {  	v13 =	vld [tilespmem:s17+$0x80];
	v8 =	vadd.f32 v8, v54  }
0x27f: {  	s14 =	simm.s32 $0x16700;
	[tilespmem:s19+$0xFFFFFFA0] =	vst v1;
	v1 =	vld [tilespmem:s17+$0xFFFFFF80]  }
0x280: {  	v4 =	vld [tilespmem:s22+$0x30];
	v10 =	vadd.f32 v10, v11;
	[tilespmem:s14+$0x0] =	vst v8  }
0x281: {  	v8 =	vld [tilespmem:s26+$0x10]  }
0x282: {  	[tilespmem:s14+$0xFFFFFF00] =	vst v10;
	v56 =	vld [tilespmem:s17+$0x10]  }
0x283: {  	v12 =	vadd.f32 v13, v12;
	v57 =	vld [tilespmem:s13+$0x10]  }
0x284: {  	v1 =	vadd.f32 v1, v2;
	v2 =	vld [tilespmem:s17+$0xFFFFFF10]  }
0x285: {  	v7 =	vld [tilespmem:s22+$0xFFFFFF30];
	[tilespmem:s14+$0x80] =	vst v12  }
0x286: {  	[tilespmem:s14+$0xFFFFFF80] =	vst v1;
	v60 =	vld [tilespmem:s6+$0x10]  }
0x287: {  	v58 =	vld [tilespmem:s12+$0x10];
	v8 =	vadd.f32 v56, v8  }
0x288: {  	v59 =	vld [tilespmem:s17+$0xFFFFFF90]  }
0x289: {  	v2 =	vadd.f32 v2, v57;
	[tilespmem:s14+$0x10] =	vst v8;
	v8 =	vld [tilespmem:s17+$0x90]  }
0x28a: {  	v61 =	vld [tilespmem:s26+$0x20]  }
0x28b: {  	v0 =	vadd.f32 v3, v0;
	[tilespmem:s14+$0xFFFFFF10] =	vst v2;
	v2 =	vld [tilespmem:s17+$0x20]  }
0x28c: {  	v4 =	vadd.f32 v4, v5  }
0x28d: {  	v55 =	vld [tilespmem:s3+$0x30];
	[tilespmem:s19+$0xA0] =	vst v0;
	v6 =	vadd.f32 v7, v6  }
0x28e: {  	v0 =	vld [tilespmem:s2+$0x30];
	[tilespmem:s19+$0x30] =	vst v4;
	v3 =	vadd.f32 v59, v58  }
0x28f: {  	[tilespmem:s19+$0xFFFFFF30] =	vst v6;
	v1 =	vld [tilespmem:s22+$0xFFFFFFB0];
	v5 =	vadd.f32 v8, v60  }
0x290: {  	v62 =	vld [tilespmem:s13+$0x20];
	[tilespmem:s14+$0xFFFFFF90] =	vst v3;
	v4 =	vadd.f32 v2, v61  }
0x291: {  	v63 =	vld [tilespmem:s17+$0xFFFFFF20];
	[tilespmem:s14+$0x90] =	vst v5  }
0x292: {  	v3 =	vld [tilespmem:s12+$0x20];
	[tilespmem:s14+$0x20] =	vst v4  }
0x293: {  	v5 =	vld [tilespmem:s17+$0xFFFFFFA0];
	s29 =	sld [smem:$0x7FA]  }
0x294: {  	v1 =	vadd.f32 v1, v55;
	v2 =	vld [tilespmem:s6+$0x20]  }
0x295: {  	v4 =	vld [tilespmem:s17+$0xA0]  }
0x296: {  	s4 =	simm.s32 $0x4;
	s2 =	simm.s32 $0x6700;
	v6 =	vadd.f32 v63, v62;
	[tilespmem:s19+$0xFFFFFFB0] =	vst v1;
	v1 =	vld [tilespmem:s26+$0x30];
	s9 =	sor.u32 $0x7, s29  }
.LBB2_11:
0x297: {  	s26 =	sadd.s32 s4, s18  }
0x298: {  	[tilespmem:s14+$0xFFFFFF20] =	vst v6;
	v6 =	vld [tilespmem:s17+$0x30];
	s20 =	sadd.s32 $0x200, s20;
	s4 =	sadd.s32 $0x4, s4;
	s3 =	sadd.s32 $0x204, s26  }
0x299: {  	s29 =	sadd.s32 $0x205, s26;
	s8 =	sadd.s32 $0x206, s26;
	v7 =	vld [tilespmem:s13+$0x30];
	v3 =	vadd.f32 v5, v3;
	p1 =	sgt.u32 s3, $0xC7  }
0x29a: {  	p0 =	sgt.u32 s8, $0xC7;
	v5 =	vld [tilespmem:s17+$0xFFFFFF30];
	s3 =	simm.s32 $0xFFFFFF80;
	s17 =	sadd.s32 $0x200, s17  }
0x29b: {  	p2 =	sgt.u32 s29, $0xC7;
	s8 =	simm.s32 $0xFFFFFE80;
	s3 =	simm.s32 @!p0 $0x6380;
	[tilespmem:s14+$0xFFFFFFA0] =	vst v3;
	v2 =	vadd.f32 v4, v2;
	v3 =	vld [tilespmem:s22+$0xB0]  }
0x29c: {  	p0 =	slt.u32 s4, $0x7C;
	s22 =	simm.s32 $0xFFFFFF00;
	s3 =	sadd.s32 s3, s20;
	v4 =	vld [tilespmem:s17+$0x0]  }
0x29d: {  	s26 =	sadd.s32 $0x207, s26;
	s8 =	simm.s32 @!p1 $0x6280;
	s22 =	simm.s32 @!p2 $0x6300;
	v8 =	vld [tilespmem:s3+$0x0];
	v1 =	vadd.f32 v6, v1;
	[tilespmem:s14+$0xA0] =	vst v2  }
0x29e: {  	p1 =	sgt.u32 s26, $0xC7;
	s26 =	sadd.s32 $0x6400, s20;
	s13 =	sadd.s32 s8, s20;
	v2 =	vld [tilespmem:s17+$0xFFFFFF00]  }
0x29f: {  	s26 =	smov.u32 @p1 s20;
	s8 =	sadd.s32 s22, s20;
	s22 =	smov.u32 s2;
	v6 =	vld [tilespmem:s13+$0x0];
	v5 =	vadd.f32 v5, v7;
	[tilespmem:s14+$0x30] =	vst v1  }
0x2a0: {  	s2 =	smov.u32 s17;
	v1 =	vld [tilespmem:s8+$0x0];
	v0 =	vadd.f32 v3, v0  }
0x2a1: {  	v3 =	vld [tilespmem:s26+$0x0];
	[tilespmem:s14+$0xFFFFFF30] =	vst v5  }
0x2a2: {  	v5 =	vld [tilespmem:s17+$0xFFFFFF80];
	v4 =	vadd.f32 v4, v8;
	[tilespmem:s19+$0xB0] =	vst v0;
	s19 =	smov.u32 s14  }
0x2a3: {  	s14 =	sadd.s32 $0x200, s14;
	v0 =	vld [tilespmem:s17+$0x80]  }
0x2a4: {  	v2 =	vadd.f32 v2, v6;
	[tilespmem:s14+$0x0] =	vst v4;
	v4 =	vld [tilespmem:s12+$0x30];
	s12 =	smov.u32 s8  }
0x2a5: {  	v6 =	vld [tilespmem:s3+$0x10]  }
0x2a6: {  	[tilespmem:s14+$0xFFFFFF00] =	vst v2;
	v2 =	vld [tilespmem:s17+$0x10]  }
0x2a7: {  	v7 =	vld [tilespmem:s13+$0x10];
	v1 =	vadd.f32 v5, v1  }
0x2a8: {  	v5 =	vld [tilespmem:s17+$0xFFFFFF10];
	v0 =	vadd.f32 v0, v3  }
0x2a9: {  	[tilespmem:s14+$0xFFFFFF80] =	vst v1;
	v1 =	vld [tilespmem:s22+$0xFFFFFFB0]  }
0x2aa: {  	v3 =	vld [tilespmem:s12+$0x10];
	[tilespmem:s14+$0x80] =	vst v0  }
0x2ab: {  	v0 =	vld [tilespmem:s17+$0xFFFFFF90];
	v2 =	vadd.f32 v2, v6  }
0x2ac: {  	v6 =	vld [tilespmem:s26+$0x10]  }
0x2ad: {  	v5 =	vadd.f32 v5, v7;
	[tilespmem:s14+$0x10] =	vst v2;
	v2 =	vld [tilespmem:s17+$0x90]  }
0x2ae: {  	v7 =	vld [tilespmem:s3+$0x20];
	v1 =	vadd.f32 v1, v4  }
0x2af: {  	[tilespmem:s14+$0xFFFFFF10] =	vst v5;
	v4 =	vld [tilespmem:s17+$0x20]  }
0x2b0: {  	v8 =	vld [tilespmem:s13+$0x20];
	v0 =	vadd.f32 v0, v3;
	[tilespmem:s19+$0xFFFFFFB0] =	vst v1  }
0x2b1: {  	v1 =	vld [tilespmem:s17+$0xFFFFFF20]  }
0x2b2: {  	[tilespmem:s14+$0xFFFFFF90] =	vst v0;
	v2 =	vadd.f32 v2, v6;
	v0 =	vld [tilespmem:s6+$0x30];
	s6 =	smov.u32 s26  }
.Ltmp4:
0x2b3: {  	v3 =	vld [tilespmem:s12+$0x20];
	(pc) =	sbr.rel @p0 .LBB2_11-.Ltmp4, $4  }
0x2b4: {  	v5 =	vld [tilespmem:s17+$0xFFFFFFA0];
	v4 =	vadd.f32 v4, v7;
	[tilespmem:s14+$0x90] =	vst v2  }
0x2b5: {  	v2 =	vld [tilespmem:s6+$0x20]  }
0x2b6: {  	v6 =	vadd.f32 v1, v8;
	[tilespmem:s14+$0x20] =	vst v4;
	v4 =	vld [tilespmem:s17+$0xA0]  }
0x2b7: {  	v1 =	vld [tilespmem:s3+$0x30]  }
0x2b8: {  	[tilespmem:s14+$0xFFFFFF20] =	vst v6;
	v6 =	vld [tilespmem:s17+$0x30]  }
0x2b9: {  	v7 =	vld [tilespmem:s13+$0x30];
	v3 =	vadd.f32 v5, v3  }
0x2ba: {  	v5 =	vld [tilespmem:s17+$0xFFFFFF30]  }
0x2bb: {  	[tilespmem:s14+$0xFFFFFFA0] =	vst v3;
	v2 =	vadd.f32 v4, v2;
	v3 =	vld [tilespmem:s22+$0xB0]  }
0x2bc: {  	v4 =	vld [tilespmem:s12+$0x30]  }
0x2bd: {  	[tilespmem:s14+$0xA0] =	vst v2;
	v2 =	vld [tilespmem:s2+$0xFFFFFFB0]  }
0x2be: {  	v8 =	vld [tilespmem:s6+$0x30]  }
0x2bf: {  	v9 =	vld [tilespmem:s2+$0xB0]  }
0x2c0: {  	v1 =	vadd.f32 v6, v1  }
0x2c1: {  	v5 =	vadd.f32 v5, v7  }
0x2c2: {  	[tilespmem:s14+$0x30] =	vst v1;
	v0 =	vadd.f32 v3, v0  }
0x2c3: {  	[tilespmem:s14+$0xFFFFFF30] =	vst v5;
	v1 =	vadd.f32 v2, v4  }
0x2c4: {  	[tilespmem:s19+$0xB0] =	vst v0;
	v0 =	vadd.f32 v9, v8  }
0x2c5: {  	[tilespmem:s14+$0xFFFFFFB0] =	vst v1  }
0x2c6: {  	[tilespmem:s14+$0xB0] =	vst v0  }
0x2c7: {  	s4 =	sshll.u32 s16, $0x4;
	p0 =	sne.s32 s31, $0x18;
	s3 =	rddreg [dreg:$0x6]  }
0x2c8: {  	s6 =	simm.s32 $0x0;
	s2 =	sadd.s32 s3, s4;
	s4 =	simm.s32 $0x16400  }
0x2c9: {  	[hbm4b:s2+s6] =	stream.linear.scatter [tilespmem:s4], [sflag:$0x5], $0x4000, $0x38;
	[tilespmem:$0x1E800] =	vst v63  }
0x2ca: {  	s2 =	simm.s32 @p0 $0x5  }
0x2cb: {  	_ =	swait.ge @p0 [sflag:s2], $0x4000  }
0x2cc: {  	[sflag:s2] =	ssyncset.done @p0 $0x0  }
0x2cd: {  	[sflag:s2] =	ssyncadd.s32 @p0 $0xFFFFC000;
	s2 =	simm.s32 @p0 $0x9  }
0x2ce: {  	_ =	swait.ge @p0 [sflag:s2], $0x80  }
0x2cf: {  	s16 =	sadd.s32 $0x280, s25;
	s3 =	simm.s32 @p0 $0x1E400;
	[sflag:s2] =	ssyncset.done @p0 $0x0  }
0x2d0: {  	s4 =	simm.s32 @p0 $0x6400;
	[sflag:s2] =	ssyncadd.s32 @p0 $0xFFFFFF80;
	s2 =	simm.s32 @p0 $0x80  }
0x2d1: {  	[tilespmem:s4], [sflag:$0x1] =	stream.indirect.gather @p0 [hbm4b:s24+s2], $0x80, s3, s2, $0xb8;
	[tilespmem:$0x1E800] =	vst v63  }
0x2d2: {  	s8 =	smulhi.u32 $0x51EB851F, s16;
	s2 =	simm.s32 @p0 $0x2  }
0x2d3: {  	_ =	swait.ge @p0 [sflag:s2], $0x4000  }
0x2d4: {  	s12 =	sshrl.u32 s8, $0x6;
	s3 =	rddreg [dreg:$0x14]  }
0x2d5: {  	s13 =	smul.u32 $0xC8, s12;
	s3 =	sadd.s32 @p0 s11, s3  }
0x2d6: {  	s4 =	simm.s32 @p0 $0x1E680;
	[sflag:s2] =	ssyncset.done @p0 $0x0;
	s3 =	sshrl.u32 @p0 s3, $0x3  }
0x2d7: {  	[sflag:s2] =	ssyncadd.s32 @p0 $0xFFFFC000;
	s2 =	sadd.s32 @p0 s5, s3;
	s3 =	simm.s32 @p0 $0x0  }
0x2d8: {  	[tilespmem:s4], [sflag:$0xE] =	stream.linear.gather @p0 [hbm4b:s2+s3], $0x80, $0x38;
	[tilespmem:$0x1E800] =	vst v63  }
0x2d9: {  	s4 =	simm.s32 @!p0 $0x2  }
0x2da: {  	s0 =	ssub.s32 s0, s13;
	s2 =	smul.u32 $0x6400, s12;
	_ =	swait.ge @!p0 [sflag:s4], $0x4000  }
0x2db: {  	s3 =	sadd.s32 $0xFFFFFFFC, s0;
	[sflag:s4] =	ssyncset.done @!p0 $0x0;
	s14 =	rddreg [dreg:$0x1d]  }
0x2dc: {  	[sflag:s4] =	ssyncadd.s32 @!p0 $0xFFFFC000;
	s4 =	sadd.s32 s15, s14;
	s15 =	sadd.s32 $0x286, s3  }
0x2dd: {  	s4 =	ssub.s32 s4, s2;
	p1 =	sgt.u32 s15, $0xC7;
	s2 =	simm.s32 $0xFFFFFF80  }
0x2de: {  	s18 =	simm.s32 $0xA500;
	s17 =	sadd.s32 $0x284, s3;
	s2 =	simm.s32 @!p1 $0x6380  }
0x2df: {  	v0 =	vld [tilespmem:s18+$0x0];
	p1 =	sgt.u32 s17, $0xC7;
	s19 =	sadd.s32 s2, s4;
	s2 =	simm.s32 $0xFFFFFE80  }
0x2e0: {  	s2 =	simm.s32 @!p1 $0x6280;
	v1 =	vld [tilespmem:s19+$0x0]  }
0x2e1: {  	s8 =	sadd.s32 $0x285, s3;
	v2 =	vld [tilespmem:s18+$0xFFFFFF00];
	s20 =	sadd.s32 s2, s4  }
0x2e2: {  	p1 =	sgt.u32 s8, $0xC7;
	s8 =	simm.s32 $0xFFFFFF00;
	v3 =	vld [tilespmem:s20+$0x0]  }
0x2e3: {  	s8 =	simm.s32 @!p1 $0x6300  }
0x2e4: {  	s26 =	sadd.s32 $0x287, s3;
	v5 =	vld [tilespmem:s18+$0xFFFFFF80];
	s3 =	sadd.s32 s8, s4  }
0x2e5: {  	p1 =	sgt.u32 s26, $0xC7;
	s2 =	sadd.s32 $0x6400, s4;
	v4 =	vld [tilespmem:s3+$0x0];
	v0 =	vadd.f32 v0, v1  }
0x2e6: {  	s15 =	simm.s32 $0x1A500;
	v6 =	vld [tilespmem:s18+$0x80];
	s2 =	smov.u32 @p1 s4  }
0x2e7: {  	v1 =	vld [tilespmem:s2+$0x0];
	v2 =	vadd.f32 v2, v3;
	[tilespmem:s15+$0x0] =	vst v0  }
0x2e8: {  	v0 =	vld [tilespmem:s19+$0x10]  }
0x2e9: {  	[tilespmem:s15+$0xFFFFFF00] =	vst v2;
	v2 =	vld [tilespmem:s18+$0x10]  }
0x2ea: {  	v4 =	vadd.f32 v5, v4;
	v3 =	vld [tilespmem:s20+$0x10]  }
0x2eb: {  	s17 =	simm.s32 $0xA700;
	v5 =	vld [tilespmem:s18+$0xFFFFFF10]  }
0x2ec: {  	v8 =	vld [tilespmem:s17+$0x0];
	v1 =	vadd.f32 v6, v1;
	[tilespmem:s15+$0xFFFFFF80] =	vst v4  }
0x2ed: {  	v4 =	vld [tilespmem:s3+$0x10]  }
0x2ee: {  	[tilespmem:s15+$0x80] =	vst v1;
	v1 =	vld [tilespmem:s18+$0xFFFFFF90];
	v0 =	vadd.f32 v2, v0  }
0x2ef: {  	v2 =	vld [tilespmem:s2+$0x10]  }
0x2f0: {  	v3 =	vadd.f32 v5, v3;
	[tilespmem:s15+$0x10] =	vst v0;
	v0 =	vld [tilespmem:s18+$0x90]  }
0x2f1: {  	v5 =	vld [tilespmem:s19+$0x20]  }
0x2f2: {  	[tilespmem:s15+$0xFFFFFF10] =	vst v3;
	v3 =	vld [tilespmem:s18+$0x20]  }
0x2f3: {  	v6 =	vld [tilespmem:s20+$0x20]  }
0x2f4: {  	v1 =	vadd.f32 v1, v4;
	v4 =	vld [tilespmem:s18+$0xFFFFFF20]  }
0x2f5: {  	v10 =	vld [tilespmem:s17+$0xFFFFFF00]  }
0x2f6: {  	v13 =	vld [tilespmem:s17+$0xFFFFFF80];
	[tilespmem:s15+$0xFFFFFF90] =	vst v1;
	v0 =	vadd.f32 v0, v2  }
0x2f7: {  	v1 =	vld [tilespmem:s3+$0x20]  }
0x2f8: {  	s29 =	smov.u32 s5;
	s5 =	sadd.s32 $0x0, s0;
	v2 =	vld [tilespmem:s18+$0xFFFFFFA0];
	v3 =	vadd.f32 v3, v5;
	[tilespmem:s15+$0x90] =	vst v0  }
0x2f9: {  	s25 =	sadd.s32 $0x286, s5;
	v4 =	vadd.f32 v4, v6;
	v0 =	vld [tilespmem:s2+$0x20]  }
0x2fa: {  	s22 =	sadd.s32 $0x284, s5;
	s12 =	simm.s32 $0xFFFFFF80;
	p1 =	sgt.u32 s25, $0xC7;
	[tilespmem:s15+$0x20] =	vst v3;
	v3 =	vld [tilespmem:s18+$0xA0]  }
0x2fb: {  	s26 =	sadd.s32 $0x285, s5;
	s12 =	simm.s32 @!p1 $0x6380;
	v5 =	vld [tilespmem:s19+$0x30];
	[tilespmem:s15+$0xFFFFFF20] =	vst v4;
	s19 =	sadd.s32 $0x200, s4  }
0x2fc: {  	p2 =	sgt.u32 s26, $0xC7;
	s8 =	simm.s32 $0xFFFFFF00;
	v6 =	vld [tilespmem:s20+$0x30];
	s20 =	sadd.s32 s12, s19  }
0x2fd: {  	p1 =	sgt.u32 s22, $0xC7;
	s8 =	simm.s32 @!p2 $0x6300;
	s4 =	simm.s32 $0xFFFFFE80;
	v53 =	vld [tilespmem:s20+$0x0]  }
0x2fe: {  	s6 =	sadd.s32 $0x287, s5;
	v4 =	vld [tilespmem:s18+$0x30];
	s4 =	simm.s32 @!p1 $0x6280;
	s12 =	sadd.s32 s8, s19  }
0x2ff: {  	p1 =	sgt.u32 s6, $0xC7;
	s6 =	sadd.s32 $0x6400, s19;
	s13 =	sadd.s32 s4, s19;
	v12 =	vld [tilespmem:s12+$0x0]  }
0x300: {  	v1 =	vadd.f32 v2, v1;
	s6 =	smov.u32 @p1 s19;
	v11 =	vld [tilespmem:s13+$0x0]  }
0x301: {  	v2 =	vld [tilespmem:s6+$0x0];
	v0 =	vadd.f32 v3, v0  }
0x302: {  	[tilespmem:s15+$0xFFFFFFA0] =	vst v1;
	v1 =	vld [tilespmem:s17+$0x80];
	v8 =	vadd.f32 v8, v53  }
0x303: {  	s14 =	simm.s32 $0x1A700;
	v7 =	vld [tilespmem:s18+$0xFFFFFF30];
	[tilespmem:s15+$0xA0] =	vst v0  }
0x304: {  	v0 =	vld [tilespmem:s2+$0x30];
	[tilespmem:s14+$0x0] =	vst v8  }
0x305: {  	v54 =	vadd.f32 v10, v11;
	v55 =	vld [tilespmem:s20+$0x10]  }
0x306: {  	v56 =	vld [tilespmem:s17+$0x10]  }
0x307: {  	v12 =	vadd.f32 v13, v12;
	v1 =	vadd.f32 v1, v2;
	v2 =	vld [tilespmem:s18+$0xFFFFFFB0];
	[tilespmem:s14+$0xFFFFFF00] =	vst v54  }
0x308: {  	v57 =	vld [tilespmem:s13+$0x10]  }
0x309: {  	[tilespmem:s14+$0xFFFFFF80] =	vst v12;
	v58 =	vld [tilespmem:s17+$0xFFFFFF10]  }
0x30a: {  	v12 =	vld [tilespmem:s12+$0x10]  }
0x30b: {  	[tilespmem:s14+$0x80] =	vst v1;
	v1 =	vld [tilespmem:s17+$0xFFFFFF90];
	v9 =	vadd.f32 v56, v55  }
0x30c: {  	v59 =	vld [tilespmem:s6+$0x10]  }
0x30d: {  	v60 =	vld [tilespmem:s17+$0x90];
	[tilespmem:s14+$0x10] =	vst v9  }
0x30e: {  	v11 =	vadd.f32 v58, v57;
	v61 =	vld [tilespmem:s20+$0x20]  }
0x30f: {  	v62 =	vld [tilespmem:s17+$0x20]  }
0x310: {  	v8 =	vld [tilespmem:s3+$0x30];
	v1 =	vadd.f32 v1, v12;
	[tilespmem:s14+$0xFFFFFF10] =	vst v11  }
0x311: {  	v3 =	vadd.f32 v4, v5;
	v63 =	vld [tilespmem:s13+$0x20]  }
0x312: {  	[tilespmem:s14+$0xFFFFFF90] =	vst v1;
	v1 =	vadd.f32 v60, v59;
	v14 =	vld [tilespmem:s17+$0xFFFFFF20]  }
0x313: {  	v4 =	vadd.f32 v7, v6;
	[tilespmem:s15+$0x30] =	vst v3;
	v3 =	vld [tilespmem:s12+$0x20]  }
0x314: {  	v5 =	vld [tilespmem:s17+$0xFFFFFFA0];
	[tilespmem:s14+$0x90] =	vst v1;
	v6 =	vadd.f32 v62, v61  }
0x315: {  	[tilespmem:s15+$0xFFFFFF30] =	vst v4;
	v1 =	vadd.f32 v2, v8;
	v2 =	vld [tilespmem:s6+$0x20]  }
0x316: {  	v4 =	vld [tilespmem:s17+$0xA0];
	[tilespmem:s14+$0x20] =	vst v6  }
0x317: {  	s4 =	simm.s32 $0x4;
	s2 =	simm.s32 $0xA700;
	[tilespmem:s15+$0xFFFFFFB0] =	vst v1;
	v6 =	vadd.f32 v14, v63;
	v1 =	vld [tilespmem:s20+$0x30]  }
.LBB2_13:
0x318: {  	s8 =	sadd.s32 s4, s0  }
0x319: {  	[tilespmem:s14+$0xFFFFFF20] =	vst v6;
	v6 =	vld [tilespmem:s17+$0x30];
	s19 =	sadd.s32 $0x200, s19;
	s4 =	sadd.s32 $0x4, s4;
	s3 =	sadd.s32 $0x284, s8  }
0x31a: {  	s20 =	sadd.s32 $0x285, s8;
	s22 =	sadd.s32 $0x286, s8;
	v7 =	vld [tilespmem:s13+$0x30];
	v3 =	vadd.f32 v5, v3;
	s13 =	simm.s32 $0xFFFFFE80  }
0x31b: {  	p2 =	sgt.u32 s3, $0xC7;
	p1 =	sgt.u32 s22, $0xC7;
	v5 =	vld [tilespmem:s17+$0xFFFFFF30];
	s3 =	simm.s32 $0xFFFFFF80  }
0x31c: {  	s17 =	sadd.s32 $0x200, s17;
	p3 =	sgt.u32 s20, $0xC7;
	s3 =	simm.s32 @!p1 $0x6380;
	[tilespmem:s14+$0xFFFFFFA0] =	vst v3;
	v2 =	vadd.f32 v4, v2;
	v3 =	vld [tilespmem:s18+$0xB0]  }
0x31d: {  	p1 =	slt.u32 s4, $0x7C;
	s18 =	simm.s32 $0xFFFFFF00;
	s3 =	sadd.s32 s3, s19;
	v4 =	vld [tilespmem:s17+$0x0]  }
0x31e: {  	s8 =	sadd.s32 $0x287, s8;
	s13 =	simm.s32 @!p2 $0x6280;
	s18 =	simm.s32 @!p3 $0x6300;
	v8 =	vld [tilespmem:s3+$0x0];
	v1 =	vadd.f32 v6, v1;
	[tilespmem:s14+$0xA0] =	vst v2  }
0x31f: {  	s20 =	sadd.s32 $0x6400, s19;
	p2 =	sgt.u32 s8, $0xC7;
	s13 =	sadd.s32 s13, s19;
	v2 =	vld [tilespmem:s17+$0xFFFFFF00]  }
0x320: {  	s20 =	smov.u32 @p2 s19;
	s8 =	sadd.s32 s18, s19;
	s18 =	smov.u32 s2;
	v6 =	vld [tilespmem:s13+$0x0];
	v5 =	vadd.f32 v5, v7;
	[tilespmem:s14+$0x30] =	vst v1  }
0x321: {  	s2 =	smov.u32 s17;
	v1 =	vld [tilespmem:s8+$0x0];
	v0 =	vadd.f32 v3, v0  }
0x322: {  	v3 =	vld [tilespmem:s20+$0x0];
	[tilespmem:s14+$0xFFFFFF30] =	vst v5  }
0x323: {  	v5 =	vld [tilespmem:s17+$0xFFFFFF80];
	v4 =	vadd.f32 v4, v8;
	[tilespmem:s15+$0xB0] =	vst v0;
	s15 =	smov.u32 s14  }
0x324: {  	s14 =	sadd.s32 $0x200, s14;
	v0 =	vld [tilespmem:s17+$0x80]  }
0x325: {  	v2 =	vadd.f32 v2, v6;
	[tilespmem:s14+$0x0] =	vst v4;
	v4 =	vld [tilespmem:s12+$0x30];
	s12 =	smov.u32 s8  }
0x326: {  	v6 =	vld [tilespmem:s3+$0x10]  }
0x327: {  	[tilespmem:s14+$0xFFFFFF00] =	vst v2;
	v2 =	vld [tilespmem:s17+$0x10]  }
0x328: {  	v7 =	vld [tilespmem:s13+$0x10];
	v1 =	vadd.f32 v5, v1  }
0x329: {  	v5 =	vld [tilespmem:s17+$0xFFFFFF10];
	v0 =	vadd.f32 v0, v3  }
0x32a: {  	[tilespmem:s14+$0xFFFFFF80] =	vst v1;
	v1 =	vld [tilespmem:s18+$0xFFFFFFB0]  }
0x32b: {  	v3 =	vld [tilespmem:s12+$0x10];
	[tilespmem:s14+$0x80] =	vst v0  }
0x32c: {  	v0 =	vld [tilespmem:s17+$0xFFFFFF90];
	v2 =	vadd.f32 v2, v6  }
0x32d: {  	v6 =	vld [tilespmem:s20+$0x10]  }
0x32e: {  	v5 =	vadd.f32 v5, v7;
	[tilespmem:s14+$0x10] =	vst v2;
	v2 =	vld [tilespmem:s17+$0x90]  }
0x32f: {  	v7 =	vld [tilespmem:s3+$0x20];
	v1 =	vadd.f32 v1, v4  }
0x330: {  	[tilespmem:s14+$0xFFFFFF10] =	vst v5;
	v4 =	vld [tilespmem:s17+$0x20]  }
0x331: {  	v8 =	vld [tilespmem:s13+$0x20];
	v0 =	vadd.f32 v0, v3;
	[tilespmem:s15+$0xFFFFFFB0] =	vst v1  }
0x332: {  	v1 =	vld [tilespmem:s17+$0xFFFFFF20]  }
0x333: {  	[tilespmem:s14+$0xFFFFFF90] =	vst v0;
	v2 =	vadd.f32 v2, v6;
	v0 =	vld [tilespmem:s6+$0x30];
	s6 =	smov.u32 s20  }
.Ltmp5:
0x334: {  	v3 =	vld [tilespmem:s12+$0x20];
	(pc) =	sbr.rel @p1 .LBB2_13-.Ltmp5, $4  }
0x335: {  	v5 =	vld [tilespmem:s17+$0xFFFFFFA0];
	v4 =	vadd.f32 v4, v7;
	[tilespmem:s14+$0x90] =	vst v2  }
0x336: {  	v2 =	vld [tilespmem:s6+$0x20]  }
0x337: {  	v6 =	vadd.f32 v1, v8;
	[tilespmem:s14+$0x20] =	vst v4;
	v4 =	vld [tilespmem:s17+$0xA0]  }
0x338: {  	v1 =	vld [tilespmem:s3+$0x30]  }
0x339: {  	[tilespmem:s14+$0xFFFFFF20] =	vst v6;
	v6 =	vld [tilespmem:s17+$0x30]  }
0x33a: {  	v7 =	vld [tilespmem:s13+$0x30];
	v3 =	vadd.f32 v5, v3  }
0x33b: {  	v5 =	vld [tilespmem:s17+$0xFFFFFF30]  }
0x33c: {  	[tilespmem:s14+$0xFFFFFFA0] =	vst v3;
	v2 =	vadd.f32 v4, v2;
	v3 =	vld [tilespmem:s18+$0xB0]  }
0x33d: {  	v4 =	vld [tilespmem:s12+$0x30]  }
0x33e: {  	[tilespmem:s14+$0xA0] =	vst v2;
	v2 =	vld [tilespmem:s2+$0xFFFFFFB0]  }
0x33f: {  	v8 =	vld [tilespmem:s6+$0x30]  }
0x340: {  	v9 =	vld [tilespmem:s2+$0xB0]  }
0x341: {  	v1 =	vadd.f32 v6, v1  }
0x342: {  	v5 =	vadd.f32 v5, v7  }
0x343: {  	[tilespmem:s14+$0x30] =	vst v1;
	v0 =	vadd.f32 v3, v0  }
0x344: {  	[tilespmem:s14+$0xFFFFFF30] =	vst v5;
	v1 =	vadd.f32 v2, v4  }
0x345: {  	[tilespmem:s15+$0xB0] =	vst v0;
	v0 =	vadd.f32 v9, v8  }
0x346: {  	[tilespmem:s14+$0xFFFFFFB0] =	vst v1  }
0x347: {  	[tilespmem:s14+$0xB0] =	vst v0  }
0x348: {  	s0 =	sshll.u32 s16, $0x4;
	s19 =	rddreg [dreg:$0x6]  }
0x349: {  	s5 =	simm.s32 $0x0;
	s20 =	simm.s32 $0x1A400;
	s0 =	sadd.s32 s19, s0  }
0x34a: {  	[hbm4b:s0+s5] =	stream.linear.scatter [tilespmem:s20], [sflag:$0x6], $0x4000, $0x38;
	[tilespmem:$0x1E800] =	vst v63  }
0x34b: {  	s0 =	simm.s32 @p0 $0x6  }
0x34c: {  	_ =	swait.ge @p0 [sflag:s0], $0x4000  }
0x34d: {  	[sflag:s0] =	ssyncset.done @p0 $0x0  }
0x34e: {  	[sflag:s0] =	ssyncadd.s32 @p0 $0xFFFFC000;
	s0 =	simm.s32 @p0 $0xA  }
0x34f: {  	_ =	swait.ge @p0 [sflag:s0], $0x80  }
0x350: {  	s3 =	simm.s32 @p0 $0xA400;
	[sflag:s0] =	ssyncset.done @p0 $0x0  }
0x351: {  	s2 =	simm.s32 @p0 $0x1E480;
	[sflag:s0] =	ssyncadd.s32 @p0 $0xFFFFFF80;
	s0 =	simm.s32 @p0 $0x80  }
0x352: {  	[tilespmem:s3], [sflag:$0x2] =	stream.indirect.gather @p0 [hbm4b:s24+s0], $0x80, s2, s0, $0xb8;
	[tilespmem:$0x1E800] =	vst v63  }
0x353: {  	s0 =	simm.s32 @p0 $0x3  }
0x354: {  	_ =	swait.ge @p0 [sflag:s0], $0x4000  }
0x355: {  	s2 =	rddreg [dreg:$0x16]  }
0x356: {  	[sflag:s0] =	ssyncset.done @p0 $0x0;
	s2 =	sadd.s32 @p0 s11, s2  }
0x357: {  	[sflag:s0] =	ssyncadd.s32 @p0 $0xFFFFC000;
	s0 =	sshrl.u32 @p0 s2, $0x3  }
0x358: {  	s3 =	simm.s32 @p0 $0x1E700;
	s2 =	simm.s32 @p0 $0x0;
	s0 =	sadd.s32 @p0 s29, s0  }
0x359: {  	[tilespmem:s3], [sflag:$0xF] =	stream.linear.gather @p0 [hbm4b:s0+s2], $0x80, $0x38;
	[tilespmem:$0x1E800] =	vst v63  }
0x35a: {  	s0 =	simm.s32 @!p0 $0x3  }
0x35b: {  	_ =	swait.ge @!p0 [sflag:s0], $0x4000  }
0x35c: {  	p1 =	slt.u32 s10, $0xC6;
	[sflag:s0] =	ssyncset.done @!p0 $0x0  }
0x35d: {  	[sflag:s0] =	ssyncadd.s32 @!p0 $0xFFFFC000;
	s0 =	simm.s32 @!p1 $0x5  }
0x35e: {  	s22 =	sadd.s32 $0xFFFFFFFC, s30;
	_ =	swait.ge @!p1 [sflag:s0], $0x4000  }
0x35f: {  	s25 =	sadd.s32 $0x306, s22;
	s4 =	sadd.s32 $0x304, s22;
	[sflag:s0] =	ssyncset.done @!p1 $0x0  }
0x360: {  	[sflag:s0] =	ssyncadd.s32 @!p1 $0xFFFFC000;
	p1 =	sgt.u32 s25, $0xC7;
	s0 =	simm.s32 $0xFFFF9B80  }
0x361: {  	s15 =	simm.s32 $0xE500;
	s2 =	sadd.s32 s28, s7;
	s0 =	simm.s32 @!p1 $0xFFFFFF80  }
0x362: {  	p1 =	sgt.u32 s4, $0xC7;
	v0 =	vld [tilespmem:s15+$0x0];
	s26 =	sadd.s32 s0, s2;
	s0 =	simm.s32 $0xFFFF9A80  }
0x363: {  	s0 =	simm.s32 @!p1 $0xFFFFFE80;
	v1 =	vld [tilespmem:s26+$0x0]  }
0x364: {  	s12 =	sadd.s32 $0x305, s22;
	v2 =	vld [tilespmem:s15+$0xFFFFFF00];
	s8 =	sadd.s32 s0, s2  }
0x365: {  	p1 =	sgt.u32 s12, $0xC7;
	s0 =	simm.s32 $0xFFFF9B00;
	v3 =	vld [tilespmem:s8+$0x0]  }
0x366: {  	s13 =	sadd.s32 $0x307, s22;
	s0 =	simm.s32 @!p1 $0xFFFFFF00  }
0x367: {  	s6 =	sadd.s32 $0xFFFF9C00, s2;
	v4 =	vld [tilespmem:s15+$0xFFFFFF80];
	p1 =	sgt.u32 s13, $0xC7;
	s14 =	sadd.s32 s0, s2  }
0x368: {  	s2 =	smov.u32 @p1 s6;
	v5 =	vld [tilespmem:s14+$0x0];
	v0 =	vadd.f32 v0, v1  }
0x369: {  	s0 =	simm.s32 $0x16500;
	v6 =	vld [tilespmem:s2+$0x0]  }
0x36a: {  	s18 =	simm.s32 $0xE700;
	v1 =	vld [tilespmem:s15+$0x80];
	[tilespmem:s0+$0x0] =	vst v0;
	v0 =	vadd.f32 v2, v3  }
0x36b: {  	v8 =	vld [tilespmem:s18+$0x0]  }
0x36c: {  	v2 =	vld [tilespmem:s26+$0x10];
	[tilespmem:s0+$0xFFFFFF00] =	vst v0  }
0x36d: {  	s17 =	sadd.s32 $0x0, s30;
	v0 =	vadd.f32 v4, v5;
	v4 =	vld [tilespmem:s8+$0x10]  }
0x36e: {  	s19 =	sadd.s32 $0x306, s17;
	v5 =	vld [tilespmem:s15+$0xFFFFFF10]  }
0x36f: {  	s4 =	simm.s32 $0xFFFF9B80;
	p1 =	sgt.u32 s19, $0xC7;
	s19 =	sadd.s32 $0x200, s28;
	v3 =	vld [tilespmem:s15+$0x10];
	v1 =	vadd.f32 v1, v6;
	[tilespmem:s0+$0xFFFFFF80] =	vst v0  }
0x370: {  	s16 =	sadd.s32 s19, s7;
	s4 =	simm.s32 @!p1 $0xFFFFFF80;
	v0 =	vld [tilespmem:s14+$0x10]  }
0x371: {  	s4 =	sadd.s32 s4, s16;
	[tilespmem:s0+$0x80] =	vst v1;
	v1 =	vld [tilespmem:s15+$0xFFFFFF90]  }
0x372: {  	v55 =	vld [tilespmem:s4+$0x0]  }
0x373: {  	v7 =	vld [tilespmem:s18+$0xFFFFFF00];
	v4 =	vadd.f32 v5, v4  }
0x374: {  	v10 =	vld [tilespmem:s18+$0xFFFFFF80]  }
0x375: {  	v2 =	vadd.f32 v3, v2;
	v3 =	vld [tilespmem:s2+$0x10];
	[tilespmem:s0+$0xFFFFFF10] =	vst v4  }
0x376: {  	v0 =	vadd.f32 v1, v0;
	v1 =	vld [tilespmem:s8+$0x20]  }
0x377: {  	s22 =	sadd.s32 $0x305, s17;
	v8 =	vadd.f32 v8, v55;
	v4 =	vld [tilespmem:s15+$0xFFFFFF20]  }
0x378: {  	s20 =	sadd.s32 $0x304, s17;
	s6 =	sadd.s32 $0x307, s17;
	s17 =	simm.s32 $0x16700;
	[tilespmem:s0+$0x10] =	vst v2;
	v2 =	vld [tilespmem:s15+$0x90]  }
0x379: {  	v11 =	vld [tilespmem:s18+$0x80];
	[tilespmem:s17+$0x0] =	vst v8  }
0x37a: {  	v57 =	vld [tilespmem:s4+$0x10]  }
0x37b: {  	v5 =	vld [tilespmem:s26+$0x20]  }
0x37c: {  	v6 =	vld [tilespmem:s15+$0x20];
	[tilespmem:s0+$0xFFFFFF90] =	vst v0;
	v1 =	vadd.f32 v4, v1  }
0x37d: {  	v0 =	vadd.f32 v2, v3;
	v2 =	vld [tilespmem:s14+$0x20]  }
0x37e: {  	v3 =	vld [tilespmem:s15+$0xFFFFFFA0];
	[tilespmem:s0+$0xFFFFFF20] =	vst v1  }
0x37f: {  	p1 =	sgt.u32 s20, $0xC7;
	v1 =	vld [tilespmem:s8+$0x30];
	s8 =	simm.s32 $0xFFFF9A80  }
0x380: {  	v13 =	vld [tilespmem:s18+$0x10];
	[tilespmem:s0+$0x90] =	vst v0;
	s8 =	simm.s32 @!p1 $0xFFFFFE80  }
0x381: {  	s13 =	simm.s32 $0xFFFF9B00;
	v5 =	vadd.f32 v6, v5;
	v0 =	vld [tilespmem:s2+$0x20];
	p1 =	sgt.u32 s22, $0xC7;
	s12 =	sadd.s32 s8, s16  }
0x382: {  	s13 =	simm.s32 @!p1 $0xFFFFFF00;
	v12 =	vld [tilespmem:s12+$0x0]  }
0x383: {  	[tilespmem:s0+$0x20] =	vst v5;
	v5 =	vld [tilespmem:s15+$0xA0];
	p1 =	sgt.u32 s6, $0xC7;
	s8 =	sadd.s32 $0xFFFF9C00, s16;
	s6 =	sadd.s32 s13, s16  }
0x384: {  	v2 =	vadd.f32 v3, v2;
	s16 =	smov.u32 @p1 s8;
	v3 =	vld [tilespmem:s6+$0x0]  }
0x385: {  	v56 =	vld [tilespmem:s16+$0x0]  }
0x386: {  	v4 =	vld [tilespmem:s26+$0x30]  }
0x387: {  	v6 =	vld [tilespmem:s15+$0x30];
	v7 =	vadd.f32 v7, v12  }
0x388: {  	[tilespmem:s0+$0xFFFFFFA0] =	vst v2;
	v2 =	vld [tilespmem:s15+$0xFFFFFF30]  }
0x389: {  	v8 =	vld [tilespmem:s14+$0x30];
	v3 =	vadd.f32 v10, v3;
	[tilespmem:s17+$0xFFFFFF00] =	vst v7  }
0x38a: {  	v9 =	vadd.f32 v11, v56;
	v58 =	vld [tilespmem:s12+$0x10]  }
0x38b: {  	[tilespmem:s17+$0xFFFFFF80] =	vst v3;
	v3 =	vld [tilespmem:s18+$0xFFFFFF10]  }
0x38c: {  	[tilespmem:s17+$0x80] =	vst v9;
	v59 =	vld [tilespmem:s6+$0x10]  }
0x38d: {  	v12 =	vadd.f32 v13, v57;
	v61 =	vld [tilespmem:s16+$0x10]  }
0x38e: {  	v0 =	vadd.f32 v5, v0;
	v5 =	vld [tilespmem:s18+$0x90]  }
0x38f: {  	[tilespmem:s17+$0x10] =	vst v12;
	v60 =	vld [tilespmem:s18+$0xFFFFFF90]  }
0x390: {  	v62 =	vld [tilespmem:s4+$0x20]  }
0x391: {  	[tilespmem:s0+$0xA0] =	vst v0;
	v12 =	vld [tilespmem:s18+$0x20];
	v3 =	vadd.f32 v3, v58  }
0x392: {  	v4 =	vadd.f32 v6, v4;
	v0 =	vld [tilespmem:s2+$0x30]  }
0x393: {  	v7 =	vld [tilespmem:s15+$0xFFFFFFB0];
	v5 =	vadd.f32 v5, v61;
	[tilespmem:s17+$0xFFFFFF10] =	vst v3  }
0x394: {  	[tilespmem:s0+$0x30] =	vst v4;
	v3 =	vadd.f32 v60, v59;
	v6 =	vld [tilespmem:s12+$0x20]  }
0x395: {  	v1 =	vadd.f32 v2, v1;
	v63 =	vld [tilespmem:s18+$0xFFFFFF20];
	[tilespmem:s17+$0x90] =	vst v5  }
0x396: {  	v4 =	vadd.f32 v12, v62;
	[tilespmem:s17+$0xFFFFFF90] =	vst v3;
	v2 =	vld [tilespmem:s16+$0x20]  }
0x397: {  	[tilespmem:s0+$0xFFFFFF30] =	vst v1;
	v3 =	vld [tilespmem:s6+$0x20]  }
0x398: {  	v1 =	vadd.f32 v7, v8;
	[tilespmem:s17+$0x20] =	vst v4;
	v5 =	vld [tilespmem:s18+$0xFFFFFFA0]  }
0x399: {  	s25 =	sshll.u32 s10, $0x7;
	v4 =	vld [tilespmem:s18+$0xA0];
	s26 =	rddreg [dreg:$0x3]  }
0x39a: {  	s13 =	simm.s32 $0xE700;
	s2 =	simm.s32 $0x4;
	[tilespmem:s0+$0xFFFFFFB0] =	vst v1;
	v1 =	vld [tilespmem:s4+$0x30];
	s10 =	sadd.s32 s26, s25;
	v6 =	vadd.f32 v63, v6  }
.LBB2_15:
0x39b: {  	s8 =	sadd.s32 s2, s30  }
0x39c: {  	v7 =	vld [tilespmem:s18+$0x30];
	s19 =	sadd.s32 $0x200, s19;
	s18 =	sadd.s32 $0x200, s18;
	s2 =	sadd.s32 $0x4, s2  }
0x39d: {  	s4 =	sadd.s32 $0x304, s8;
	s14 =	sadd.s32 $0x305, s8;
	s3 =	sadd.s32 $0x306, s8;
	[tilespmem:s17+$0xFFFFFF20] =	vst v6;
	v3 =	vadd.f32 v5, v3;
	v5 =	vld [tilespmem:s15+$0xB0]  }
0x39e: {  	s8 =	sadd.s32 $0x307, s8;
	p1 =	sgt.u32 s3, $0xC7;
	v6 =	vld [tilespmem:s12+$0x30];
	s12 =	simm.s32 $0xFFFF9B80  }
0x39f: {  	s3 =	sadd.s32 s19, s7;
	p2 =	sgt.u32 s4, $0xC7;
	v8 =	vld [tilespmem:s18+$0xFFFFFF00];
	s12 =	simm.s32 @!p1 $0xFFFFFF80;
	[tilespmem:s17+$0xFFFFFFA0] =	vst v3;
	v2 =	vadd.f32 v4, v2  }
0x3a0: {  	p1 =	slt.u32 s2, $0x7C;
	s4 =	sadd.s32 s12, s3;
	v3 =	vld [tilespmem:s18+$0x0];
	s12 =	simm.s32 $0xFFFF9A80  }
0x3a1: {  	s12 =	simm.s32 @!p2 $0xFFFFFE80;
	p2 =	sgt.u32 s14, $0xC7;
	v4 =	vld [tilespmem:s4+$0x0];
	v1 =	vadd.f32 v7, v1;
	[tilespmem:s17+$0xA0] =	vst v2;
	s14 =	simm.s32 $0xFFFF9B00  }
0x3a2: {  	s14 =	simm.s32 @!p2 $0xFFFFFF00;
	v2 =	vld [tilespmem:s18+$0xFFFFFF80];
	p2 =	sgt.u32 s8, $0xC7;
	s8 =	sadd.s32 $0xFFFF9C00, s3;
	v0 =	vadd.f32 v5, v0  }
0x3a3: {  	s12 =	sadd.s32 s12, s3;
	s14 =	sadd.s32 s14, s3;
	s3 =	smov.u32 @p2 s8;
	v5 =	vld [tilespmem:s18+$0x80];
	[tilespmem:s17+$0x30] =	vst v1  }
0x3a4: {  	s15 =	smov.u32 s13;
	s13 =	smov.u32 s18;
	v1 =	vld [tilespmem:s12+$0x0];
	[tilespmem:s0+$0xB0] =	vst v0;
	s0 =	smov.u32 s17  }
0x3a5: {  	v0 =	vld [tilespmem:s14+$0x0]  }
0x3a6: {  	v3 =	vadd.f32 v3, v4;
	v4 =	vld [tilespmem:s3+$0x0]  }
0x3a7: {  	s17 =	sadd.s32 $0x200, s17;
	v7 =	vld [tilespmem:s15+$0xFFFFFF30]  }
0x3a8: {  	[tilespmem:s17+$0x0] =	vst v3;
	v3 =	vld [tilespmem:s6+$0x30];
	s6 =	smov.u32 s14  }
0x3a9: {  	v1 =	vadd.f32 v8, v1;
	v8 =	vld [tilespmem:s4+$0x10]  }
0x3aa: {  	v0 =	vadd.f32 v2, v0;
	v2 =	vld [tilespmem:s18+$0x10]  }
0x3ab: {  	[tilespmem:s17+$0xFFFFFF00] =	vst v1;
	v1 =	vadd.f32 v5, v4;
	v4 =	vld [tilespmem:s15+$0xFFFFFFB0]  }
0x3ac: {  	v5 =	vld [tilespmem:s12+$0x10];
	[tilespmem:s17+$0xFFFFFF80] =	vst v0;
	v0 =	vadd.f32 v7, v6  }
0x3ad: {  	v6 =	vld [tilespmem:s18+$0xFFFFFF10];
	[tilespmem:s17+$0x80] =	vst v1  }
0x3ae: {  	v1 =	vld [tilespmem:s6+$0x10];
	[tilespmem:s0+$0xFFFFFF30] =	vst v0  }
0x3af: {  	v0 =	vld [tilespmem:s18+$0xFFFFFF90];
	v2 =	vadd.f32 v2, v8  }
0x3b0: {  	v7 =	vld [tilespmem:s3+$0x10];
	v3 =	vadd.f32 v4, v3  }
0x3b1: {  	[tilespmem:s17+$0x10] =	vst v2;
	v2 =	vld [tilespmem:s18+$0x90]  }
0x3b2: {  	v4 =	vadd.f32 v6, v5;
	v6 =	vld [tilespmem:s4+$0x20];
	[tilespmem:s0+$0xFFFFFFB0] =	vst v3  }
0x3b3: {  	v8 =	vld [tilespmem:s18+$0x20]  }
0x3b4: {  	[tilespmem:s17+$0xFFFFFF10] =	vst v4;
	v1 =	vadd.f32 v0, v1;
	v0 =	vld [tilespmem:s16+$0x30];
	s16 =	smov.u32 s3  }
0x3b5: {  	v9 =	vld [tilespmem:s12+$0x20]  }
0x3b6: {  	v10 =	vld [tilespmem:s18+$0xFFFFFF20];
	[tilespmem:s17+$0xFFFFFF90] =	vst v1;
	v1 =	vadd.f32 v2, v7  }
.Ltmp6:
0x3b7: {  	v3 =	vld [tilespmem:s6+$0x20];
	(pc) =	sbr.rel @p1 .LBB2_15-.Ltmp6, $4  }
0x3b8: {  	v5 =	vld [tilespmem:s18+$0xFFFFFFA0];
	v4 =	vadd.f32 v8, v6;
	[tilespmem:s17+$0x90] =	vst v1  }
0x3b9: {  	v2 =	vld [tilespmem:s16+$0x20]  }
0x3ba: {  	[tilespmem:s17+$0x20] =	vst v4;
	v4 =	vld [tilespmem:s18+$0xA0]  }
0x3bb: {  	v6 =	vadd.f32 v10, v9;
	v1 =	vld [tilespmem:s4+$0x30]  }
0x3bc: {  	v7 =	vld [tilespmem:s18+$0x30]  }
0x3bd: {  	[tilespmem:s17+$0xFFFFFF20] =	vst v6;
	v3 =	vadd.f32 v5, v3;
	v5 =	vld [tilespmem:s15+$0xB0]  }
0x3be: {  	v6 =	vld [tilespmem:s12+$0x30]  }
0x3bf: {  	[tilespmem:s17+$0xFFFFFFA0] =	vst v3;
	v2 =	vadd.f32 v4, v2;
	v3 =	vld [tilespmem:s13+$0xFFFFFF30]  }
0x3c0: {  	v4 =	vld [tilespmem:s6+$0x30]  }
0x3c1: {  	[tilespmem:s17+$0xA0] =	vst v2;
	v2 =	vld [tilespmem:s13+$0xFFFFFFB0]  }
0x3c2: {  	v8 =	vld [tilespmem:s16+$0x30]  }
0x3c3: {  	v9 =	vld [tilespmem:s13+$0xB0]  }
0x3c4: {  	v1 =	vadd.f32 v7, v1  }
0x3c5: {  	v0 =	vadd.f32 v5, v0  }
0x3c6: {  	[tilespmem:s17+$0x30] =	vst v1;
	v1 =	vadd.f32 v3, v6  }
0x3c7: {  	[tilespmem:s0+$0xB0] =	vst v0;
	v0 =	vadd.f32 v2, v4  }
0x3c8: {  	[tilespmem:s17+$0xFFFFFF30] =	vst v1;
	v1 =	vadd.f32 v9, v8  }
0x3c9: {  	[tilespmem:s17+$0xFFFFFFB0] =	vst v0  }
0x3ca: {  	[tilespmem:s17+$0xB0] =	vst v1  }
0x3cb: {  	s8 =	sshll.u32 s10, $0x4;
	s2 =	rddreg [dreg:$0x6]  }
0x3cc: {  	s10 =	simm.s32 $0x16400;
	s0 =	sadd.s32 s2, s8  }
0x3cd: {  	[hbm4b:s0+s5] =	stream.linear.scatter [tilespmem:s10], [sflag:$0x7], $0x4000, $0x38;
	[tilespmem:$0x1E800] =	vst v63  }
0x3ce: {  	s0 =	simm.s32 @p0 $0x7  }
0x3cf: {  	_ =	swait.ge @p0 [sflag:s0], $0x4000  }
0x3d0: {  	[sflag:s0] =	ssyncset.done @p0 $0x0  }
0x3d1: {  	[sflag:s0] =	ssyncadd.s32 @p0 $0xFFFFC000;
	s0 =	simm.s32 @p0 $0xB  }
0x3d2: {  	_ =	swait.ge @p0 [sflag:s0], $0x80  }
0x3d3: {  	s3 =	simm.s32 @p0 $0xE400;
	[sflag:s0] =	ssyncset.done @p0 $0x0  }
0x3d4: {  	s2 =	simm.s32 @p0 $0x1E500;
	[sflag:s0] =	ssyncadd.s32 @p0 $0xFFFFFF80;
	s0 =	simm.s32 @p0 $0x80  }
0x3d5: {  	[tilespmem:s3], [sflag:$0x3] =	stream.indirect.gather @p0 [hbm4b:s24+s0], $0x80, s2, s0, $0xb8;
	[tilespmem:$0x1E800] =	vst v63  }
0x3d6: {  	s0 =	simm.s32 @p0 $0x4  }
0x3d7: {  	_ =	swait.ge @p0 [sflag:s0], $0x4000  }
0x3d8: {  	s2 =	rddreg [dreg:$0x18]  }
0x3d9: {  	[sflag:s0] =	ssyncset.done @p0 $0x0;
	s2 =	sadd.s32 @p0 s11, s2  }
0x3da: {  	[sflag:s0] =	ssyncadd.s32 @p0 $0xFFFFC000;
	s0 =	sshrl.u32 @p0 s2, $0x3  }
0x3db: {  	s3 =	simm.s32 @p0 $0x1E780;
	s2 =	simm.s32 @p0 $0x0;
	s0 =	sadd.s32 @p0 s29, s0  }
0x3dc: {  	[tilespmem:s3], [sflag:$0x10] =	stream.linear.gather @p0 [hbm4b:s0+s2], $0x80, $0x38;
	[tilespmem:$0x1E800] =	vst v63  }
0x3dd: {  	s0 =	simm.s32 @!p0 $0x4  }
0x3de: {  	_ =	swait.ge @!p0 [sflag:s0], $0x4000  }
0x3df: {  	p1 =	slt.u32 s9, $0xC6;
	[sflag:s0] =	ssyncset.done @!p0 $0x0  }
0x3e0: {  	[sflag:s0] =	ssyncadd.s32 @!p0 $0xFFFFC000;
	s0 =	simm.s32 @!p1 $0x6  }
0x3e1: {  	_ =	swait.ge @!p1 [sflag:s0], $0x4000  }
0x3e2: {  	s12 =	sadd.s32 $0xFFFFFFFC, s21;
	s17 =	sld [smem:$0x7F7]  }
0x3e3: {  	s7 =	simm.s32 $0x12500;
	s13 =	sadd.s32 $0x386, s12;
	[sflag:s0] =	ssyncset.done @!p1 $0x0  }
0x3e4: {  	p0 =	sgt.u32 s13, $0xC7;
	[sflag:s0] =	ssyncadd.s32 @!p1 $0xFFFFC000;
	s0 =	simm.s32 $0xFFFF9B80  }
0x3e5: {  	s4 =	sadd.s32 $0x384, s12;
	s0 =	simm.s32 @!p0 $0xFFFFFF80;
	s2 =	sadd.s32 s17, s1  }
0x3e6: {  	p0 =	sgt.u32 s4, $0xC7;
	v0 =	vld [tilespmem:s7+$0x0];
	s14 =	sadd.s32 s0, s2;
	s0 =	simm.s32 $0xFFFF9A80  }
0x3e7: {  	s0 =	simm.s32 @!p0 $0xFFFFFE80;
	v1 =	vld [tilespmem:s14+$0x0]  }
0x3e8: {  	s15 =	sadd.s32 $0x385, s12;
	v2 =	vld [tilespmem:s7+$0xFFFFFF00];
	s8 =	sadd.s32 s0, s2  }
0x3e9: {  	p0 =	sgt.u32 s15, $0xC7;
	s0 =	simm.s32 $0xFFFF9B00;
	v3 =	vld [tilespmem:s8+$0x0]  }
0x3ea: {  	s16 =	sadd.s32 $0x387, s12;
	s11 =	simm.s32 $0x12700;
	v4 =	vld [tilespmem:s7+$0xFFFFFF80];
	s0 =	simm.s32 @!p0 $0xFFFFFF00  }
0x3eb: {  	v7 =	vld [tilespmem:s11+$0xFFFFFF00];
	s6 =	sadd.s32 $0xFFFF9C00, s2;
	p0 =	sgt.u32 s16, $0xC7;
	s18 =	sadd.s32 s0, s2  }
0x3ec: {  	s2 =	smov.u32 @p0 s6;
	v5 =	vld [tilespmem:s18+$0x0];
	v0 =	vadd.f32 v0, v1  }
0x3ed: {  	s0 =	simm.s32 $0x1A500;
	v6 =	vld [tilespmem:s2+$0x0]  }
0x3ee: {  	v1 =	vld [tilespmem:s7+$0x80];
	[tilespmem:s0+$0x0] =	vst v0;
	v0 =	vadd.f32 v2, v3  }
0x3ef: {  	v8 =	vld [tilespmem:s11+$0x0]  }
0x3f0: {  	v2 =	vld [tilespmem:s14+$0x10];
	[tilespmem:s0+$0xFFFFFF00] =	vst v0  }
0x3f1: {  	v0 =	vadd.f32 v4, v5;
	v4 =	vld [tilespmem:s8+$0x10]  }
0x3f2: {  	s19 =	sadd.s32 $0x0, s21;
	v5 =	vld [tilespmem:s7+$0xFFFFFF10]  }
0x3f3: {  	s20 =	sadd.s32 $0x386, s19;
	v3 =	vld [tilespmem:s7+$0x10];
	v1 =	vadd.f32 v1, v6;
	[tilespmem:s0+$0xFFFFFF80] =	vst v0  }
0x3f4: {  	s4 =	simm.s32 $0xFFFF9B80;
	s15 =	sadd.s32 $0x200, s17;
	p0 =	sgt.u32 s20, $0xC7;
	v0 =	vld [tilespmem:s18+$0x10]  }
0x3f5: {  	s10 =	sadd.s32 s15, s1;
	s4 =	simm.s32 @!p0 $0xFFFFFF80;
	[tilespmem:s0+$0x80] =	vst v1;
	v1 =	vld [tilespmem:s7+$0xFFFFFF90]  }
0x3f6: {  	v10 =	vld [tilespmem:s11+$0xFFFFFF80];
	s4 =	sadd.s32 s4, s10  }
0x3f7: {  	v55 =	vld [tilespmem:s4+$0x0];
	v4 =	vadd.f32 v5, v4  }
0x3f8: {  	v11 =	vld [tilespmem:s11+$0x80]  }
0x3f9: {  	v2 =	vadd.f32 v3, v2;
	v3 =	vld [tilespmem:s2+$0x10];
	[tilespmem:s0+$0xFFFFFF10] =	vst v4  }
0x3fa: {  	v0 =	vadd.f32 v1, v0;
	v1 =	vld [tilespmem:s8+$0x20]  }
0x3fb: {  	v4 =	vld [tilespmem:s7+$0xFFFFFF20]  }
0x3fc: {  	v8 =	vadd.f32 v8, v55;
	[tilespmem:s0+$0x10] =	vst v2;
	v2 =	vld [tilespmem:s7+$0x90]  }
0x3fd: {  	s16 =	simm.s32 $0x1A700;
	v5 =	vld [tilespmem:s14+$0x20]  }
0x3fe: {  	[tilespmem:s16+$0x0] =	vst v8;
	v6 =	vld [tilespmem:s7+$0x20]  }
0x3ff: {  	v57 =	vld [tilespmem:s4+$0x10]  }
0x400: {  	v13 =	vld [tilespmem:s11+$0x10];
	[tilespmem:s0+$0xFFFFFF90] =	vst v0;
	v1 =	vadd.f32 v4, v1  }
0x401: {  	v0 =	vadd.f32 v2, v3;
	v2 =	vld [tilespmem:s18+$0x20]  }
0x402: {  	s22 =	sadd.s32 $0x384, s19;
	v3 =	vld [tilespmem:s7+$0xFFFFFFA0];
	[tilespmem:s0+$0xFFFFFF20] =	vst v1  }
0x403: {  	p0 =	sgt.u32 s22, $0xC7;
	v5 =	vadd.f32 v6, v5;
	[tilespmem:s0+$0x90] =	vst v0;
	v1 =	vld [tilespmem:s8+$0x30];
	s8 =	simm.s32 $0xFFFF9A80  }
0x404: {  	s25 =	sadd.s32 $0x385, s19;
	v0 =	vld [tilespmem:s2+$0x20];
	s8 =	simm.s32 @!p0 $0xFFFFFE80  }
0x405: {  	s13 =	simm.s32 $0xFFFF9B00;
	[tilespmem:s0+$0x20] =	vst v5;
	v5 =	vld [tilespmem:s7+$0xA0];
	p0 =	sgt.u32 s25, $0xC7;
	s12 =	sadd.s32 s8, s10  }
0x406: {  	s6 =	sadd.s32 $0x387, s19;
	s13 =	simm.s32 @!p0 $0xFFFFFF00;
	v12 =	vld [tilespmem:s12+$0x0]  }
0x407: {  	v4 =	vld [tilespmem:s14+$0x30];
	p0 =	sgt.u32 s6, $0xC7;
	s6 =	sadd.s32 s13, s10  }
0x408: {  	v2 =	vadd.f32 v3, v2;
	v3 =	vld [tilespmem:s6+$0x0]  }
0x409: {  	v6 =	vld [tilespmem:s7+$0x30]  }
0x40a: {  	[tilespmem:s0+$0xFFFFFFA0] =	vst v2;
	v2 =	vld [tilespmem:s7+$0xFFFFFF30];
	s8 =	sadd.s32 $0xFFFF9C00, s10  }
0x40b: {  	v8 =	vld [tilespmem:s18+$0x30];
	s10 =	smov.u32 @p0 s8;
	v7 =	vadd.f32 v7, v12  }
0x40c: {  	v56 =	vld [tilespmem:s10+$0x0];
	v12 =	vadd.f32 v13, v57  }
0x40d: {  	v3 =	vadd.f32 v10, v3;
	[tilespmem:s16+$0xFFFFFF00] =	vst v7;
	v7 =	vld [tilespmem:s7+$0xFFFFFFB0]  }
0x40e: {  	[tilespmem:s16+$0x10] =	vst v12;
	v58 =	vld [tilespmem:s12+$0x10]  }
0x40f: {  	[tilespmem:s16+$0xFFFFFF80] =	vst v3;
	v3 =	vld [tilespmem:s11+$0xFFFFFF10]  }
0x410: {  	v62 =	vld [tilespmem:s4+$0x20]  }
0x411: {  	v9 =	vadd.f32 v11, v56;
	v12 =	vld [tilespmem:s11+$0x20]  }
0x412: {  	v0 =	vadd.f32 v5, v0;
	v59 =	vld [tilespmem:s6+$0x10]  }
0x413: {  	v4 =	vadd.f32 v6, v4;
	[tilespmem:s16+$0x80] =	vst v9;
	v60 =	vld [tilespmem:s11+$0xFFFFFF90]  }
0x414: {  	[tilespmem:s0+$0xA0] =	vst v0;
	v1 =	vadd.f32 v2, v1;
	v61 =	vld [tilespmem:s10+$0x10]  }
0x415: {  	[tilespmem:s0+$0x30] =	vst v4;
	v5 =	vld [tilespmem:s11+$0x90];
	v3 =	vadd.f32 v3, v58  }
0x416: {  	[tilespmem:s0+$0xFFFFFF30] =	vst v1;
	v1 =	vadd.f32 v7, v8  }
0x417: {  	v0 =	vld [tilespmem:s2+$0x30];
	v4 =	vadd.f32 v12, v62;
	[tilespmem:s16+$0xFFFFFF10] =	vst v3  }
0x418: {  	[tilespmem:s0+$0xFFFFFFB0] =	vst v1;
	v3 =	vadd.f32 v60, v59;
	v6 =	vld [tilespmem:s12+$0x20]  }
0x419: {  	[tilespmem:s16+$0x20] =	vst v4;
	v63 =	vld [tilespmem:s11+$0xFFFFFF20]  }
0x41a: {  	v5 =	vadd.f32 v5, v61;
	v1 =	vld [tilespmem:s4+$0x30];
	[tilespmem:s16+$0xFFFFFF90] =	vst v3  }
0x41b: {  	v3 =	vld [tilespmem:s6+$0x20]  }
0x41c: {  	[tilespmem:s16+$0x90] =	vst v5;
	v5 =	vld [tilespmem:s11+$0xFFFFFFA0]  }
0x41d: {  	s30 =	sshll.u32 s9, $0x7;
	v2 =	vld [tilespmem:s10+$0x20]  }
0x41e: {  	s9 =	sadd.s32 s26, s30;
	s13 =	simm.s32 $0x12700;
	s2 =	simm.s32 $0x4;
	v4 =	vld [tilespmem:s11+$0xA0];
	v6 =	vadd.f32 v63, v6  }
.LBB2_17:
0x41f: {  	s8 =	sadd.s32 s2, s21  }
0x420: {  	v7 =	vld [tilespmem:s11+$0x30];
	s15 =	sadd.s32 $0x200, s15;
	s11 =	sadd.s32 $0x200, s11;
	s2 =	sadd.s32 $0x4, s2  }
0x421: {  	s4 =	sadd.s32 $0x384, s8;
	s14 =	sadd.s32 $0x385, s8;
	s3 =	sadd.s32 $0x386, s8;
	[tilespmem:s16+$0xFFFFFF20] =	vst v6;
	v3 =	vadd.f32 v5, v3;
	v5 =	vld [tilespmem:s7+$0xB0]  }
0x422: {  	s7 =	simm.s32 $0xFFFF9B80;
	s8 =	sadd.s32 $0x387, s8;
	p0 =	sgt.u32 s3, $0xC7;
	v6 =	vld [tilespmem:s12+$0x30]  }
0x423: {  	s3 =	sadd.s32 s15, s1;
	p1 =	sgt.u32 s4, $0xC7;
	v8 =	vld [tilespmem:s11+$0xFFFFFF00];
	s7 =	simm.s32 @!p0 $0xFFFFFF80;
	[tilespmem:s16+$0xFFFFFFA0] =	vst v3;
	v2 =	vadd.f32 v4, v2  }
0x424: {  	p0 =	slt.u32 s2, $0x7C;
	s4 =	sadd.s32 s7, s3;
	v3 =	vld [tilespmem:s11+$0x0];
	s7 =	simm.s32 $0xFFFF9A80  }
0x425: {  	s7 =	simm.s32 @!p1 $0xFFFFFE80;
	p1 =	sgt.u32 s14, $0xC7;
	v4 =	vld [tilespmem:s4+$0x0];
	v1 =	vadd.f32 v7, v1;
	[tilespmem:s16+$0xA0] =	vst v2;
	s14 =	simm.s32 $0xFFFF9B00  }
0x426: {  	s14 =	simm.s32 @!p1 $0xFFFFFF00;
	v2 =	vld [tilespmem:s11+$0xFFFFFF80];
	p1 =	sgt.u32 s8, $0xC7;
	s8 =	sadd.s32 $0xFFFF9C00, s3;
	v0 =	vadd.f32 v5, v0  }
0x427: {  	s12 =	sadd.s32 s7, s3;
	s14 =	sadd.s32 s14, s3;
	s3 =	smov.u32 @p1 s8;
	v5 =	vld [tilespmem:s11+$0x80];
	[tilespmem:s16+$0x30] =	vst v1  }
0x428: {  	s7 =	smov.u32 s13;
	s13 =	smov.u32 s11;
	v1 =	vld [tilespmem:s12+$0x0];
	[tilespmem:s0+$0xB0] =	vst v0;
	s0 =	smov.u32 s16  }
0x429: {  	v0 =	vld [tilespmem:s14+$0x0]  }
0x42a: {  	v3 =	vadd.f32 v3, v4;
	v4 =	vld [tilespmem:s3+$0x0]  }
0x42b: {  	s16 =	sadd.s32 $0x200, s16;
	v7 =	vld [tilespmem:s7+$0xFFFFFF30]  }
0x42c: {  	[tilespmem:s16+$0x0] =	vst v3;
	v3 =	vld [tilespmem:s6+$0x30];
	s6 =	smov.u32 s14  }
0x42d: {  	v1 =	vadd.f32 v8, v1;
	v8 =	vld [tilespmem:s4+$0x10]  }
0x42e: {  	v0 =	vadd.f32 v2, v0;
	v2 =	vld [tilespmem:s11+$0x10]  }
0x42f: {  	[tilespmem:s16+$0xFFFFFF00] =	vst v1;
	v1 =	vadd.f32 v5, v4;
	v4 =	vld [tilespmem:s7+$0xFFFFFFB0]  }
0x430: {  	v5 =	vld [tilespmem:s12+$0x10];
	[tilespmem:s16+$0xFFFFFF80] =	vst v0;
	v0 =	vadd.f32 v7, v6  }
0x431: {  	v6 =	vld [tilespmem:s11+$0xFFFFFF10];
	[tilespmem:s16+$0x80] =	vst v1  }
0x432: {  	v1 =	vld [tilespmem:s6+$0x10];
	[tilespmem:s0+$0xFFFFFF30] =	vst v0  }
0x433: {  	v0 =	vld [tilespmem:s11+$0xFFFFFF90];
	v2 =	vadd.f32 v2, v8  }
0x434: {  	v7 =	vld [tilespmem:s3+$0x10];
	v3 =	vadd.f32 v4, v3  }
0x435: {  	[tilespmem:s16+$0x10] =	vst v2;
	v2 =	vld [tilespmem:s11+$0x90]  }
0x436: {  	v4 =	vadd.f32 v6, v5;
	v6 =	vld [tilespmem:s4+$0x20];
	[tilespmem:s0+$0xFFFFFFB0] =	vst v3  }
0x437: {  	v8 =	vld [tilespmem:s11+$0x20]  }
0x438: {  	[tilespmem:s16+$0xFFFFFF10] =	vst v4;
	v1 =	vadd.f32 v0, v1;
	v0 =	vld [tilespmem:s10+$0x30];
	s10 =	smov.u32 s3  }
0x439: {  	v9 =	vld [tilespmem:s12+$0x20]  }
0x43a: {  	v10 =	vld [tilespmem:s11+$0xFFFFFF20];
	[tilespmem:s16+$0xFFFFFF90] =	vst v1;
	v1 =	vadd.f32 v2, v7  }
.Ltmp7:
0x43b: {  	v3 =	vld [tilespmem:s6+$0x20];
	(pc) =	sbr.rel @p0 .LBB2_17-.Ltmp7, $4  }
0x43c: {  	v5 =	vld [tilespmem:s11+$0xFFFFFFA0];
	v4 =	vadd.f32 v8, v6;
	[tilespmem:s16+$0x90] =	vst v1  }
0x43d: {  	v2 =	vld [tilespmem:s10+$0x20]  }
0x43e: {  	[tilespmem:s16+$0x20] =	vst v4;
	v4 =	vld [tilespmem:s11+$0xA0]  }
0x43f: {  	v6 =	vadd.f32 v10, v9;
	v1 =	vld [tilespmem:s4+$0x30]  }
0x440: {  	v7 =	vld [tilespmem:s11+$0x30]  }
0x441: {  	v57 =	vld [tilespmem:s7+$0xB0];
	[tilespmem:s16+$0xFFFFFF20] =	vst v6;
	v3 =	vadd.f32 v5, v3  }
0x442: {  	v6 =	vld [tilespmem:s12+$0x30]  }
0x443: {  	v58 =	vld [tilespmem:s13+$0xFFFFFF30];
	[tilespmem:s16+$0xFFFFFFA0] =	vst v3;
	v2 =	vadd.f32 v4, v2  }
0x444: {  	v59 =	vld [tilespmem:s6+$0x30]  }
0x445: {  	v60 =	vld [tilespmem:s13+$0xFFFFFFB0];
	[tilespmem:s16+$0xA0] =	vst v2  }
0x446: {  	v8 =	vld [tilespmem:s10+$0x30]  }
0x447: {  	v9 =	vld [tilespmem:s13+$0xB0]  }
0x448: {  	v1 =	vadd.f32 v7, v1  }
0x449: {  	v0 =	vadd.f32 v57, v0  }
0x44a: {  	[tilespmem:s16+$0x30] =	vst v1;
	v61 =	vadd.f32 v58, v6  }
0x44b: {  	[tilespmem:s0+$0xB0] =	vst v0;
	v62 =	vadd.f32 v60, v59  }
0x44c: {  	[tilespmem:s16+$0xFFFFFF30] =	vst v61;
	v63 =	vadd.f32 v9, v8  }
0x44d: {  	[tilespmem:s16+$0xFFFFFFB0] =	vst v62  }
0x44e: {  	s31 =	sadd.s32 $0x1, s31;
	[tilespmem:s16+$0xB0] =	vst v63  }
0x44f: {  	s22 =	sshll.u32 s9, $0x4;
	p0 =	sne.s32 s31, $0x19;
	s1 =	rddreg [dreg:$0x6]  }
.Ltmp8:
0x450: {  	s25 =	simm.s32 $0x1A400;
	s14 =	sld [smem:$0x7F9];
	(pc) =	sbr.rel @p0 .LBB2_2-.Ltmp8, $4  }
0x451: {  	s23 =	sadd.s32 $0x400, s23;
	s28 =	sadd.s32 $0x20000, s28;
	s30 =	sld [smem:$0x7F8]  }
0x452: {  	s17 =	sadd.s32 $0x20000, s17;
	s8 =	smov.u32 s24;
	s0 =	sadd.s32 s1, s22  }
0x453: {  	[hbm4b:s0+s5] =	stream.linear.scatter [tilespmem:s25], [sflag:$0x8], $0x4000, $0x38;
	[tilespmem:$0x1E800] =	vst v63  }
0x454: {  	s24 =	simm.s32 $0x80;
	s14 =	sadd.s32 $0x400, s14;
	s13 =	sadd.s32 $0x400, s30  }
0x455: {  	s0 =	simm.s32 $0x7  }
0x456: {  	_ =	swait.ge [sflag:s0], $0x4000  }
0x457: {  	[sflag:s0] =	ssyncset.done $0x0  }
0x458: {  	s1 =	simm.s32 $0x8;
	[sflag:s0] =	ssyncadd.s32 $0xFFFFC000  }
0x459: {  	_ =	swait.ge [sflag:s1], $0x4000  }
0x45a: {  	s2 =	sld [smem:$0x7FB];
	_ =	sdelay $0x2  }
0x45b: {  	s31 =	rddreg [dreg:$0x17];
	s2 =	sadd.s32 $0x1, s2  }
0x45c: {  	p0 =	sne.s32 s2, s31  }
.Ltmp9:
0x45d: {  	_ = 	snop;
	(pc) =	sbr.rel @p0 .LBB2_1-.Ltmp9, $3  }
0x45e: {  	_ =	sdelay $0x1  }
0x45f: {  	[sflag:s1] =	ssyncset.done $0x0  }
0x460: {  	[sflag:s1] =	ssyncadd.s32 $0xFFFFC000  }
0x461: {  	_ =	sfence.sel $0x180000  }
0x462: {  	[bflag:$0x0] =	sbarrier.arrive $0xFFFF  }
0x463: {  	_ =	strace $0x90000047  }
0x464: {  	s0 =	stileid.u32;
	[bflag:$0x2] =	sbarrier.arrive $0xFFFF  }
0x465: {  	p0 =	sne.s32 s0, $0x0;
	s0 =	rddreg [dreg:$0x2]  }
0x466: {  	s0 =	sadd.s32 @!p0 $0x100000, s0  }
0x467: {  	[sflag:s0] =	ssyncadd.tile.s32 @!p0 $0x1;
	_ =	shalt  }
.Lfunc_end2:
_tile_overlayer_lowered:
.L_overlay_start_2:
0x468: {  	(tag) =	ssettag $0x2  }
0x469: {  	s0 =	rddreg [dreg:$0x0];
	s2 =	stileid.u32  }
0x46a: {  	s1 =	rddreg [dreg:$0x1];
	p0 =	sne.s32 s2, $0x0  }
0x46b: {  	s3 =	rddreg [dreg:$0x2];
	[bflag:$0x3] =	sbarrier.arrive $0xFFFF;
	s2 =	simm.s32 @!p0 $0x1C11  }
0x46c: {  	[timem:s3], [sflag:s2] =	dma.local @!p0 [hbm:s0], s1  }
0x46d: {  	s0 =	simm.s32 @!p0 $0x11  }
0x46e: {  	_ =	swait.ge @!p0 [sflag:s0], s1  }
0x46f: {  	s1 =	ssub.s32 @!p0 $0x0, s1;
	[sflag:s0] =	ssyncset.done @!p0 $0x0  }
0x470: {  	[sflag:s0] =	ssyncadd.s32 @!p0 s1  }
0x471: {  	[bflag:$0x3] =	sbarrier.arrive $0xFFFF  }
0x472: {  	_ =	shalt  }

// kernel: sparse-core-data-format-call.cloned.1.call-start
scs
called_computation_lowered:
.L_overlay_start_0:
0x0: {  	s2 =	sld [smem:$0x3FD9]  }
0x1: {  	s3 =	sld [smem:$0x3FFE];
	_ =	sdelay $0x1  }
0x2: {  	s1 =	srdreg.scid  }
0x3: {  	s0 =	sand.u32 $0x1, s1  }
0x4: {  	s18 =	sshll.u32 s0, $0xA;
	s2 =	sadd.s32 s3, s2  }
0x5: {  	s2 =	sadd.s32 s2, s18  }
0x6: {  	[smem:$0x3FC5] =	sst s2  }
0x7: {  	_ = 	snop  }
0x8: {  	s2 =	sld [smem:$0x3FD0];
	(tm) =	ssettm $0x1  }
0x9: {  	s19 =	sld [smem:$0x3FFB];
	_ =	sdelay $0x3  }
0xa: {  	_ =	strace s19  }
0xb: {  	s3 =	sld [smem:$0x3FFC];
	_ =	sdelay $0x3  }
0xc: {  	_ =	strace s3  }
0xd: {  	s3 =	sld [smem:$0x3FFD];
	_ =	sdelay $0x3  }
0xe: {  	_ =	strace s3  }
0xf: {  	_ =	strace $0x8FFFFFFF  }
0x10: {  	s20 =	sld [smem:$0x3FDB];
	_ =	sdelay $0x1  }
0x11: {  	s4 =	simm.s32 $_scs_section_size  }
0x12: {  	s5 =	simm.s32 $_size__tile_overlayer_lowered;
	s6 =	simm.s32 $_tile_overlayer_lowered  }
0x13: {  	s23 =	simm.s32 $0x1BFF;
	s22 =	sshll.u32 s6, $0x1;
	s3 =	sadd.s32 s4, s20  }
0x14: {  	s7 =	simm.s32 $0x0;
	s21 =	sshll.u32 s5, $0x1;
	s5 =	sadd.s32 s22, s3  }
0x15: {  	[timem:s7], [sflag:s23] =	dma.local [hbm:s5], s21  }
0x16: {  	_ =	swait.ge [sflag:s23], s21  }
0x17: {  	s4 =	ssub.s32 $0x0, s21;
	[sflag:s23] =	ssyncset.done $0x0  }
0x18: {  	[sflag:s23] =	ssyncadd.s32 s4;
	_ =	sdelay $0x1  }
0x19: {  	s24 =	simm.s32 $0x1B8B  }
0x1a: {  	_ =	swait.ge [sflag:s24], $0x1  }
0x1b: {  	[sflag:s24] =	ssyncset.done $0x0  }
0x1c: {  	s26 =	simm.s32 $0x1B8E;
	s25 =	sld [smem:$0x3FFE];
	[sflag:s24] =	ssyncadd.s32 $0xFFFFFFFF  }
0x1d: {  	s27 =	simm.s32 $execute0_lowered;
	[smem:$0x3FD2] =	sst s26  }
0x1e: {  	s5 =	sshll.u32 s27, $0x1;
	_ =	strace $0x80000049;
	[dreg:$0x1] =	wrdreg $0xFFFFFFFF  }
0x1f: {  	s28 =	simm.s32 $_size_execute0_lowered;
	s3 =	sadd.s32 s3, s5;
	[dreg:$0x0] =	wrdreg $0x0  }
0x20: {  	s5 =	sshll.u32 s28, $0x1;
	[dreg:$0x2] =	wrdreg s3  }
0x21: {  	[dreg:$0x3] =	wrdreg s5  }
0x22: {  	[dreg:$0x4] =	wrdreg $0xC0  }
0x23: {  	_ =	task [dreg:s7], $0x5FFFF  }
0x24: {  	[dreg:$0x1] =	wrdreg $0xFFFFFFFF  }
0x25: {  	[dreg:$0x0] =	wrdreg $0x60  }
0x26: {  	[dreg:$0x2] =	wrdreg s25  }
0x27: {  	[dreg:$0x3] =	wrdreg s2  }
0x28: {  	[dreg:$0x4] =	wrdreg $0x9  }
0x29: {  	_ =	task.clear_ibuf [dreg:s7], $0x5FFFF;
	_ =	strace $0x90000049  }
0x2a: {  	s29 =	simm.s32 $0x9;
	_ =	strace $0x8000004B  }
0x2b: {  	_ =	swait.ge [sflag:s29], $0x1  }
0x2c: {  	[sflag:s29] =	ssyncadd.s32 $0xFFFFFFFF  }
0x2d: {  	_ =	strace $0x9000004B  }
0x2e: {  	_ =	sfence  }
0x2f: {  	s30 =	sld [smem:$0x0];
	_ =	sdelay $0x2  }
0x30: {  	s31 =	sshll.u32 s1, $0xD;
	s1 =	sshrl.u32 s1, $0x2  }
0x31: {  	s3 =	sand.u32 $0x4000, s31;
	s1 =	sadd.s32 s1, s30  }
0x32: {  	s0 =	sor.u32 s3, s0;
	s1 =	sshll.u32 s1, $0x11  }
0x33: {  	s0 =	sor.u32 s1, s0  }
0x34: {  	s0 =	sadd.s32 $0x8F2B, s0  }
0x35: {  	[sflag:s0] =	ssyncadd.remote.s32 $0x1  }
0x36: {  	_ =	sfence.sel $0xFFFF  }
0x37: {  	[dreg:$0x0] =	wrdreg $0xFFFFFFFF;
	(pc) =	sbr.abs _section_cstart, $3  }
0x38: {  	[dreg:$0x1] =	wrdreg $0xFFFFFFFF  }
0x39: {  	_ =	task.clear_ibuf [dreg:s7], $0x2FFFF;
	_ =	strace $0x9FFFFFFF  }
0x3a: {  	(tm) =	ssettm $0x7FFFFFFF  }
0x3b: {  	_ =	shalt  }
tec
execute0_lowered:
.L_overlay_start_1:
0x0: {  	(tag) =	ssettag $0x1  }
0x1: {  	s0 =	srdreg.scid  }
0x2: {  	s1 =	sshll.u32 s0, $0x4  }
0x3: {  	s0 =	stileid.u32;
	s1 =	sand.u32 $0x10, s1  }
0x4: {  	s1 =	sor.u32 s0, s1  }
0x5: {  	s6 =	rddreg [dreg:$0x0];
	s4 =	simm.s32 $0x1;
	s2 =	sshll.u32 s1, $0x7  }
0x6: {  	s7 =	simm.s32 $0x2;
	s12 =	simm.s32 $0x0;
	s1 =	ssub.s32 $0x1000, s2  }
0x7: {  	s8 =	simm.s32 $0x8000;
	s13 =	simm.s32 $0x0;
	s3 =	sand.u32 $0xF80, s1  }
0x8: {  	s9 =	simm.s32 $0x0;
	s5 =	sshrl.u32 s1, $0xC;
	p0 =	sne.s32 s3, $0x0  }
.Ltmp0:
0x9: {  	s1 =	rddreg [dreg:$0x2];
	s4 =	simm.s32 @!p0 $0x0;
	(pc) =	sbr.rel .LBB1_1-.Ltmp0, $4  }
0xa: {  	s11 =	simm.s32 $0x0;
	s3 =	rddreg [dreg:$0x1];
	s5 =	sadd.s32 s4, s5  }
0xb: {  	_ =	strace $0x8000004A;
	s4 =	simm.s32 $0x1;
	s5 =	smul.u32 $0xC8, s5  }
0xc: {  	s6 =	sadd.s32 $0xF43C00, s6;
	s10 =	smov.u32 s2;
	[sflag:s4] =	ssyncpa.u1 $0x0  }
0xd: {  	p0 =	por $0x0, $0x0;
	[sflag:s7] =	ssyncpa.u1 $0x0;
	s7 =	sor.u32 $0x1, s5  }
.LBB1_4:
0xe: {  	s16 =	sshll.u32 s13, $0x3;
	s17 =	sand.u32 $0x78, s13  }
0xf: {  	s30 =	sand.u32 $0x7E00, s13;
	s12 =	sshll.u32 s12, $0xF;
	s16 =	sand.u32 $0xC00, s16  }
0x10: {  	[tilespmem:s15+$0x810 ss:$0x81] =	vst.msk $0xffff, v2;
	s31 =	sand.u32 $0x7, s13;
	s16 =	sor.u32 s17, s16;
	s17 =	sadd.s32 s3, s30  }
0x11: {  	[tilespmem:s15+$0x1020 ss:$0x81] =	vst.msk $0xffff, v0;
	s13 =	sshll.u32 s31, $0x12;
	s12 =	sadd.s32 s12, s17;
	s16 =	sshrl.u32 s16, $0x3  }
0x12: {  	[tilespmem:s15+$0x0 ss:$0x81] =	vst.msk $0xffff, v1;
	s13 =	sor.u32 $0x400, s13;
	s12 =	sadd.s32 s16, s12  }
0x13: {  	[hbm4b:s12+s13] =	stream.strided.scatter [tilespmem:s14], [sflag:$0x2], $0x2000, s8, s13, $0x20;
	[tilespmem:$0x8080] =	vst v63  }
.LBB1_5:
0x14: {  	s14 =	sadd.s32 $0x1, s9  }
0x15: {  	s12 =	sadd.s32 $0x1000, s10;
	s16 =	smov.u32 s10;
	p2 =	sgt.s32 s14, $0xC7  }
0x16: {  	s16 =	smov.u32 @p2 s12  }
0x17: {  	s14 =	simm.s32 @p2 $0x0;
	p2 =	sgt.s32 s16, $0xFFF  }
0x18: {  	s16 =	smov.u32 @p2 s2;
	p2 =	sne.s32 s11, s7  }
.Ltmp1:
0x19: {  	p1 =	slt.u32 s11, $0x2;
	(pc) =	sbr.rel @!p2 .LBB1_6-.Ltmp1, $4  }
0x1a: {  	s15 =	simm.s32 @!p1 $0x2  }
0x1b: {  	s13 =	smov.u32 s10;
	p0 =	por !p0, !p0;
	_ =	swait.ge @!p1 [sflag:s15], $0x2000  }
0x1c: {  	s12 =	smov.u32 s9;
	[sflag:s15] =	ssyncset.done @!p1 $0x0;
	s9 =	smov.u32 s14  }
0x1d: {  	s11 =	sadd.s32 $0x1, s11;
	[sflag:s15] =	ssyncadd.s32 @!p1 $0xFFFFE000;
	s10 =	smov.u32 s16  }
.LBB1_1:
0x1e: {  	p1 =	sge.u32 s11, s5  }
0x1f: {  	s14 =	sand.u32 @!p1 $0x1FFFFFF, s9  }
0x20: {  	s15 =	smulhi.u32 @!p1 $0x147AE15, s14;
	_ =	sdelay $0x1  }
0x21: {  	s15 =	smul.u32 @!p1 $0xC8, s15  }
0x22: {  	s16 =	sxor.u32 @!p1 $0xFFFFFFFF, s11;
	s17 =	smul.u32 @!p1 $0xC80, s10  }
0x23: {  	s31 =	sadd.s32 $0xFFFFFFFF, s11;
	s16 =	sshll.u32 @!p1 s16, $0xD;
	s14 =	ssub.s32 @!p1 s14, s15  }
0x24: {  	s15 =	sand.u32 @!p1 $0x2000, s16;
	s16 =	sadd.s32 @!p1 s6, s17;
	s14 =	sshll.u32 @!p1 s14, $0x4  }
0x25: {  	s17 =	simm.s32 @!p1 $0x6400;
	s14 =	sadd.s32 @!p1 s14, s16;
	s16 =	simm.s32 @!p1 $0x40  }
0x26: {  	[tilespmem:s15], [sflag:$0x1] =	stream.strided.gather @!p1 [hbm4b:s14+s16], $0x2000, s17, s16, $0x38;
	[tilespmem:$0x8080] =	vst v63  }
0x27: {  	p1 =	sge.u32 s31, s5  }
.Ltmp2:
0x28: {  	_ = 	snop;
	(pc) =	sbr.rel @p1 .LBB1_5-.Ltmp2, $1  }
0x29: {  	_ =	sdelay $0x3  }
0x2a: {  	s14 =	simm.s32 $0x1  }
0x2b: {  	_ =	swait.ge [sflag:s4], $0x2000;
	s14 =	simm.s32 @!p0 $0x0  }
0x2c: {  	[sflag:s4] =	ssyncset.done $0x0;
	s15 =	sshll.u32 s14, $0xD  }
0x2d: {  	[sflag:s4] =	ssyncadd.s32 $0xFFFFE000;
	s18 =	sor.u32 $0x20, s15  }
0x2e: {  	s14 =	smul.u32 $0x8100, s14;
	v3 =	vld [tilespmem:s18+$0x10]  }
0x2f: {  	s30 =	sand.u32 $0x1, s11;
	v2 =	vld [tilespmem:s18+$0xFFFFFFF0]  }
0x30: {  	s15 =	smul.u32 $0x8100, s30;
	s14 =	sshrl.u32 s14, $0x2;
	v0 =	vld [tilespmem:s18+$0x0]  }
0x31: {  	v1 =	vld [tilespmem:s18+$0xFFFFFFE0];
	s16 =	sor.u32 $0x4000, s14  }
0x32: {  	s31 =	sshrl.u32 s15, $0x2;
	s15 =	sadd.s32 $0x0, s16  }
0x33: {  	s17 =	simm.s32 $0x4;
	s18 =	sadd.s32 $0x40, s18;
	s14 =	sor.u32 $0x4000, s31;
	[tilespmem:s15+$0x1830 ss:$0x81] =	vst.msk $0xffff, v3  }
.LBB1_3:
0x34: {  	v3 =	vld [tilespmem:s18+$0x10];
	p1 =	sne.s32 s17, $0x1FC;
	[tilespmem:s15+$0x810 ss:$0x81] =	vst.msk $0xffff, v2;
	s19 =	smov.u32 s17;
	s17 =	sadd.s32 $0x4, s17  }
.Ltmp3:
0x35: {  	v2 =	vld [tilespmem:s18+$0xFFFFFFF0];
	[tilespmem:s15+$0x1020 ss:$0x81] =	vst.msk $0xffff, v0;
	(pc) =	sbr.rel @p1 .LBB1_3-.Ltmp3, $4  }
0x36: {  	v0 =	vld [tilespmem:s18+$0x0];
	[tilespmem:s15+$0x0 ss:$0x81] =	vst.msk $0xffff, v1  }
0x37: {  	s15 =	sshra.s32 s19, $0x2;
	v1 =	vld [tilespmem:s18+$0xFFFFFFE0]  }
0x38: {  	s15 =	sadd.s32 s15, s16  }
0x39: {  	s18 =	sadd.s32 $0x40, s18;
	[tilespmem:s15+$0x1830 ss:$0x81] =	vst.msk $0xffff, v3  }
.Ltmp4:
0x3a: {  	_ = 	snop;
	(pc) =	sbr.rel .LBB1_4-.Ltmp4, $1  }
0x3b: {  	_ =	sdelay $0x3  }
.LBB1_6:
0x3c: {  	_ =	sfence.sel $0x180000  }
0x3d: {  	s2 =	simm.s32 $0x1;
	[bflag:$0x0] =	sbarrier.arrive $0xFFFF  }
0x3e: {  	s31 =	simm.s32 $0x2;
	[sflag:s2] =	ssyncpa.u1 $0x1  }
0x3f: {  	[sflag:s31] =	ssyncpa.u1 $0x1  }
0x40: {  	p0 =	sne.s32 s0, $0x0;
	_ =	strace $0x9000004A  }
0x41: {  	s0 =	sadd.s32 @!p0 $0x100000, s1;
	[bflag:$0x2] =	sbarrier.arrive $0xFFFF  }
0x42: {  	[sflag:s0] =	ssyncadd.tile.s32 @!p0 $0x1;
	_ =	shalt  }
.Lfunc_end1:
_tile_overlayer_lowered:
.L_overlay_start_2:
0x43: {  	(tag) =	ssettag $0x2  }
0x44: {  	s0 =	rddreg [dreg:$0x0];
	s2 =	stileid.u32  }
0x45: {  	s1 =	rddreg [dreg:$0x1];
	p0 =	sne.s32 s2, $0x0  }
0x46: {  	s3 =	rddreg [dreg:$0x2];
	[bflag:$0x3] =	sbarrier.arrive $0xFFFF;
	s2 =	simm.s32 @!p0 $0x1C01  }
0x47: {  	[timem:s3], [sflag:s2] =	dma.local @!p0 [hbm:s0], s1  }
0x48: {  	s0 =	simm.s32 @!p0 $0x1  }
0x49: {  	_ =	swait.ge @!p0 [sflag:s0], s1  }
0x4a: {  	s1 =	ssub.s32 @!p0 $0x0, s1;
	[sflag:s0] =	ssyncset.done @!p0 $0x0  }
0x4b: {  	[sflag:s0] =	ssyncadd.s32 @!p0 s1  }
0x4c: {  	[bflag:$0x3] =	sbarrier.arrive $0xFFFF  }
0x4d: {  	_ =	shalt  }

</sc_bundles>
